<compile_context>
chip_gen: v7x
topology: tpu7x:2x2x1
jax: 0.10.2.dev20260603
libtpu: 0.0.44.dev20260713+nightly
codegen_flags: <defaults>
</compile_context>

<pallas_src>
import dataclasses
import functools

import jax
import jax.numpy as jnp
from jax import lax
from jax.experimental import pallas as pl
from jax.experimental.pallas import tpu as pltpu
from jax.experimental.pallas import tpu_sc as plsc

NC = 2
NS = 16
NW = NC * NS
LANES = 16


def _sc_compiler_params():
    cp = pltpu.CompilerParams()
    fields = pltpu.CompilerParams.__dataclass_fields__
    if "needs_layout_passes" in fields:
        cp = dataclasses.replace(cp, needs_layout_passes=False)
    if "use_tc_tiling_on_sc" in fields:
        cp = dataclasses.replace(cp, use_tc_tiling_on_sc=False)
    return cp



def _sc_degree_hist(edge_index, n_nodes):
    e_total = edge_index.shape[1]
    epw = e_total // NW
    mesh = plsc.VectorSubcoreMesh(core_axis_name="c", subcore_axis_name="s")

    @functools.partial(
        pl.kernel,
        out_type=jax.ShapeDtypeStruct((NW, n_nodes), jnp.float32),
        mesh=mesh,
        compiler_params=_sc_compiler_params(),
        scratch_types=[
            pltpu.VMEM((epw,), jnp.int32),
            pltpu.VMEM((n_nodes,), jnp.float32),
            pltpu.SemaphoreType.DMA,
        ],
    )
    def hist_kernel(e_hbm, out_hbm, idx_v, hist_v, sem):
        cid = lax.axis_index("c")
        sid = lax.axis_index("s")
        wid = sid * NC + cid

        zeros = jnp.zeros((LANES,), jnp.float32)

        @pl.loop(0, n_nodes // LANES)
        def _(i):
            hist_v[pl.ds(i * LANES, LANES)] = zeros

        pltpu.async_copy(e_hbm.at[1, pl.ds(wid * epw, epw)], idx_v, sem).wait()

        ones = jnp.ones((LANES,), jnp.float32)

        @pl.loop(0, epw // LANES)
        def _(i):
            idx = idx_v[pl.ds(i * LANES, LANES)]
            plsc.addupdate_scatter(hist_v, [idx], ones)

        pltpu.async_copy(hist_v, out_hbm.at[wid], sem).wait()

    return hist_kernel(edge_index)


_NBUF = 12
_LOOK = 6


def _sc_edge_pass(g, edge_index, zeros_rows, n, chunks, k):
    mesh = plsc.VectorSubcoreMesh(core_axis_name="c", subcore_axis_name="s")
    rps = n // NS
    epw = chunks * k

    @functools.partial(
        pl.kernel,
        out_type=jax.ShapeDtypeStruct((NC, n, LANES), jnp.float32),
        mesh=mesh,
        compiler_params=_sc_compiler_params(),
        scratch_types=[
            pltpu.VMEM((epw,), jnp.int32),
            pltpu.VMEM((chunks, k), jnp.int32),
            pltpu.VMEM_SHARED((n, LANES), jnp.float32),
        ] + [pltpu.VMEM((k, LANES), jnp.float32)] * _NBUF
          + [pltpu.SemaphoreType.DMA] * (2 * _NBUF),
    )
    def edge_kernel(g_hbm, e_hbm, z_hbm, out_hbm,
                    sidx_v, didx_v, acc_sh, *bufs_and_sems):
        rows = bufs_and_sems[:_NBUF]
        gsem = bufs_and_sems[_NBUF:2 * _NBUF]
        ssem = bufs_and_sems[2 * _NBUF:]
        cid = lax.axis_index("c")
        sid = lax.axis_index("s")
        wid = sid * NC + cid

        def issue_gather(j, b):
            pltpu.async_copy(g_hbm.at[sidx_v.at[pl.ds(j * k, k)]], rows[b],
                             gsem[b])

        def wait_gather(b):
            pltpu.make_async_copy(g_hbm.at[sidx_v.at[pl.ds(0, k)]], rows[b],
                                  gsem[b]).wait()

        def issue_scatter(j, b):
            pltpu.async_copy(rows[b], acc_sh.at[didx_v.at[j]], ssem[b],
                             add=True)

        def wait_scatter(b):
            pltpu.make_async_copy(rows[b], acc_sh.at[didx_v.at[0]],
                                  ssem[b]).wait()

        pltpu.async_copy(
            z_hbm, acc_sh.at[pl.ds(sid * rps, rps)], gsem[0])
        pltpu.async_copy(e_hbm.at[0, pl.ds(wid * epw, epw)], sidx_v, gsem[1])

        @pl.loop(0, chunks)
        def _(j):
            pltpu.async_copy(e_hbm.at[1, pl.ds(wid * epw + j * k, k)],
                             didx_v.at[j], ssem[0])

        pltpu.make_async_copy(
            z_hbm, acc_sh.at[pl.ds(sid * rps, rps)], gsem[0]).wait()
        pltpu.make_async_copy(
            e_hbm.at[0, pl.ds(wid * epw, epw)], sidx_v, gsem[1]).wait()

        @pl.loop(0, chunks)
        def _(j):
            pltpu.make_async_copy(e_hbm.at[1, pl.ds(0, k)],
                                  didx_v.at[0], ssem[0]).wait()

        plsc.subcore_barrier()

        for r in range(_LOOK):
            issue_gather(r, r)

        @pl.loop(0, (chunks + _NBUF - 1) // _NBUF)
        def _(q):
            for r in range(_NBUF):
                j = q * _NBUF + r
                bg = (r + _LOOK) % _NBUF

                @pl.when(j + _LOOK < chunks)
                def _():
                    @pl.when(j >= _LOOK)
                    def _():
                        wait_scatter(bg)
                    issue_gather(j + _LOOK, bg)

                @pl.when(j < chunks)
                def _():
                    wait_gather(r)
                    issue_scatter(j, r)

        for r in range(_NBUF):
            wait_scatter(r)

        plsc.subcore_barrier()
        pltpu.async_copy(
            acc_sh.at[pl.ds(sid * rps, rps)],
            out_hbm.at[cid, pl.ds(sid * rps, rps)], gsem[0]).wait()

    return edge_kernel(g, edge_index, zeros_rows)



def _tc_pre(hist, x, w1):
    nw, n = hist.shape
    h = w1.shape[1]

    def body(hist_ref, x_ref, w_ref, g_ref, d_ref):
        ones = jnp.ones((nw, 1), jnp.float32)
        deg = lax.dot_general(hist_ref[...], ones, (((0,), (0,)), ((), ())),
                              preferred_element_type=jnp.float32)
        dinv = lax.rsqrt(deg + 1.0)
        h1 = jnp.dot(x_ref[...], w_ref[...],
                     preferred_element_type=jnp.float32)
        d_ref[...] = dinv
        g_ref[...] = h1 * dinv

    return pl.pallas_call(
        body,
        out_shape=[
            jax.ShapeDtypeStruct((n, h), jnp.float32),
            jax.ShapeDtypeStruct((n, 1), jnp.float32),
        ],
    )(hist, x, w1)


def _tc_layer1_post(acc_w, g1_w, dinv16_w, b1_wide):
    def body(a_ref, g_ref, d_ref, bias_ref, o_ref):
        out1 = d_ref[...] * (a_ref[0] + a_ref[1] + g_ref[...])
        z = jnp.maximum(out1 + bias_ref[...], 0.0)
        o_ref[...] = d_ref[...] * z

    return pl.pallas_call(
        body,
        out_shape=jax.ShapeDtypeStruct(g1_w.shape, jnp.float32),
    )(acc_w, g1_w, dinv16_w, b1_wide)


def _tc_layer2_post(acc_w, g2_w, dinv16_w, w2, b2_wide):
    q, lw = g2_w.shape
    h, c = w2.shape
    u8 = lw // LANES

    def body(a_ref, g_ref, d_ref, w_ref, bias_ref, o_ref, wbig_ref):
        agg = d_ref[...] * (a_ref[0] + a_ref[1] + g_ref[...])
        wbig_ref[...] = jnp.zeros((lw, u8 * c), jnp.float32)
        for u in range(u8):
            wbig_ref[u * h:(u + 1) * h, u * c:(u + 1) * c] = w_ref[...]
        o = jnp.dot(agg, wbig_ref[...], preferred_element_type=jnp.float32)
        o = o + bias_ref[...]
        for u in range(u8):
            s = o[:, u * c:(u + 1) * c]
            m = jnp.max(s, axis=1, keepdims=True)
            s = s - m
            lse = jnp.log(jnp.sum(jnp.exp(s), axis=1, keepdims=True))
            o_ref[:, u * c:(u + 1) * c] = s - lse

    return pl.pallas_call(
        body,
        out_shape=jax.ShapeDtypeStruct((q, u8 * c), jnp.float32),
        scratch_shapes=[pltpu.VMEM((lw, u8 * c), jnp.float32)],
    )(acc_w, g2_w, dinv16_w, w2, b2_wide)



def kernel(x, edge_index, W1, b1, W2, b2):
    n, d = x.shape
    e = edge_index.shape[1]
    h = W1.shape[1]

    k = 80
    chunks = e // (NW * k)
    assert chunks * NW * k == e and chunks >= 2 * _NBUF
    assert n % NS == 0 and n % LANES == 0

    zeros_stripe = jnp.zeros((n // NS, LANES), jnp.float32)

    q = n * h // 128
    c = W2.shape[1]

    hist = _sc_degree_hist(edge_index, n)
    g1, dinv_col = _tc_pre(hist, x, W1)

    dinv16_w = jnp.broadcast_to(dinv_col, (n, h)).reshape(q, 128)
    b1_wide = jnp.tile(b1, 8).reshape(1, 128)
    b2_wide = jnp.tile(b2, 8).reshape(1, 8 * c)

    acc1 = _sc_edge_pass(g1, edge_index, zeros_stripe, n, chunks, k)
    g2_w = _tc_layer1_post(acc1.reshape(NC, q, 128), g1.reshape(q, 128),
                           dinv16_w, b1_wide)
    g2 = g2_w.reshape(n, h)

    acc2 = _sc_edge_pass(g2, edge_index, zeros_stripe, n, chunks, k)
    out_w = _tc_layer2_post(acc2.reshape(NC, q, 128), g2_w, dinv16_w,
                            W2, b2_wide)
    return out_w.reshape(n, c)

# --- scband reference (transcript-rebuilt; emitter-appended) ---
"""Pipeline reference for scband-graph-model-37383395344977 (READ-ONLY COPY).

The authoritative reference and input builder live on the scoring server;
editing this copy changes nothing except your own understanding.
"""

import jax, jax.numpy as jnp
import numpy as np

N = 10000
E = 320000
D = 128
H = 16
C = 40

def setup_inputs(seed: int = 0) -> dict:
    key = jax.random.key(seed)
    k1, k2, k3, k4, k5, k6 = jax.random.split(key, 6)
    x = jax.random.normal(k1, (N, D), dtype=jnp.float32)
    edge_index = jax.random.randint(k2, (2, E), 0, N, dtype=jnp.int32)
    # GCNConv layer 1: in=D, out=H; layer 2: in=H, out=C (Glorot-ish init)
    W1 = jax.random.normal(k3, (D, H), dtype=jnp.float32) * (1.0 / np.sqrt(D))
    b1 = jnp.zeros((H,), dtype=jnp.float32)
    W2 = jax.random.normal(k4, (H, C), dtype=jnp.float32) * (1.0 / np.sqrt(H))
    b2 = jnp.zeros((C,), dtype=jnp.float32)
    return {"x": x, "edge_index": edge_index, "W1": W1, "b1": b1, "W2": W2, "b2": b2}

def _gcn_conv(x, src, dst, W, b):
    # x' = D^{-1/2} (A + I) D^{-1/2} X W + b  (symmetric norm with self-loops)
    h = x @ W
    loop = jnp.arange(N, dtype=src.dtype)
    s = jnp.concatenate([src, loop])
    d = jnp.concatenate([dst, loop])
    deg = jax.ops.segment_sum(jnp.ones(s.shape[0], dtype=h.dtype), d, num_segments=N)
    dinv = jnp.where(deg > 0, deg ** -0.5, 0.0)
    norm = dinv[s] * dinv[d]
    msg = h[s] * norm[:, None]
    out = jax.ops.segment_sum(msg, d, num_segments=N)
    return out + b

def reference(x, edge_index, W1, b1, W2, b2):
    src = edge_index[0]
    dst = edge_index[1]
    h = _gcn_conv(x, src, dst, W1, b1)
    h = jax.nn.relu(h)
    out = _gcn_conv(h, src, dst, W2, b2)
    return jax.nn.log_softmax(out, axis=1)

if __name__ == "__main__":
    import jax
    _d = setup_inputs()
    print(jax.jit(kernel)(*tuple(_d.values())))

</pallas_src>

<mosaic_0001>
#map = affine_map<(d0, d1) -> (0, 0)>
#map1 = affine_map<(d0, d1) -> (0, 0, 0)>
module attributes {stable_mosaic.version = 14 : i64} {
  func.func @edge_kernel(%arg0: i32, %arg1: i32, %arg2: memref<10000x16xf32, #tpu.memory_space<hbm>>, %arg3: memref<2x320000xi32, #tpu.memory_space<hbm>>, %arg4: memref<625x16xf32, #tpu.memory_space<hbm>>, %arg5: memref<2x10000x16xf32, #tpu.memory_space<hbm>>, %arg6: memref<10000xi32, #tpu.memory_space<vmem>>, %arg7: memref<125x80xi32, #tpu.memory_space<vmem>>, %arg8: memref<10000x16xf32, #tpu.memory_space<vmem_shared>>, %arg9: memref<80x16xf32, #tpu.memory_space<vmem>>, %arg10: memref<80x16xf32, #tpu.memory_space<vmem>>, %arg11: memref<80x16xf32, #tpu.memory_space<vmem>>, %arg12: memref<80x16xf32, #tpu.memory_space<vmem>>, %arg13: memref<80x16xf32, #tpu.memory_space<vmem>>, %arg14: memref<80x16xf32, #tpu.memory_space<vmem>>, %arg15: memref<80x16xf32, #tpu.memory_space<vmem>>, %arg16: memref<80x16xf32, #tpu.memory_space<vmem>>, %arg17: memref<80x16xf32, #tpu.memory_space<vmem>>, %arg18: memref<80x16xf32, #tpu.memory_space<vmem>>, %arg19: memref<80x16xf32, #tpu.memory_space<vmem>>, %arg20: memref<80x16xf32, #tpu.memory_space<vmem>>, %arg21: memref<!tpu.dma_semaphore, #tpu.memory_space<semaphore_mem>>, %arg22: memref<!tpu.dma_semaphore, #tpu.memory_space<semaphore_mem>>, %arg23: memref<!tpu.dma_semaphore, #tpu.memory_space<semaphore_mem>>, %arg24: memref<!tpu.dma_semaphore, #tpu.memory_space<semaphore_mem>>, %arg25: memref<!tpu.dma_semaphore, #tpu.memory_space<semaphore_mem>>, %arg26: memref<!tpu.dma_semaphore, #tpu.memory_space<semaphore_mem>>, %arg27: memref<!tpu.dma_semaphore, #tpu.memory_space<semaphore_mem>>, %arg28: memref<!tpu.dma_semaphore, #tpu.memory_space<semaphore_mem>>, %arg29: memref<!tpu.dma_semaphore, #tpu.memory_space<semaphore_mem>>, %arg30: memref<!tpu.dma_semaphore, #tpu.memory_space<semaphore_mem>>, %arg31: memref<!tpu.dma_semaphore, #tpu.memory_space<semaphore_mem>>, %arg32: memref<!tpu.dma_semaphore, #tpu.memory_space<semaphore_mem>>, %arg33: memref<!tpu.dma_semaphore, #tpu.memory_space<semaphore_mem>>, %arg34: memref<!tpu.dma_semaphore, #tpu.memory_space<semaphore_mem>>, %arg35: memref<!tpu.dma_semaphore, #tpu.memory_space<semaphore_mem>>, %arg36: memref<!tpu.dma_semaphore, #tpu.memory_space<semaphore_mem>>, %arg37: memref<!tpu.dma_semaphore, #tpu.memory_space<semaphore_mem>>, %arg38: memref<!tpu.dma_semaphore, #tpu.memory_space<semaphore_mem>>, %arg39: memref<!tpu.dma_semaphore, #tpu.memory_space<semaphore_mem>>, %arg40: memref<!tpu.dma_semaphore, #tpu.memory_space<semaphore_mem>>, %arg41: memref<!tpu.dma_semaphore, #tpu.memory_space<semaphore_mem>>, %arg42: memref<!tpu.dma_semaphore, #tpu.memory_space<semaphore_mem>>, %arg43: memref<!tpu.dma_semaphore, #tpu.memory_space<semaphore_mem>>, %arg44: memref<!tpu.dma_semaphore, #tpu.memory_space<semaphore_mem>>) attributes {dimension_semantics = [#tpu.dimension_semantics<core_parallel>, #tpu.dimension_semantics<subcore_parallel>], iteration_bounds = array<i64: 2, 16>, scalar_prefetch = 0 : i64, scratch_operands = 39 : i64, tpu.core_type = #tpu.core_type<sc_vector_subcore>, window_params = [{transform_indices = #map}, {transform_indices = #map}, {transform_indices = #map}, {transform_indices = #map1}]} {
    %mul3A = arith.constant 2 : i32
    %mul3A_0 = arith.muli %arg1, %mul3A : i32
    %add3A = arith.addi %mul3A_0, %arg0 : i32
    %mul3A_1 = arith.constant 625 : i32
    %mul3A_2 = arith.muli %arg1, %mul3A_1 : i32
    %dma_start3A = arith.constant 0 : i32
    %dma_start3A_3 = tpu.memref_slice %arg8[%mul3A_2, %dma_start3A] : memref<10000x16xf32, #tpu.memory_space<vmem_shared>> -> memref<625x16xf32, #tpu.memory_space<vmem_shared>>
    tpu.enqueue_dma source(%arg4 : memref<625x16xf32, #tpu.memory_space<hbm>>) target(%dma_start3A_3 : memref<625x16xf32, #tpu.memory_space<vmem_shared>>) target_semaphore(%arg21 : memref<!tpu.dma_semaphore, #tpu.memory_space<semaphore_mem>>)
    %mul3A_4 = arith.constant 10000 : i32
    %mul3A_5 = arith.muli %add3A, %mul3A_4 : i32
    %dma_start3A_6 = arith.constant 0 : i32
    %dma_start3A_7 = tpu.memref_slice %arg3[%dma_start3A_6, %mul3A_5] : memref<2x320000xi32, #tpu.memory_space<hbm>> -> memref<1x10000xi32, #tpu.memory_space<hbm>>
    %dma_start3A_8 = tpu.memref_squeeze %dma_start3A_7 : memref<1x10000xi32, #tpu.memory_space<hbm>> -> memref<10000xi32, #tpu.memory_space<hbm>>
    %dma_start3A_9 = tpu.memref_slice %arg3[%dma_start3A_6, %mul3A_5] : memref<2x320000xi32, #tpu.memory_space<hbm>> -> memref<1x10000xi32, #tpu.memory_space<hbm>>
    %dma_start3A_10 = tpu.memref_squeeze %dma_start3A_9 : memref<1x10000xi32, #tpu.memory_space<hbm>> -> memref<10000xi32, #tpu.memory_space<hbm>>
    tpu.enqueue_dma source(%dma_start3A_10 : memref<10000xi32, #tpu.memory_space<hbm>>) target(%arg6 : memref<10000xi32, #tpu.memory_space<vmem>>) target_semaphore(%arg22 : memref<!tpu.dma_semaphore, #tpu.memory_space<semaphore_mem>>)
    %scan3A = arith.constant 0 : i32
    %scan3A_11 = arith.constant 125 : i32
    %scan3A_12 = arith.addi %scan3A, %scan3A_11 : i32
    %scan3A_13 = arith.constant 1 : i32
    scf.for %scan3A_164 = %scan3A to %scan3A_12 step %scan3A_13  : i32 {
      %mul3A_165 = arith.constant 1 : i32
      %mul3A_166 = arith.muli %scan3A_164, %mul3A_165 : i32
      %add3A_167 = arith.constant 0 : i32
      %add3A_168 = arith.addi %add3A_167, %mul3A_166 : i32
      %mul3A_169 = arith.constant 10000 : i32
      %mul3A_170 = arith.muli %add3A, %mul3A_169 : i32
      %mul3A_171 = arith.constant 80 : i32
      %mul3A_172 = arith.muli %add3A_168, %mul3A_171 : i32
      %add3A_173 = arith.addi %mul3A_170, %mul3A_172 : i32
      %dma_start3A_174 = arith.constant 1 : i32
      %dma_start3A_175 = arith.constant 0 : i32
      %dma_start3A_176 = tpu.memref_slice %arg7[%add3A_168, %dma_start3A_175] : memref<125x80xi32, #tpu.memory_space<vmem>> -> memref<1x80xi32, #tpu.memory_space<vmem>>
      %dma_start3A_177 = tpu.memref_squeeze %dma_start3A_176 : memref<1x80xi32, #tpu.memory_space<vmem>> -> memref<80xi32, #tpu.memory_space<vmem>>
      %dma_start3A_178 = tpu.memref_slice %arg3[%dma_start3A_174, %add3A_173] : memref<2x320000xi32, #tpu.memory_space<hbm>> -> memref<1x80xi32, #tpu.memory_space<hbm>>
      %dma_start3A_179 = tpu.memref_squeeze %dma_start3A_178 : memref<1x80xi32, #tpu.memory_space<hbm>> -> memref<80xi32, #tpu.memory_space<hbm>>
      %dma_start3A_180 = arith.constant 0 : i32
      %dma_start3A_181 = tpu.memref_slice %arg7[%add3A_168, %dma_start3A_180] : memref<125x80xi32, #tpu.memory_space<vmem>> -> memref<1x80xi32, #tpu.memory_space<vmem>>
      %dma_start3A_182 = tpu.memref_squeeze %dma_start3A_181 : memref<1x80xi32, #tpu.memory_space<vmem>> -> memref<80xi32, #tpu.memory_space<vmem>>
      %dma_start3A_183 = tpu.memref_slice %arg3[%dma_start3A_174, %add3A_173] : memref<2x320000xi32, #tpu.memory_space<hbm>> -> memref<1x80xi32, #tpu.memory_space<hbm>>
      %dma_start3A_184 = tpu.memref_squeeze %dma_start3A_183 : memref<1x80xi32, #tpu.memory_space<hbm>> -> memref<80xi32, #tpu.memory_space<hbm>>
      tpu.enqueue_dma source(%dma_start3A_184 : memref<80xi32, #tpu.memory_space<hbm>>) target(%dma_start3A_182 : memref<80xi32, #tpu.memory_space<vmem>>) target_semaphore(%arg33 : memref<!tpu.dma_semaphore, #tpu.memory_space<semaphore_mem>>)
    }
    %scan3A_14 = arith.constant 125 : i32
    %mul3A_15 = arith.constant 625 : i32
    %mul3A_16 = arith.muli %arg1, %mul3A_15 : i32
    %dma_wait3A = arith.constant 0 : i32
    %dma_wait3A_17 = tpu.memref_slice %arg8[%mul3A_16, %dma_wait3A] : memref<10000x16xf32, #tpu.memory_space<vmem_shared>> -> memref<625x16xf32, #tpu.memory_space<vmem_shared>>
    tpu.wait_dma2 semaphore(%arg21 : memref<!tpu.dma_semaphore, #tpu.memory_space<semaphore_mem>>) src(%arg4 : memref<625x16xf32, #tpu.memory_space<hbm>>) dst(%dma_wait3A_17 : memref<625x16xf32, #tpu.memory_space<vmem_shared>>)
    %mul3A_18 = arith.constant 10000 : i32
    %mul3A_19 = arith.muli %add3A, %mul3A_18 : i32
    %dma_wait3A_20 = arith.constant 0 : i32
    %dma_wait3A_21 = tpu.memref_slice %arg3[%dma_wait3A_20, %mul3A_19] : memref<2x320000xi32, #tpu.memory_space<hbm>> -> memref<1x10000xi32, #tpu.memory_space<hbm>>
    %dma_wait3A_22 = tpu.memref_squeeze %dma_wait3A_21 : memref<1x10000xi32, #tpu.memory_space<hbm>> -> memref<10000xi32, #tpu.memory_space<hbm>>
    %dma_wait3A_23 = tpu.memref_slice %arg3[%dma_wait3A_20, %mul3A_19] : memref<2x320000xi32, #tpu.memory_space<hbm>> -> memref<1x10000xi32, #tpu.memory_space<hbm>>
    %dma_wait3A_24 = tpu.memref_squeeze %dma_wait3A_23 : memref<1x10000xi32, #tpu.memory_space<hbm>> -> memref<10000xi32, #tpu.memory_space<hbm>>
    tpu.wait_dma2 semaphore(%arg22 : memref<!tpu.dma_semaphore, #tpu.memory_space<semaphore_mem>>) src(%dma_wait3A_24 : memref<10000xi32, #tpu.memory_space<hbm>>) dst(%arg6 : memref<10000xi32, #tpu.memory_space<vmem>>)
    %scan3A_25 = arith.constant 0 : i32
    %scan3A_26 = arith.constant 125 : i32
    %scan3A_27 = arith.addi %scan3A_25, %scan3A_26 : i32
    %scan3A_28 = arith.constant 1 : i32
    scf.for %scan3A_164 = %scan3A_25 to %scan3A_27 step %scan3A_28  : i32 {
      %mul3A_165 = arith.constant 1 : i32
      %mul3A_166 = arith.muli %scan3A_164, %mul3A_165 : i32
      %add3A_167 = arith.constant 0 : i32
      %add3A_168 = arith.addi %add3A_167, %mul3A_166 : i32
      %dma_wait3A_169 = arith.constant 1 : i32
      %dma_wait3A_170 = arith.constant 0 : i32
      %dma_wait3A_171 = arith.constant 0 : i32
      %dma_wait3A_172 = tpu.memref_slice %arg7[%dma_wait3A_170, %dma_wait3A_171] : memref<125x80xi32, #tpu.memory_space<vmem>> -> memref<1x80xi32, #tpu.memory_space<vmem>>
      %dma_wait3A_173 = tpu.memref_squeeze %dma_wait3A_172 : memref<1x80xi32, #tpu.memory_space<vmem>> -> memref<80xi32, #tpu.memory_space<vmem>>
      %dma_wait3A_174 = arith.constant 0 : i32
      %dma_wait3A_175 = tpu.memref_slice %arg3[%dma_wait3A_169, %dma_wait3A_174] : memref<2x320000xi32, #tpu.memory_space<hbm>> -> memref<1x80xi32, #tpu.memory_space<hbm>>
      %dma_wait3A_176 = tpu.memref_squeeze %dma_wait3A_175 : memref<1x80xi32, #tpu.memory_space<hbm>> -> memref<80xi32, #tpu.memory_space<hbm>>
      %dma_wait3A_177 = arith.constant 0 : i32
      %dma_wait3A_178 = tpu.memref_slice %arg7[%dma_wait3A_170, %dma_wait3A_177] : memref<125x80xi32, #tpu.memory_space<vmem>> -> memref<1x80xi32, #tpu.memory_space<vmem>>
      %dma_wait3A_179 = tpu.memref_squeeze %dma_wait3A_178 : memref<1x80xi32, #tpu.memory_space<vmem>> -> memref<80xi32, #tpu.memory_space<vmem>>
      %dma_wait3A_180 = arith.constant 0 : i32
      %dma_wait3A_181 = tpu.memref_slice %arg3[%dma_wait3A_169, %dma_wait3A_180] : memref<2x320000xi32, #tpu.memory_space<hbm>> -> memref<1x80xi32, #tpu.memory_space<hbm>>
      %dma_wait3A_182 = tpu.memref_squeeze %dma_wait3A_181 : memref<1x80xi32, #tpu.memory_space<hbm>> -> memref<80xi32, #tpu.memory_space<hbm>>
      tpu.wait_dma2 semaphore(%arg33 : memref<!tpu.dma_semaphore, #tpu.memory_space<semaphore_mem>>) src(%dma_wait3A_182 : memref<80xi32, #tpu.memory_space<hbm>>) dst(%dma_wait3A_179 : memref<80xi32, #tpu.memory_space<vmem>>)
    }
    %scan3A_29 = arith.constant 125 : i32
    %barrier3A = arith.constant 0 : index
    tpu.barrier barrier_id(%barrier3A)
    %dma_start3A_30 = arith.constant 0 : i32
    %dma_start3A_31 = tpu.memref_slice %arg6[%dma_start3A_30] : memref<10000xi32, #tpu.memory_space<vmem>> -> memref<80xi32, #tpu.memory_space<vmem>>
    %dma_start3A_32 = arith.constant 0 : i32
    %dma_start3A_33 = arith.constant 0 : i32
    %dma_start3A_34 = tpu.memref_slice %arg2[%dma_start3A_32, %dma_start3A_33] : memref<10000x16xf32, #tpu.memory_space<hbm>> -> memref<10000x16xf32, #tpu.memory_space<hbm>>
    tpu.enqueue_indirect_dma source(%dma_start3A_34 : memref<10000x16xf32, #tpu.memory_space<hbm>>) target(%arg9 : memref<80x16xf32, #tpu.memory_space<vmem>>) offsets(%dma_start3A_31 : memref<80xi32, #tpu.memory_space<vmem>>) semaphore(%arg21 : memref<!tpu.dma_semaphore, #tpu.memory_space<semaphore_mem>>)
    %dma_start3A_35 = arith.constant 80 : i32
    %dma_start3A_36 = tpu.memref_slice %arg6[%dma_start3A_35] : memref<10000xi32, #tpu.memory_space<vmem>> -> memref<80xi32, #tpu.memory_space<vmem>>
    %dma_start3A_37 = arith.constant 0 : i32
    %dma_start3A_38 = arith.constant 0 : i32
    %dma_start3A_39 = tpu.memref_slice %arg2[%dma_start3A_37, %dma_start3A_38] : memref<10000x16xf32, #tpu.memory_space<hbm>> -> memref<10000x16xf32, #tpu.memory_space<hbm>>
    tpu.enqueue_indirect_dma source(%dma_start3A_39 : memref<10000x16xf32, #tpu.memory_space<hbm>>) target(%arg10 : memref<80x16xf32, #tpu.memory_space<vmem>>) offsets(%dma_start3A_36 : memref<80xi32, #tpu.memory_space<vmem>>) semaphore(%arg22 : memref<!tpu.dma_semaphore, #tpu.memory_space<semaphore_mem>>)
    %dma_start3A_40 = arith.constant 160 : i32
    %dma_start3A_41 = tpu.memref_slice %arg6[%dma_start3A_40] : memref<10000xi32, #tpu.memory_space<vmem>> -> memref<80xi32, #tpu.memory_space<vmem>>
    %dma_start3A_42 = arith.constant 0 : i32
    %dma_start3A_43 = arith.constant 0 : i32
    %dma_start3A_44 = tpu.memref_slice %arg2[%dma_start3A_42, %dma_start3A_43] : memref<10000x16xf32, #tpu.memory_space<hbm>> -> memref<10000x16xf32, #tpu.memory_space<hbm>>
    tpu.enqueue_indirect_dma source(%dma_start3A_44 : memref<10000x16xf32, #tpu.memory_space<hbm>>) target(%arg11 : memref<80x16xf32, #tpu.memory_space<vmem>>) offsets(%dma_start3A_41 : memref<80xi32, #tpu.memory_space<vmem>>) semaphore(%arg23 : memref<!tpu.dma_semaphore, #tpu.memory_space<semaphore_mem>>)
    %dma_start3A_45 = arith.constant 240 : i32
    %dma_start3A_46 = tpu.memref_slice %arg6[%dma_start3A_45] : memref<10000xi32, #tpu.memory_space<vmem>> -> memref<80xi32, #tpu.memory_space<vmem>>
    %dma_start3A_47 = arith.constant 0 : i32
    %dma_start3A_48 = arith.constant 0 : i32
    %dma_start3A_49 = tpu.memref_slice %arg2[%dma_start3A_47, %dma_start3A_48] : memref<10000x16xf32, #tpu.memory_space<hbm>> -> memref<10000x16xf32, #tpu.memory_space<hbm>>
    tpu.enqueue_indirect_dma source(%dma_start3A_49 : memref<10000x16xf32, #tpu.memory_space<hbm>>) target(%arg12 : memref<80x16xf32, #tpu.memory_space<vmem>>) offsets(%dma_start3A_46 : memref<80xi32, #tpu.memory_space<vmem>>) semaphore(%arg24 : memref<!tpu.dma_semaphore, #tpu.memory_space<semaphore_mem>>)
    %dma_start3A_50 = arith.constant 320 : i32
    %dma_start3A_51 = tpu.memref_slice %arg6[%dma_start3A_50] : memref<10000xi32, #tpu.memory_space<vmem>> -> memref<80xi32, #tpu.memory_space<vmem>>
    %dma_start3A_52 = arith.constant 0 : i32
    %dma_start3A_53 = arith.constant 0 : i32
    %dma_start3A_54 = tpu.memref_slice %arg2[%dma_start3A_52, %dma_start3A_53] : memref<10000x16xf32, #tpu.memory_space<hbm>> -> memref<10000x16xf32, #tpu.memory_space<hbm>>
    tpu.enqueue_indirect_dma source(%dma_start3A_54 : memref<10000x16xf32, #tpu.memory_space<hbm>>) target(%arg13 : memref<80x16xf32, #tpu.memory_space<vmem>>) offsets(%dma_start3A_51 : memref<80xi32, #tpu.memory_space<vmem>>) semaphore(%arg25 : memref<!tpu.dma_semaphore, #tpu.memory_space<semaphore_mem>>)
    %dma_start3A_55 = arith.constant 400 : i32
    %dma_start3A_56 = tpu.memref_slice %arg6[%dma_start3A_55] : memref<10000xi32, #tpu.memory_space<vmem>> -> memref<80xi32, #tpu.memory_space<vmem>>
    %dma_start3A_57 = arith.constant 0 : i32
    %dma_start3A_58 = arith.constant 0 : i32
    %dma_start3A_59 = tpu.memref_slice %arg2[%dma_start3A_57, %dma_start3A_58] : memref<10000x16xf32, #tpu.memory_space<hbm>> -> memref<10000x16xf32, #tpu.memory_space<hbm>>
    tpu.enqueue_indirect_dma source(%dma_start3A_59 : memref<10000x16xf32, #tpu.memory_space<hbm>>) target(%arg14 : memref<80x16xf32, #tpu.memory_space<vmem>>) offsets(%dma_start3A_56 : memref<80xi32, #tpu.memory_space<vmem>>) semaphore(%arg26 : memref<!tpu.dma_semaphore, #tpu.memory_space<semaphore_mem>>)
    %scan3A_60 = arith.constant 0 : i32
    %scan3A_61 = arith.constant 11 : i32
    %scan3A_62 = arith.addi %scan3A_60, %scan3A_61 : i32
    %scan3A_63 = arith.constant 1 : i32
    scf.for %scan3A_164 = %scan3A_60 to %scan3A_62 step %scan3A_63  : i32 {
      %mul3A_165 = arith.constant 1 : i32
      %mul3A_166 = arith.muli %scan3A_164, %mul3A_165 : i32
      %add3A_167 = arith.constant 0 : i32
      %add3A_168 = arith.addi %add3A_167, %mul3A_166 : i32
      %mul3A_169 = arith.constant 12 : i32
      %mul3A_170 = arith.muli %add3A_168, %mul3A_169 : i32
      %add3A_171 = arith.constant 0 : i32
      %add3A_172 = arith.addi %mul3A_170, %add3A_171 : i32
      %add3A_173 = arith.constant 6 : i32
      %add3A_174 = arith.addi %add3A_172, %add3A_173 : i32
      %lt3A = arith.constant 125 : i32
      %lt3A_175 = arith.cmpi slt, %add3A_174, %lt3A : i32
      %convert_element_type3A = arith.extui %lt3A_175 : i1 to i32
      %cond3A = arith.constant 0 : i32
      %cond3A_176 = arith.cmpi ne, %convert_element_type3A, %cond3A : i32
      scf.if %cond3A_176 {
        %ge3A = arith.constant 6 : i32
        %ge3A_358 = arith.cmpi sge, %add3A_172, %ge3A : i32
        %convert_element_type3A_359 = arith.extui %ge3A_358 : i1 to i32
        %cond3A_360 = arith.constant 0 : i32
        %cond3A_361 = arith.cmpi ne, %convert_element_type3A_359, %cond3A_360 : i32
        scf.if %cond3A_361 {
          %dma_wait3A_370 = arith.constant 0 : i32
          %dma_wait3A_371 = arith.constant 0 : i32
          %dma_wait3A_372 = tpu.memref_slice %arg7[%dma_wait3A_370, %dma_wait3A_371] : memref<125x80xi32, #tpu.memory_space<vmem>> -> memref<1x80xi32, #tpu.memory_space<vmem>>
          %dma_wait3A_373 = tpu.memref_squeeze %dma_wait3A_372 : memref<1x80xi32, #tpu.memory_space<vmem>> -> memref<80xi32, #tpu.memory_space<vmem>>
          %dma_wait3A_374 = arith.constant 0 : i32
          %dma_wait3A_375 = arith.constant 0 : i32
          %dma_wait3A_376 = tpu.memref_slice %arg8[%dma_wait3A_374, %dma_wait3A_375] : memref<10000x16xf32, #tpu.memory_space<vmem_shared>> -> memref<10000x16xf32, #tpu.memory_space<vmem_shared>>
          tpu.wait_indirect_dma semaphore(%arg39 : memref<!tpu.dma_semaphore, #tpu.memory_space<semaphore_mem>>) src(%arg15 : memref<80x16xf32, #tpu.memory_space<vmem>>) dst(%dma_wait3A_376 : memref<10000x16xf32, #tpu.memory_space<vmem_shared>>)
        } else {
        }
        %add3A_362 = arith.constant 6 : i32
        %add3A_363 = arith.addi %add3A_172, %add3A_362 : i32
        %mul3A_364 = arith.constant 80 : i32
        %mul3A_365 = arith.muli %add3A_363, %mul3A_364 : i32
        %dma_start3A_366 = tpu.memref_slice %arg6[%mul3A_365] : memref<10000xi32, #tpu.memory_space<vmem>> -> memref<80xi32, #tpu.memory_space<vmem>>
        %dma_start3A_367 = arith.constant 0 : i32
        %dma_start3A_368 = arith.constant 0 : i32
        %dma_start3A_369 = tpu.memref_slice %arg2[%dma_start3A_367, %dma_start3A_368] : memref<10000x16xf32, #tpu.memory_space<hbm>> -> memref<10000x16xf32, #tpu.memory_space<hbm>>
        tpu.enqueue_indirect_dma source(%dma_start3A_369 : memref<10000x16xf32, #tpu.memory_space<hbm>>) target(%arg15 : memref<80x16xf32, #tpu.memory_space<vmem>>) offsets(%dma_start3A_366 : memref<80xi32, #tpu.memory_space<vmem>>) semaphore(%arg27 : memref<!tpu.dma_semaphore, #tpu.memory_space<semaphore_mem>>)
      } else {
      }
      %lt3A_177 = arith.constant 125 : i32
      %lt3A_178 = arith.cmpi slt, %add3A_172, %lt3A_177 : i32
      %convert_element_type3A_179 = arith.extui %lt3A_178 : i1 to i32
      %cond3A_180 = arith.constant 0 : i32
      %cond3A_181 = arith.cmpi ne, %convert_element_type3A_179, %cond3A_180 : i32
      scf.if %cond3A_181 {
        %dma_wait3A_358 = arith.constant 0 : i32
        %dma_wait3A_359 = tpu.memref_slice %arg6[%dma_wait3A_358] : memref<10000xi32, #tpu.memory_space<vmem>> -> memref<80xi32, #tpu.memory_space<vmem>>
        %dma_wait3A_360 = arith.constant 0 : i32
        %dma_wait3A_361 = arith.constant 0 : i32
        %dma_wait3A_362 = tpu.memref_slice %arg2[%dma_wait3A_360, %dma_wait3A_361] : memref<10000x16xf32, #tpu.memory_space<hbm>> -> memref<10000x16xf32, #tpu.memory_space<hbm>>
        tpu.wait_indirect_dma semaphore(%arg21 : memref<!tpu.dma_semaphore, #tpu.memory_space<semaphore_mem>>) src(%dma_wait3A_362 : memref<10000x16xf32, #tpu.memory_space<hbm>>) dst(%arg9 : memref<80x16xf32, #tpu.memory_space<vmem>>)
        %dma_start3A_363 = arith.constant 0 : i32
        %dma_start3A_364 = tpu.memref_slice %arg7[%add3A_172, %dma_start3A_363] : memref<125x80xi32, #tpu.memory_space<vmem>> -> memref<1x80xi32, #tpu.memory_space<vmem>>
        %dma_start3A_365 = tpu.memref_squeeze %dma_start3A_364 : memref<1x80xi32, #tpu.memory_space<vmem>> -> memref<80xi32, #tpu.memory_space<vmem>>
        %dma_start3A_366 = arith.constant 0 : i32
        %dma_start3A_367 = arith.constant 0 : i32
        %dma_start3A_368 = tpu.memref_slice %arg8[%dma_start3A_366, %dma_start3A_367] : memref<10000x16xf32, #tpu.memory_space<vmem_shared>> -> memref<10000x16xf32, #tpu.memory_space<vmem_shared>>
        tpu.enqueue_indirect_dma source(%arg9 : memref<80x16xf32, #tpu.memory_space<vmem>>) target(%dma_start3A_368 : memref<10000x16xf32, #tpu.memory_space<vmem_shared>>) offsets(%dma_start3A_365 : memref<80xi32, #tpu.memory_space<vmem>>) semaphore(%arg33 : memref<!tpu.dma_semaphore, #tpu.memory_space<semaphore_mem>>) {add = true}
      } else {
      }
      %mul3A_182 = arith.constant 12 : i32
      %mul3A_183 = arith.muli %add3A_168, %mul3A_182 : i32
      %add3A_184 = arith.constant 1 : i32
      %add3A_185 = arith.addi %mul3A_183, %add3A_184 : i32
      %add3A_186 = arith.constant 6 : i32
      %add3A_187 = arith.addi %add3A_185, %add3A_186 : i32
      %lt3A_188 = arith.constant 125 : i32
      %lt3A_189 = arith.cmpi slt, %add3A_187, %lt3A_188 : i32
      %convert_element_type3A_190 = arith.extui %lt3A_189 : i1 to i32
      %cond3A_191 = arith.constant 0 : i32
      %cond3A_192 = arith.cmpi ne, %convert_element_type3A_190, %cond3A_191 : i32
      scf.if %cond3A_192 {
        %ge3A = arith.constant 6 : i32
        %ge3A_358 = arith.cmpi sge, %add3A_185, %ge3A : i32
        %convert_element_type3A_359 = arith.extui %ge3A_358 : i1 to i32
        %cond3A_360 = arith.constant 0 : i32
        %cond3A_361 = arith.cmpi ne, %convert_element_type3A_359, %cond3A_360 : i32
        scf.if %cond3A_361 {
          %dma_wait3A_370 = arith.constant 0 : i32
          %dma_wait3A_371 = arith.constant 0 : i32
          %dma_wait3A_372 = tpu.memref_slice %arg7[%dma_wait3A_370, %dma_wait3A_371] : memref<125x80xi32, #tpu.memory_space<vmem>> -> memref<1x80xi32, #tpu.memory_space<vmem>>
          %dma_wait3A_373 = tpu.memref_squeeze %dma_wait3A_372 : memref<1x80xi32, #tpu.memory_space<vmem>> -> memref<80xi32, #tpu.memory_space<vmem>>
          %dma_wait3A_374 = arith.constant 0 : i32
          %dma_wait3A_375 = arith.constant 0 : i32
          %dma_wait3A_376 = tpu.memref_slice %arg8[%dma_wait3A_374, %dma_wait3A_375] : memref<10000x16xf32, #tpu.memory_space<vmem_shared>> -> memref<10000x16xf32, #tpu.memory_space<vmem_shared>>
          tpu.wait_indirect_dma semaphore(%arg40 : memref<!tpu.dma_semaphore, #tpu.memory_space<semaphore_mem>>) src(%arg16 : memref<80x16xf32, #tpu.memory_space<vmem>>) dst(%dma_wait3A_376 : memref<10000x16xf32, #tpu.memory_space<vmem_shared>>)
        } else {
        }
        %add3A_362 = arith.constant 6 : i32
        %add3A_363 = arith.addi %add3A_185, %add3A_362 : i32
        %mul3A_364 = arith.constant 80 : i32
        %mul3A_365 = arith.muli %add3A_363, %mul3A_364 : i32
        %dma_start3A_366 = tpu.memref_slice %arg6[%mul3A_365] : memref<10000xi32, #tpu.memory_space<vmem>> -> memref<80xi32, #tpu.memory_space<vmem>>
        %dma_start3A_367 = arith.constant 0 : i32
        %dma_start3A_368 = arith.constant 0 : i32
        %dma_start3A_369 = tpu.memref_slice %arg2[%dma_start3A_367, %dma_start3A_368] : memref<10000x16xf32, #tpu.memory_space<hbm>> -> memref<10000x16xf32, #tpu.memory_space<hbm>>
        tpu.enqueue_indirect_dma source(%dma_start3A_369 : memref<10000x16xf32, #tpu.memory_space<hbm>>) target(%arg16 : memref<80x16xf32, #tpu.memory_space<vmem>>) offsets(%dma_start3A_366 : memref<80xi32, #tpu.memory_space<vmem>>) semaphore(%arg28 : memref<!tpu.dma_semaphore, #tpu.memory_space<semaphore_mem>>)
      } else {
      }
      %lt3A_193 = arith.constant 125 : i32
      %lt3A_194 = arith.cmpi slt, %add3A_185, %lt3A_193 : i32
      %convert_element_type3A_195 = arith.extui %lt3A_194 : i1 to i32
      %cond3A_196 = arith.constant 0 : i32
      %cond3A_197 = arith.cmpi ne, %convert_element_type3A_195, %cond3A_196 : i32
      scf.if %cond3A_197 {
        %dma_wait3A_358 = arith.constant 0 : i32
        %dma_wait3A_359 = tpu.memref_slice %arg6[%dma_wait3A_358] : memref<10000xi32, #tpu.memory_space<vmem>> -> memref<80xi32, #tpu.memory_space<vmem>>
        %dma_wait3A_360 = arith.constant 0 : i32
        %dma_wait3A_361 = arith.constant 0 : i32
        %dma_wait3A_362 = tpu.memref_slice %arg2[%dma_wait3A_360, %dma_wait3A_361] : memref<10000x16xf32, #tpu.memory_space<hbm>> -> memref<10000x16xf32, #tpu.memory_space<hbm>>
        tpu.wait_indirect_dma semaphore(%arg22 : memref<!tpu.dma_semaphore, #tpu.memory_space<semaphore_mem>>) src(%dma_wait3A_362 : memref<10000x16xf32, #tpu.memory_space<hbm>>) dst(%arg10 : memref<80x16xf32, #tpu.memory_space<vmem>>)
        %dma_start3A_363 = arith.constant 0 : i32
        %dma_start3A_364 = tpu.memref_slice %arg7[%add3A_185, %dma_start3A_363] : memref<125x80xi32, #tpu.memory_space<vmem>> -> memref<1x80xi32, #tpu.memory_space<vmem>>
        %dma_start3A_365 = tpu.memref_squeeze %dma_start3A_364 : memref<1x80xi32, #tpu.memory_space<vmem>> -> memref<80xi32, #tpu.memory_space<vmem>>
        %dma_start3A_366 = arith.constant 0 : i32
        %dma_start3A_367 = arith.constant 0 : i32
        %dma_start3A_368 = tpu.memref_slice %arg8[%dma_start3A_366, %dma_start3A_367] : memref<10000x16xf32, #tpu.memory_space<vmem_shared>> -> memref<10000x16xf32, #tpu.memory_space<vmem_shared>>
        tpu.enqueue_indirect_dma source(%arg10 : memref<80x16xf32, #tpu.memory_space<vmem>>) target(%dma_start3A_368 : memref<10000x16xf32, #tpu.memory_space<vmem_shared>>) offsets(%dma_start3A_365 : memref<80xi32, #tpu.memory_space<vmem>>) semaphore(%arg34 : memref<!tpu.dma_semaphore, #tpu.memory_space<semaphore_mem>>) {add = true}
      } else {
      }
      %mul3A_198 = arith.constant 12 : i32
      %mul3A_199 = arith.muli %add3A_168, %mul3A_198 : i32
      %add3A_200 = arith.constant 2 : i32
      %add3A_201 = arith.addi %mul3A_199, %add3A_200 : i32
      %add3A_202 = arith.constant 6 : i32
      %add3A_203 = arith.addi %add3A_201, %add3A_202 : i32
      %lt3A_204 = arith.constant 125 : i32
      %lt3A_205 = arith.cmpi slt, %add3A_203, %lt3A_204 : i32
      %convert_element_type3A_206 = arith.extui %lt3A_205 : i1 to i32
      %cond3A_207 = arith.constant 0 : i32
      %cond3A_208 = arith.cmpi ne, %convert_element_type3A_206, %cond3A_207 : i32
      scf.if %cond3A_208 {
        %ge3A = arith.constant 6 : i32
        %ge3A_358 = arith.cmpi sge, %add3A_201, %ge3A : i32
        %convert_element_type3A_359 = arith.extui %ge3A_358 : i1 to i32
        %cond3A_360 = arith.constant 0 : i32
        %cond3A_361 = arith.cmpi ne, %convert_element_type3A_359, %cond3A_360 : i32
        scf.if %cond3A_361 {
          %dma_wait3A_370 = arith.constant 0 : i32
          %dma_wait3A_371 = arith.constant 0 : i32
          %dma_wait3A_372 = tpu.memref_slice %arg7[%dma_wait3A_370, %dma_wait3A_371] : memref<125x80xi32, #tpu.memory_space<vmem>> -> memref<1x80xi32, #tpu.memory_space<vmem>>
          %dma_wait3A_373 = tpu.memref_squeeze %dma_wait3A_372 : memref<1x80xi32, #tpu.memory_space<vmem>> -> memref<80xi32, #tpu.memory_space<vmem>>
          %dma_wait3A_374 = arith.constant 0 : i32
          %dma_wait3A_375 = arith.constant 0 : i32
          %dma_wait3A_376 = tpu.memref_slice %arg8[%dma_wait3A_374, %dma_wait3A_375] : memref<10000x16xf32, #tpu.memory_space<vmem_shared>> -> memref<10000x16xf32, #tpu.memory_space<vmem_shared>>
          tpu.wait_indirect_dma semaphore(%arg41 : memref<!tpu.dma_semaphore, #tpu.memory_space<semaphore_mem>>) src(%arg17 : memref<80x16xf32, #tpu.memory_space<vmem>>) dst(%dma_wait3A_376 : memref<10000x16xf32, #tpu.memory_space<vmem_shared>>)
        } else {
        }
        %add3A_362 = arith.constant 6 : i32
        %add3A_363 = arith.addi %add3A_201, %add3A_362 : i32
        %mul3A_364 = arith.constant 80 : i32
        %mul3A_365 = arith.muli %add3A_363, %mul3A_364 : i32
        %dma_start3A_366 = tpu.memref_slice %arg6[%mul3A_365] : memref<10000xi32, #tpu.memory_space<vmem>> -> memref<80xi32, #tpu.memory_space<vmem>>
        %dma_start3A_367 = arith.constant 0 : i32
        %dma_start3A_368 = arith.constant 0 : i32
        %dma_start3A_369 = tpu.memref_slice %arg2[%dma_start3A_367, %dma_start3A_368] : memref<10000x16xf32, #tpu.memory_space<hbm>> -> memref<10000x16xf32, #tpu.memory_space<hbm>>
        tpu.enqueue_indirect_dma source(%dma_start3A_369 : memref<10000x16xf32, #tpu.memory_space<hbm>>) target(%arg17 : memref<80x16xf32, #tpu.memory_space<vmem>>) offsets(%dma_start3A_366 : memref<80xi32, #tpu.memory_space<vmem>>) semaphore(%arg29 : memref<!tpu.dma_semaphore, #tpu.memory_space<semaphore_mem>>)
      } else {
      }
      %lt3A_209 = arith.constant 125 : i32
      %lt3A_210 = arith.cmpi slt, %add3A_201, %lt3A_209 : i32
      %convert_element_type3A_211 = arith.extui %lt3A_210 : i1 to i32
      %cond3A_212 = arith.constant 0 : i32
      %cond3A_213 = arith.cmpi ne, %convert_element_type3A_211, %cond3A_212 : i32
      scf.if %cond3A_213 {
        %dma_wait3A_358 = arith.constant 0 : i32
        %dma_wait3A_359 = tpu.memref_slice %arg6[%dma_wait3A_358] : memref<10000xi32, #tpu.memory_space<vmem>> -> memref<80xi32, #tpu.memory_space<vmem>>
        %dma_wait3A_360 = arith.constant 0 : i32
        %dma_wait3A_361 = arith.constant 0 : i32
        %dma_wait3A_362 = tpu.memref_slice %arg2[%dma_wait3A_360, %dma_wait3A_361] : memref<10000x16xf32, #tpu.memory_space<hbm>> -> memref<10000x16xf32, #tpu.memory_space<hbm>>
        tpu.wait_indirect_dma semaphore(%arg23 : memref<!tpu.dma_semaphore, #tpu.memory_space<semaphore_mem>>) src(%dma_wait3A_362 : memref<10000x16xf32, #tpu.memory_space<hbm>>) dst(%arg11 : memref<80x16xf32, #tpu.memory_space<vmem>>)
        %dma_start3A_363 = arith.constant 0 : i32
        %dma_start3A_364 = tpu.memref_slice %arg7[%add3A_201, %dma_start3A_363] : memref<125x80xi32, #tpu.memory_space<vmem>> -> memref<1x80xi32, #tpu.memory_space<vmem>>
        %dma_start3A_365 = tpu.memref_squeeze %dma_start3A_364 : memref<1x80xi32, #tpu.memory_space<vmem>> -> memref<80xi32, #tpu.memory_space<vmem>>
        %dma_start3A_366 = arith.constant 0 : i32
        %dma_start3A_367 = arith.constant 0 : i32
        %dma_start3A_368 = tpu.memref_slice %arg8[%dma_start3A_366, %dma_start3A_367] : memref<10000x16xf32, #tpu.memory_space<vmem_shared>> -> memref<10000x16xf32, #tpu.memory_space<vmem_shared>>
        tpu.enqueue_indirect_dma source(%arg11 : memref<80x16xf32, #tpu.memory_space<vmem>>) target(%dma_start3A_368 : memref<10000x16xf32, #tpu.memory_space<vmem_shared>>) offsets(%dma_start3A_365 : memref<80xi32, #tpu.memory_space<vmem>>) semaphore(%arg35 : memref<!tpu.dma_semaphore, #tpu.memory_space<semaphore_mem>>) {add = true}
      } else {
      }
      %mul3A_214 = arith.constant 12 : i32
      %mul3A_215 = arith.muli %add3A_168, %mul3A_214 : i32
      %add3A_216 = arith.constant 3 : i32
      %add3A_217 = arith.addi %mul3A_215, %add3A_216 : i32
      %add3A_218 = arith.constant 6 : i32
      %add3A_219 = arith.addi %add3A_217, %add3A_218 : i32
      %lt3A_220 = arith.constant 125 : i32
      %lt3A_221 = arith.cmpi slt, %add3A_219, %lt3A_220 : i32
      %convert_element_type3A_222 = arith.extui %lt3A_221 : i1 to i32
      %cond3A_223 = arith.constant 0 : i32
      %cond3A_224 = arith.cmpi ne, %convert_element_type3A_222, %cond3A_223 : i32
      scf.if %cond3A_224 {
        %ge3A = arith.constant 6 : i32
        %ge3A_358 = arith.cmpi sge, %add3A_217, %ge3A : i32
        %convert_element_type3A_359 = arith.extui %ge3A_358 : i1 to i32
        %cond3A_360 = arith.constant 0 : i32
        %cond3A_361 = arith.cmpi ne, %convert_element_type3A_359, %cond3A_360 : i32
        scf.if %cond3A_361 {
          %dma_wait3A_370 = arith.constant 0 : i32
          %dma_wait3A_371 = arith.constant 0 : i32
          %dma_wait3A_372 = tpu.memref_slice %arg7[%dma_wait3A_370, %dma_wait3A_371] : memref<125x80xi32, #tpu.memory_space<vmem>> -> memref<1x80xi32, #tpu.memory_space<vmem>>
          %dma_wait3A_373 = tpu.memref_squeeze %dma_wait3A_372 : memref<1x80xi32, #tpu.memory_space<vmem>> -> memref<80xi32, #tpu.memory_space<vmem>>
          %dma_wait3A_374 = arith.constant 0 : i32
          %dma_wait3A_375 = arith.constant 0 : i32
          %dma_wait3A_376 = tpu.memref_slice %arg8[%dma_wait3A_374, %dma_wait3A_375] : memref<10000x16xf32, #tpu.memory_space<vmem_shared>> -> memref<10000x16xf32, #tpu.memory_space<vmem_shared>>
          tpu.wait_indirect_dma semaphore(%arg42 : memref<!tpu.dma_semaphore, #tpu.memory_space<semaphore_mem>>) src(%arg18 : memref<80x16xf32, #tpu.memory_space<vmem>>) dst(%dma_wait3A_376 : memref<10000x16xf32, #tpu.memory_space<vmem_shared>>)
        } else {
        }
        %add3A_362 = arith.constant 6 : i32
        %add3A_363 = arith.addi %add3A_217, %add3A_362 : i32
        %mul3A_364 = arith.constant 80 : i32
        %mul3A_365 = arith.muli %add3A_363, %mul3A_364 : i32
        %dma_start3A_366 = tpu.memref_slice %arg6[%mul3A_365] : memref<10000xi32, #tpu.memory_space<vmem>> -> memref<80xi32, #tpu.memory_space<vmem>>
        %dma_start3A_367 = arith.constant 0 : i32
        %dma_start3A_368 = arith.constant 0 : i32
        %dma_start3A_369 = tpu.memref_slice %arg2[%dma_start3A_367, %dma_start3A_368] : memref<10000x16xf32, #tpu.memory_space<hbm>> -> memref<10000x16xf32, #tpu.memory_space<hbm>>
        tpu.enqueue_indirect_dma source(%dma_start3A_369 : memref<10000x16xf32, #tpu.memory_space<hbm>>) target(%arg18 : memref<80x16xf32, #tpu.memory_space<vmem>>) offsets(%dma_start3A_366 : memref<80xi32, #tpu.memory_space<vmem>>) semaphore(%arg30 : memref<!tpu.dma_semaphore, #tpu.memory_space<semaphore_mem>>)
      } else {
      }
      %lt3A_225 = arith.constant 125 : i32
      %lt3A_226 = arith.cmpi slt, %add3A_217, %lt3A_225 : i32
      %convert_element_type3A_227 = arith.extui %lt3A_226 : i1 to i32
      %cond3A_228 = arith.constant 0 : i32
      %cond3A_229 = arith.cmpi ne, %convert_element_type3A_227, %cond3A_228 : i32
      scf.if %cond3A_229 {
        %dma_wait3A_358 = arith.constant 0 : i32
        %dma_wait3A_359 = tpu.memref_slice %arg6[%dma_wait3A_358] : memref<10000xi32, #tpu.memory_space<vmem>> -> memref<80xi32, #tpu.memory_space<vmem>>
        %dma_wait3A_360 = arith.constant 0 : i32
        %dma_wait3A_361 = arith.constant 0 : i32
        %dma_wait3A_362 = tpu.memref_slice %arg2[%dma_wait3A_360, %dma_wait3A_361] : memref<10000x16xf32, #tpu.memory_space<hbm>> -> memref<10000x16xf32, #tpu.memory_space<hbm>>
        tpu.wait_indirect_dma semaphore(%arg24 : memref<!tpu.dma_semaphore, #tpu.memory_space<semaphore_mem>>) src(%dma_wait3A_362 : memref<10000x16xf32, #tpu.memory_space<hbm>>) dst(%arg12 : memref<80x16xf32, #tpu.memory_space<vmem>>)
        %dma_start3A_363 = arith.constant 0 : i32
        %dma_start3A_364 = tpu.memref_slice %arg7[%add3A_217, %dma_start3A_363] : memref<125x80xi32, #tpu.memory_space<vmem>> -> memref<1x80xi32, #tpu.memory_space<vmem>>
        %dma_start3A_365 = tpu.memref_squeeze %dma_start3A_364 : memref<1x80xi32, #tpu.memory_space<vmem>> -> memref<80xi32, #tpu.memory_space<vmem>>
        %dma_start3A_366 = arith.constant 0 : i32
        %dma_start3A_367 = arith.constant 0 : i32
        %dma_start3A_368 = tpu.memref_slice %arg8[%dma_start3A_366, %dma_start3A_367] : memref<10000x16xf32, #tpu.memory_space<vmem_shared>> -> memref<10000x16xf32, #tpu.memory_space<vmem_shared>>
        tpu.enqueue_indirect_dma source(%arg12 : memref<80x16xf32, #tpu.memory_space<vmem>>) target(%dma_start3A_368 : memref<10000x16xf32, #tpu.memory_space<vmem_shared>>) offsets(%dma_start3A_365 : memref<80xi32, #tpu.memory_space<vmem>>) semaphore(%arg36 : memref<!tpu.dma_semaphore, #tpu.memory_space<semaphore_mem>>) {add = true}
      } else {
      }
      %mul3A_230 = arith.constant 12 : i32
      %mul3A_231 = arith.muli %add3A_168, %mul3A_230 : i32
      %add3A_232 = arith.constant 4 : i32
      %add3A_233 = arith.addi %mul3A_231, %add3A_232 : i32
      %add3A_234 = arith.constant 6 : i32
      %add3A_235 = arith.addi %add3A_233, %add3A_234 : i32
      %lt3A_236 = arith.constant 125 : i32
      %lt3A_237 = arith.cmpi slt, %add3A_235, %lt3A_236 : i32
      %convert_element_type3A_238 = arith.extui %lt3A_237 : i1 to i32
      %cond3A_239 = arith.constant 0 : i32
      %cond3A_240 = arith.cmpi ne, %convert_element_type3A_238, %cond3A_239 : i32
      scf.if %cond3A_240 {
        %ge3A = arith.constant 6 : i32
        %ge3A_358 = arith.cmpi sge, %add3A_233, %ge3A : i32
        %convert_element_type3A_359 = arith.extui %ge3A_358 : i1 to i32
        %cond3A_360 = arith.constant 0 : i32
        %cond3A_361 = arith.cmpi ne, %convert_element_type3A_359, %cond3A_360 : i32
        scf.if %cond3A_361 {
          %dma_wait3A_370 = arith.constant 0 : i32
          %dma_wait3A_371 = arith.constant 0 : i32
          %dma_wait3A_372 = tpu.memref_slice %arg7[%dma_wait3A_370, %dma_wait3A_371] : memref<125x80xi32, #tpu.memory_space<vmem>> -> memref<1x80xi32, #tpu.memory_space<vmem>>
          %dma_wait3A_373 = tpu.memref_squeeze %dma_wait3A_372 : memref<1x80xi32, #tpu.memory_space<vmem>> -> memref<80xi32, #tpu.memory_space<vmem>>
          %dma_wait3A_374 = arith.constant 0 : i32
          %dma_wait3A_375 = arith.constant 0 : i32
          %dma_wait3A_376 = tpu.memref_slice %arg8[%dma_wait3A_374, %dma_wait3A_375] : memref<10000x16xf32, #tpu.memory_space<vmem_shared>> -> memref<10000x16xf32, #tpu.memory_space<vmem_shared>>
          tpu.wait_indirect_dma semaphore(%arg43 : memref<!tpu.dma_semaphore, #tpu.memory_space<semaphore_mem>>) src(%arg19 : memref<80x16xf32, #tpu.memory_space<vmem>>) dst(%dma_wait3A_376 : memref<10000x16xf32, #tpu.memory_space<vmem_shared>>)
        } else {
        }
        %add3A_362 = arith.constant 6 : i32
        %add3A_363 = arith.addi %add3A_233, %add3A_362 : i32
        %mul3A_364 = arith.constant 80 : i32
        %mul3A_365 = arith.muli %add3A_363, %mul3A_364 : i32
        %dma_start3A_366 = tpu.memref_slice %arg6[%mul3A_365] : memref<10000xi32, #tpu.memory_space<vmem>> -> memref<80xi32, #tpu.memory_space<vmem>>
        %dma_start3A_367 = arith.constant 0 : i32
        %dma_start3A_368 = arith.constant 0 : i32
        %dma_start3A_369 = tpu.memref_slice %arg2[%dma_start3A_367, %dma_start3A_368] : memref<10000x16xf32, #tpu.memory_space<hbm>> -> memref<10000x16xf32, #tpu.memory_space<hbm>>
        tpu.enqueue_indirect_dma source(%dma_start3A_369 : memref<10000x16xf32, #tpu.memory_space<hbm>>) target(%arg19 : memref<80x16xf32, #tpu.memory_space<vmem>>) offsets(%dma_start3A_366 : memref<80xi32, #tpu.memory_space<vmem>>) semaphore(%arg31 : memref<!tpu.dma_semaphore, #tpu.memory_space<semaphore_mem>>)
      } else {
      }
      %lt3A_241 = arith.constant 125 : i32
      %lt3A_242 = arith.cmpi slt, %add3A_233, %lt3A_241 : i32
      %convert_element_type3A_243 = arith.extui %lt3A_242 : i1 to i32
      %cond3A_244 = arith.constant 0 : i32
      %cond3A_245 = arith.cmpi ne, %convert_element_type3A_243, %cond3A_244 : i32
      scf.if %cond3A_245 {
        %dma_wait3A_358 = arith.constant 0 : i32
        %dma_wait3A_359 = tpu.memref_slice %arg6[%dma_wait3A_358] : memref<10000xi32, #tpu.memory_space<vmem>> -> memref<80xi32, #tpu.memory_space<vmem>>
        %dma_wait3A_360 = arith.constant 0 : i32
        %dma_wait3A_361 = arith.constant 0 : i32
        %dma_wait3A_362 = tpu.memref_slice %arg2[%dma_wait3A_360, %dma_wait3A_361] : memref<10000x16xf32, #tpu.memory_space<hbm>> -> memref<10000x16xf32, #tpu.memory_space<hbm>>
        tpu.wait_indirect_dma semaphore(%arg25 : memref<!tpu.dma_semaphore, #tpu.memory_space<semaphore_mem>>) src(%dma_wait3A_362 : memref<10000x16xf32, #tpu.memory_space<hbm>>) dst(%arg13 : memref<80x16xf32, #tpu.memory_space<vmem>>)
        %dma_start3A_363 = arith.constant 0 : i32
        %dma_start3A_364 = tpu.memref_slice %arg7[%add3A_233, %dma_start3A_363] : memref<125x80xi32, #tpu.memory_space<vmem>> -> memref<1x80xi32, #tpu.memory_space<vmem>>
        %dma_start3A_365 = tpu.memref_squeeze %dma_start3A_364 : memref<1x80xi32, #tpu.memory_space<vmem>> -> memref<80xi32, #tpu.memory_space<vmem>>
        %dma_start3A_366 = arith.constant 0 : i32
        %dma_start3A_367 = arith.constant 0 : i32
        %dma_start3A_368 = tpu.memref_slice %arg8[%dma_start3A_366, %dma_start3A_367] : memref<10000x16xf32, #tpu.memory_space<vmem_shared>> -> memref<10000x16xf32, #tpu.memory_space<vmem_shared>>
        tpu.enqueue_indirect_dma source(%arg13 : memref<80x16xf32, #tpu.memory_space<vmem>>) target(%dma_start3A_368 : memref<10000x16xf32, #tpu.memory_space<vmem_shared>>) offsets(%dma_start3A_365 : memref<80xi32, #tpu.memory_space<vmem>>) semaphore(%arg37 : memref<!tpu.dma_semaphore, #tpu.memory_space<semaphore_mem>>) {add = true}
      } else {
      }
      %mul3A_246 = arith.constant 12 : i32
      %mul3A_247 = arith.muli %add3A_168, %mul3A_246 : i32
      %add3A_248 = arith.constant 5 : i32
      %add3A_249 = arith.addi %mul3A_247, %add3A_248 : i32
      %add3A_250 = arith.constant 6 : i32
      %add3A_251 = arith.addi %add3A_249, %add3A_250 : i32
      %lt3A_252 = arith.constant 125 : i32
      %lt3A_253 = arith.cmpi slt, %add3A_251, %lt3A_252 : i32
      %convert_element_type3A_254 = arith.extui %lt3A_253 : i1 to i32
      %cond3A_255 = arith.constant 0 : i32
      %cond3A_256 = arith.cmpi ne, %convert_element_type3A_254, %cond3A_255 : i32
      scf.if %cond3A_256 {
        %ge3A = arith.constant 6 : i32
        %ge3A_358 = arith.cmpi sge, %add3A_249, %ge3A : i32
        %convert_element_type3A_359 = arith.extui %ge3A_358 : i1 to i32
        %cond3A_360 = arith.constant 0 : i32
        %cond3A_361 = arith.cmpi ne, %convert_element_type3A_359, %cond3A_360 : i32
        scf.if %cond3A_361 {
          %dma_wait3A_370 = arith.constant 0 : i32
          %dma_wait3A_371 = arith.constant 0 : i32
          %dma_wait3A_372 = tpu.memref_slice %arg7[%dma_wait3A_370, %dma_wait3A_371] : memref<125x80xi32, #tpu.memory_space<vmem>> -> memref<1x80xi32, #tpu.memory_space<vmem>>
          %dma_wait3A_373 = tpu.memref_squeeze %dma_wait3A_372 : memref<1x80xi32, #tpu.memory_space<vmem>> -> memref<80xi32, #tpu.memory_space<vmem>>
          %dma_wait3A_374 = arith.constant 0 : i32
          %dma_wait3A_375 = arith.constant 0 : i32
          %dma_wait3A_376 = tpu.memref_slice %arg8[%dma_wait3A_374, %dma_wait3A_375] : memref<10000x16xf32, #tpu.memory_space<vmem_shared>> -> memref<10000x16xf32, #tpu.memory_space<vmem_shared>>
          tpu.wait_indirect_dma semaphore(%arg44 : memref<!tpu.dma_semaphore, #tpu.memory_space<semaphore_mem>>) src(%arg20 : memref<80x16xf32, #tpu.memory_space<vmem>>) dst(%dma_wait3A_376 : memref<10000x16xf32, #tpu.memory_space<vmem_shared>>)
        } else {
        }
        %add3A_362 = arith.constant 6 : i32
        %add3A_363 = arith.addi %add3A_249, %add3A_362 : i32
        %mul3A_364 = arith.constant 80 : i32
        %mul3A_365 = arith.muli %add3A_363, %mul3A_364 : i32
        %dma_start3A_366 = tpu.memref_slice %arg6[%mul3A_365] : memref<10000xi32, #tpu.memory_space<vmem>> -> memref<80xi32, #tpu.memory_space<vmem>>
        %dma_start3A_367 = arith.constant 0 : i32
        %dma_start3A_368 = arith.constant 0 : i32
        %dma_start3A_369 = tpu.memref_slice %arg2[%dma_start3A_367, %dma_start3A_368] : memref<10000x16xf32, #tpu.memory_space<hbm>> -> memref<10000x16xf32, #tpu.memory_space<hbm>>
        tpu.enqueue_indirect_dma source(%dma_start3A_369 : memref<10000x16xf32, #tpu.memory_space<hbm>>) target(%arg20 : memref<80x16xf32, #tpu.memory_space<vmem>>) offsets(%dma_start3A_366 : memref<80xi32, #tpu.memory_space<vmem>>) semaphore(%arg32 : memref<!tpu.dma_semaphore, #tpu.memory_space<semaphore_mem>>)
      } else {
      }
      %lt3A_257 = arith.constant 125 : i32
      %lt3A_258 = arith.cmpi slt, %add3A_249, %lt3A_257 : i32
      %convert_element_type3A_259 = arith.extui %lt3A_258 : i1 to i32
      %cond3A_260 = arith.constant 0 : i32
      %cond3A_261 = arith.cmpi ne, %convert_element_type3A_259, %cond3A_260 : i32
      scf.if %cond3A_261 {
        %dma_wait3A_358 = arith.constant 0 : i32
        %dma_wait3A_359 = tpu.memref_slice %arg6[%dma_wait3A_358] : memref<10000xi32, #tpu.memory_space<vmem>> -> memref<80xi32, #tpu.memory_space<vmem>>
        %dma_wait3A_360 = arith.constant 0 : i32
        %dma_wait3A_361 = arith.constant 0 : i32
        %dma_wait3A_362 = tpu.memref_slice %arg2[%dma_wait3A_360, %dma_wait3A_361] : memref<10000x16xf32, #tpu.memory_space<hbm>> -> memref<10000x16xf32, #tpu.memory_space<hbm>>
        tpu.wait_indirect_dma semaphore(%arg26 : memref<!tpu.dma_semaphore, #tpu.memory_space<semaphore_mem>>) src(%dma_wait3A_362 : memref<10000x16xf32, #tpu.memory_space<hbm>>) dst(%arg14 : memref<80x16xf32, #tpu.memory_space<vmem>>)
        %dma_start3A_363 = arith.constant 0 : i32
        %dma_start3A_364 = tpu.memref_slice %arg7[%add3A_249, %dma_start3A_363] : memref<125x80xi32, #tpu.memory_space<vmem>> -> memref<1x80xi32, #tpu.memory_space<vmem>>
        %dma_start3A_365 = tpu.memref_squeeze %dma_start3A_364 : memref<1x80xi32, #tpu.memory_space<vmem>> -> memref<80xi32, #tpu.memory_space<vmem>>
        %dma_start3A_366 = arith.constant 0 : i32
        %dma_start3A_367 = arith.constant 0 : i32
        %dma_start3A_368 = tpu.memref_slice %arg8[%dma_start3A_366, %dma_start3A_367] : memref<10000x16xf32, #tpu.memory_space<vmem_shared>> -> memref<10000x16xf32, #tpu.memory_space<vmem_shared>>
        tpu.enqueue_indirect_dma source(%arg14 : memref<80x16xf32, #tpu.memory_space<vmem>>) target(%dma_start3A_368 : memref<10000x16xf32, #tpu.memory_space<vmem_shared>>) offsets(%dma_start3A_365 : memref<80xi32, #tpu.memory_space<vmem>>) semaphore(%arg38 : memref<!tpu.dma_semaphore, #tpu.memory_space<semaphore_mem>>) {add = true}
      } else {
      }
      %mul3A_262 = arith.constant 12 : i32
      %mul3A_263 = arith.muli %add3A_168, %mul3A_262 : i32
      %add3A_264 = arith.constant 6 : i32
      %add3A_265 = arith.addi %mul3A_263, %add3A_264 : i32
      %add3A_266 = arith.constant 6 : i32
      %add3A_267 = arith.addi %add3A_265, %add3A_266 : i32
      %lt3A_268 = arith.constant 125 : i32
      %lt3A_269 = arith.cmpi slt, %add3A_267, %lt3A_268 : i32
      %convert_element_type3A_270 = arith.extui %lt3A_269 : i1 to i32
      %cond3A_271 = arith.constant 0 : i32
      %cond3A_272 = arith.cmpi ne, %convert_element_type3A_270, %cond3A_271 : i32
      scf.if %cond3A_272 {
        %ge3A = arith.constant 6 : i32
        %ge3A_358 = arith.cmpi sge, %add3A_265, %ge3A : i32
        %convert_element_type3A_359 = arith.extui %ge3A_358 : i1 to i32
        %cond3A_360 = arith.constant 0 : i32
        %cond3A_361 = arith.cmpi ne, %convert_element_type3A_359, %cond3A_360 : i32
        scf.if %cond3A_361 {
          %dma_wait3A_370 = arith.constant 0 : i32
          %dma_wait3A_371 = arith.constant 0 : i32
          %dma_wait3A_372 = tpu.memref_slice %arg7[%dma_wait3A_370, %dma_wait3A_371] : memref<125x80xi32, #tpu.memory_space<vmem>> -> memref<1x80xi32, #tpu.memory_space<vmem>>
          %dma_wait3A_373 = tpu.memref_squeeze %dma_wait3A_372 : memref<1x80xi32, #tpu.memory_space<vmem>> -> memref<80xi32, #tpu.memory_space<vmem>>
          %dma_wait3A_374 = arith.constant 0 : i32
          %dma_wait3A_375 = arith.constant 0 : i32
          %dma_wait3A_376 = tpu.memref_slice %arg8[%dma_wait3A_374, %dma_wait3A_375] : memref<10000x16xf32, #tpu.memory_space<vmem_shared>> -> memref<10000x16xf32, #tpu.memory_space<vmem_shared>>
          tpu.wait_indirect_dma semaphore(%arg33 : memref<!tpu.dma_semaphore, #tpu.memory_space<semaphore_mem>>) src(%arg9 : memref<80x16xf32, #tpu.memory_space<vmem>>) dst(%dma_wait3A_376 : memref<10000x16xf32, #tpu.memory_space<vmem_shared>>)
        } else {
        }
        %add3A_362 = arith.constant 6 : i32
        %add3A_363 = arith.addi %add3A_265, %add3A_362 : i32
        %mul3A_364 = arith.constant 80 : i32
        %mul3A_365 = arith.muli %add3A_363, %mul3A_364 : i32
        %dma_start3A_366 = tpu.memref_slice %arg6[%mul3A_365] : memref<10000xi32, #tpu.memory_space<vmem>> -> memref<80xi32, #tpu.memory_space<vmem>>
        %dma_start3A_367 = arith.constant 0 : i32
        %dma_start3A_368 = arith.constant 0 : i32
        %dma_start3A_369 = tpu.memref_slice %arg2[%dma_start3A_367, %dma_start3A_368] : memref<10000x16xf32, #tpu.memory_space<hbm>> -> memref<10000x16xf32, #tpu.memory_space<hbm>>
        tpu.enqueue_indirect_dma source(%dma_start3A_369 : memref<10000x16xf32, #tpu.memory_space<hbm>>) target(%arg9 : memref<80x16xf32, #tpu.memory_space<vmem>>) offsets(%dma_start3A_366 : memref<80xi32, #tpu.memory_space<vmem>>) semaphore(%arg21 : memref<!tpu.dma_semaphore, #tpu.memory_space<semaphore_mem>>)
      } else {
      }
      %lt3A_273 = arith.constant 125 : i32
      %lt3A_274 = arith.cmpi slt, %add3A_265, %lt3A_273 : i32
      %convert_element_type3A_275 = arith.extui %lt3A_274 : i1 to i32
      %cond3A_276 = arith.constant 0 : i32
      %cond3A_277 = arith.cmpi ne, %convert_element_type3A_275, %cond3A_276 : i32
      scf.if %cond3A_277 {
        %dma_wait3A_358 = arith.constant 0 : i32
        %dma_wait3A_359 = tpu.memref_slice %arg6[%dma_wait3A_358] : memref<10000xi32, #tpu.memory_space<vmem>> -> memref<80xi32, #tpu.memory_space<vmem>>
        %dma_wait3A_360 = arith.constant 0 : i32
        %dma_wait3A_361 = arith.constant 0 : i32
        %dma_wait3A_362 = tpu.memref_slice %arg2[%dma_wait3A_360, %dma_wait3A_361] : memref<10000x16xf32, #tpu.memory_space<hbm>> -> memref<10000x16xf32, #tpu.memory_space<hbm>>
        tpu.wait_indirect_dma semaphore(%arg27 : memref<!tpu.dma_semaphore, #tpu.memory_space<semaphore_mem>>) src(%dma_wait3A_362 : memref<10000x16xf32, #tpu.memory_space<hbm>>) dst(%arg15 : memref<80x16xf32, #tpu.memory_space<vmem>>)
        %dma_start3A_363 = arith.constant 0 : i32
        %dma_start3A_364 = tpu.memref_slice %arg7[%add3A_265, %dma_start3A_363] : memref<125x80xi32, #tpu.memory_space<vmem>> -> memref<1x80xi32, #tpu.memory_space<vmem>>
        %dma_start3A_365 = tpu.memref_squeeze %dma_start3A_364 : memref<1x80xi32, #tpu.memory_space<vmem>> -> memref<80xi32, #tpu.memory_space<vmem>>
        %dma_start3A_366 = arith.constant 0 : i32
        %dma_start3A_367 = arith.constant 0 : i32
        %dma_start3A_368 = tpu.memref_slice %arg8[%dma_start3A_366, %dma_start3A_367] : memref<10000x16xf32, #tpu.memory_space<vmem_shared>> -> memref<10000x16xf32, #tpu.memory_space<vmem_shared>>
        tpu.enqueue_indirect_dma source(%arg15 : memref<80x16xf32, #tpu.memory_space<vmem>>) target(%dma_start3A_368 : memref<10000x16xf32, #tpu.memory_space<vmem_shared>>) offsets(%dma_start3A_365 : memref<80xi32, #tpu.memory_space<vmem>>) semaphore(%arg39 : memref<!tpu.dma_semaphore, #tpu.memory_space<semaphore_mem>>) {add = true}
      } else {
      }
      %mul3A_278 = arith.constant 12 : i32
      %mul3A_279 = arith.muli %add3A_168, %mul3A_278 : i32
      %add3A_280 = arith.constant 7 : i32
      %add3A_281 = arith.addi %mul3A_279, %add3A_280 : i32
      %add3A_282 = arith.constant 6 : i32
      %add3A_283 = arith.addi %add3A_281, %add3A_282 : i32
      %lt3A_284 = arith.constant 125 : i32
      %lt3A_285 = arith.cmpi slt, %add3A_283, %lt3A_284 : i32
      %convert_element_type3A_286 = arith.extui %lt3A_285 : i1 to i32
      %cond3A_287 = arith.constant 0 : i32
      %cond3A_288 = arith.cmpi ne, %convert_element_type3A_286, %cond3A_287 : i32
      scf.if %cond3A_288 {
        %ge3A = arith.constant 6 : i32
        %ge3A_358 = arith.cmpi sge, %add3A_281, %ge3A : i32
        %convert_element_type3A_359 = arith.extui %ge3A_358 : i1 to i32
        %cond3A_360 = arith.constant 0 : i32
        %cond3A_361 = arith.cmpi ne, %convert_element_type3A_359, %cond3A_360 : i32
        scf.if %cond3A_361 {
          %dma_wait3A_370 = arith.constant 0 : i32
          %dma_wait3A_371 = arith.constant 0 : i32
          %dma_wait3A_372 = tpu.memref_slice %arg7[%dma_wait3A_370, %dma_wait3A_371] : memref<125x80xi32, #tpu.memory_space<vmem>> -> memref<1x80xi32, #tpu.memory_space<vmem>>
          %dma_wait3A_373 = tpu.memref_squeeze %dma_wait3A_372 : memref<1x80xi32, #tpu.memory_space<vmem>> -> memref<80xi32, #tpu.memory_space<vmem>>
          %dma_wait3A_374 = arith.constant 0 : i32
          %dma_wait3A_375 = arith.constant 0 : i32
          %dma_wait3A_376 = tpu.memref_slice %arg8[%dma_wait3A_374, %dma_wait3A_375] : memref<10000x16xf32, #tpu.memory_space<vmem_shared>> -> memref<10000x16xf32, #tpu.memory_space<vmem_shared>>
          tpu.wait_indirect_dma semaphore(%arg34 : memref<!tpu.dma_semaphore, #tpu.memory_space<semaphore_mem>>) src(%arg10 : memref<80x16xf32, #tpu.memory_space<vmem>>) dst(%dma_wait3A_376 : memref<10000x16xf32, #tpu.memory_space<vmem_shared>>)
        } else {
        }
        %add3A_362 = arith.constant 6 : i32
        %add3A_363 = arith.addi %add3A_281, %add3A_362 : i32
        %mul3A_364 = arith.constant 80 : i32
        %mul3A_365 = arith.muli %add3A_363, %mul3A_364 : i32
        %dma_start3A_366 = tpu.memref_slice %arg6[%mul3A_365] : memref<10000xi32, #tpu.memory_space<vmem>> -> memref<80xi32, #tpu.memory_space<vmem>>
        %dma_start3A_367 = arith.constant 0 : i32
        %dma_start3A_368 = arith.constant 0 : i32
        %dma_start3A_369 = tpu.memref_slice %arg2[%dma_start3A_367, %dma_start3A_368] : memref<10000x16xf32, #tpu.memory_space<hbm>> -> memref<10000x16xf32, #tpu.memory_space<hbm>>
        tpu.enqueue_indirect_dma source(%dma_start3A_369 : memref<10000x16xf32, #tpu.memory_space<hbm>>) target(%arg10 : memref<80x16xf32, #tpu.memory_space<vmem>>) offsets(%dma_start3A_366 : memref<80xi32, #tpu.memory_space<vmem>>) semaphore(%arg22 : memref<!tpu.dma_semaphore, #tpu.memory_space<semaphore_mem>>)
      } else {
      }
      %lt3A_289 = arith.constant 125 : i32
      %lt3A_290 = arith.cmpi slt, %add3A_281, %lt3A_289 : i32
      %convert_element_type3A_291 = arith.extui %lt3A_290 : i1 to i32
      %cond3A_292 = arith.constant 0 : i32
      %cond3A_293 = arith.cmpi ne, %convert_element_type3A_291, %cond3A_292 : i32
      scf.if %cond3A_293 {
        %dma_wait3A_358 = arith.constant 0 : i32
        %dma_wait3A_359 = tpu.memref_slice %arg6[%dma_wait3A_358] : memref<10000xi32, #tpu.memory_space<vmem>> -> memref<80xi32, #tpu.memory_space<vmem>>
        %dma_wait3A_360 = arith.constant 0 : i32
        %dma_wait3A_361 = arith.constant 0 : i32
        %dma_wait3A_362 = tpu.memref_slice %arg2[%dma_wait3A_360, %dma_wait3A_361] : memref<10000x16xf32, #tpu.memory_space<hbm>> -> memref<10000x16xf32, #tpu.memory_space<hbm>>
        tpu.wait_indirect_dma semaphore(%arg28 : memref<!tpu.dma_semaphore, #tpu.memory_space<semaphore_mem>>) src(%dma_wait3A_362 : memref<10000x16xf32, #tpu.memory_space<hbm>>) dst(%arg16 : memref<80x16xf32, #tpu.memory_space<vmem>>)
        %dma_start3A_363 = arith.constant 0 : i32
        %dma_start3A_364 = tpu.memref_slice %arg7[%add3A_281, %dma_start3A_363] : memref<125x80xi32, #tpu.memory_space<vmem>> -> memref<1x80xi32, #tpu.memory_space<vmem>>
        %dma_start3A_365 = tpu.memref_squeeze %dma_start3A_364 : memref<1x80xi32, #tpu.memory_space<vmem>> -> memref<80xi32, #tpu.memory_space<vmem>>
        %dma_start3A_366 = arith.constant 0 : i32
        %dma_start3A_367 = arith.constant 0 : i32
        %dma_start3A_368 = tpu.memref_slice %arg8[%dma_start3A_366, %dma_start3A_367] : memref<10000x16xf32, #tpu.memory_space<vmem_shared>> -> memref<10000x16xf32, #tpu.memory_space<vmem_shared>>
        tpu.enqueue_indirect_dma source(%arg16 : memref<80x16xf32, #tpu.memory_space<vmem>>) target(%dma_start3A_368 : memref<10000x16xf32, #tpu.memory_space<vmem_shared>>) offsets(%dma_start3A_365 : memref<80xi32, #tpu.memory_space<vmem>>) semaphore(%arg40 : memref<!tpu.dma_semaphore, #tpu.memory_space<semaphore_mem>>) {add = true}
      } else {
      }
      %mul3A_294 = arith.constant 12 : i32
      %mul3A_295 = arith.muli %add3A_168, %mul3A_294 : i32
      %add3A_296 = arith.constant 8 : i32
      %add3A_297 = arith.addi %mul3A_295, %add3A_296 : i32
      %add3A_298 = arith.constant 6 : i32
      %add3A_299 = arith.addi %add3A_297, %add3A_298 : i32
      %lt3A_300 = arith.constant 125 : i32
      %lt3A_301 = arith.cmpi slt, %add3A_299, %lt3A_300 : i32
      %convert_element_type3A_302 = arith.extui %lt3A_301 : i1 to i32
      %cond3A_303 = arith.constant 0 : i32
      %cond3A_304 = arith.cmpi ne, %convert_element_type3A_302, %cond3A_303 : i32
      scf.if %cond3A_304 {
        %ge3A = arith.constant 6 : i32
        %ge3A_358 = arith.cmpi sge, %add3A_297, %ge3A : i32
        %convert_element_type3A_359 = arith.extui %ge3A_358 : i1 to i32
        %cond3A_360 = arith.constant 0 : i32
        %cond3A_361 = arith.cmpi ne, %convert_element_type3A_359, %cond3A_360 : i32
        scf.if %cond3A_361 {
          %dma_wait3A_370 = arith.constant 0 : i32
          %dma_wait3A_371 = arith.constant 0 : i32
          %dma_wait3A_372 = tpu.memref_slice %arg7[%dma_wait3A_370, %dma_wait3A_371] : memref<125x80xi32, #tpu.memory_space<vmem>> -> memref<1x80xi32, #tpu.memory_space<vmem>>
          %dma_wait3A_373 = tpu.memref_squeeze %dma_wait3A_372 : memref<1x80xi32, #tpu.memory_space<vmem>> -> memref<80xi32, #tpu.memory_space<vmem>>
          %dma_wait3A_374 = arith.constant 0 : i32
          %dma_wait3A_375 = arith.constant 0 : i32
          %dma_wait3A_376 = tpu.memref_slice %arg8[%dma_wait3A_374, %dma_wait3A_375] : memref<10000x16xf32, #tpu.memory_space<vmem_shared>> -> memref<10000x16xf32, #tpu.memory_space<vmem_shared>>
          tpu.wait_indirect_dma semaphore(%arg35 : memref<!tpu.dma_semaphore, #tpu.memory_space<semaphore_mem>>) src(%arg11 : memref<80x16xf32, #tpu.memory_space<vmem>>) dst(%dma_wait3A_376 : memref<10000x16xf32, #tpu.memory_space<vmem_shared>>)
        } else {
        }
        %add3A_362 = arith.constant 6 : i32
        %add3A_363 = arith.addi %add3A_297, %add3A_362 : i32
        %mul3A_364 = arith.constant 80 : i32
        %mul3A_365 = arith.muli %add3A_363, %mul3A_364 : i32
        %dma_start3A_366 = tpu.memref_slice %arg6[%mul3A_365] : memref<10000xi32, #tpu.memory_space<vmem>> -> memref<80xi32, #tpu.memory_space<vmem>>
        %dma_start3A_367 = arith.constant 0 : i32
        %dma_start3A_368 = arith.constant 0 : i32
        %dma_start3A_369 = tpu.memref_slice %arg2[%dma_start3A_367, %dma_start3A_368] : memref<10000x16xf32, #tpu.memory_space<hbm>> -> memref<10000x16xf32, #tpu.memory_space<hbm>>
        tpu.enqueue_indirect_dma source(%dma_start3A_369 : memref<10000x16xf32, #tpu.memory_space<hbm>>) target(%arg11 : memref<80x16xf32, #tpu.memory_space<vmem>>) offsets(%dma_start3A_366 : memref<80xi32, #tpu.memory_space<vmem>>) semaphore(%arg23 : memref<!tpu.dma_semaphore, #tpu.memory_space<semaphore_mem>>)
      } else {
      }
      %lt3A_305 = arith.constant 125 : i32
      %lt3A_306 = arith.cmpi slt, %add3A_297, %lt3A_305 : i32
      %convert_element_type3A_307 = arith.extui %lt3A_306 : i1 to i32
      %cond3A_308 = arith.constant 0 : i32
      %cond3A_309 = arith.cmpi ne, %convert_element_type3A_307, %cond3A_308 : i32
      scf.if %cond3A_309 {
        %dma_wait3A_358 = arith.constant 0 : i32
        %dma_wait3A_359 = tpu.memref_slice %arg6[%dma_wait3A_358] : memref<10000xi32, #tpu.memory_space<vmem>> -> memref<80xi32, #tpu.memory_space<vmem>>
        %dma_wait3A_360 = arith.constant 0 : i32
        %dma_wait3A_361 = arith.constant 0 : i32
        %dma_wait3A_362 = tpu.memref_slice %arg2[%dma_wait3A_360, %dma_wait3A_361] : memref<10000x16xf32, #tpu.memory_space<hbm>> -> memref<10000x16xf32, #tpu.memory_space<hbm>>
        tpu.wait_indirect_dma semaphore(%arg29 : memref<!tpu.dma_semaphore, #tpu.memory_space<semaphore_mem>>) src(%dma_wait3A_362 : memref<10000x16xf32, #tpu.memory_space<hbm>>) dst(%arg17 : memref<80x16xf32, #tpu.memory_space<vmem>>)
        %dma_start3A_363 = arith.constant 0 : i32
        %dma_start3A_364 = tpu.memref_slice %arg7[%add3A_297, %dma_start3A_363] : memref<125x80xi32, #tpu.memory_space<vmem>> -> memref<1x80xi32, #tpu.memory_space<vmem>>
        %dma_start3A_365 = tpu.memref_squeeze %dma_start3A_364 : memref<1x80xi32, #tpu.memory_space<vmem>> -> memref<80xi32, #tpu.memory_space<vmem>>
        %dma_start3A_366 = arith.constant 0 : i32
        %dma_start3A_367 = arith.constant 0 : i32
        %dma_start3A_368 = tpu.memref_slice %arg8[%dma_start3A_366, %dma_start3A_367] : memref<10000x16xf32, #tpu.memory_space<vmem_shared>> -> memref<10000x16xf32, #tpu.memory_space<vmem_shared>>
        tpu.enqueue_indirect_dma source(%arg17 : memref<80x16xf32, #tpu.memory_space<vmem>>) target(%dma_start3A_368 : memref<10000x16xf32, #tpu.memory_space<vmem_shared>>) offsets(%dma_start3A_365 : memref<80xi32, #tpu.memory_space<vmem>>) semaphore(%arg41 : memref<!tpu.dma_semaphore, #tpu.memory_space<semaphore_mem>>) {add = true}
      } else {
      }
      %mul3A_310 = arith.constant 12 : i32
      %mul3A_311 = arith.muli %add3A_168, %mul3A_310 : i32
      %add3A_312 = arith.constant 9 : i32
      %add3A_313 = arith.addi %mul3A_311, %add3A_312 : i32
      %add3A_314 = arith.constant 6 : i32
      %add3A_315 = arith.addi %add3A_313, %add3A_314 : i32
      %lt3A_316 = arith.constant 125 : i32
      %lt3A_317 = arith.cmpi slt, %add3A_315, %lt3A_316 : i32
      %convert_element_type3A_318 = arith.extui %lt3A_317 : i1 to i32
      %cond3A_319 = arith.constant 0 : i32
      %cond3A_320 = arith.cmpi ne, %convert_element_type3A_318, %cond3A_319 : i32
      scf.if %cond3A_320 {
        %ge3A = arith.constant 6 : i32
        %ge3A_358 = arith.cmpi sge, %add3A_313, %ge3A : i32
        %convert_element_type3A_359 = arith.extui %ge3A_358 : i1 to i32
        %cond3A_360 = arith.constant 0 : i32
        %cond3A_361 = arith.cmpi ne, %convert_element_type3A_359, %cond3A_360 : i32
        scf.if %cond3A_361 {
          %dma_wait3A_370 = arith.constant 0 : i32
          %dma_wait3A_371 = arith.constant 0 : i32
          %dma_wait3A_372 = tpu.memref_slice %arg7[%dma_wait3A_370, %dma_wait3A_371] : memref<125x80xi32, #tpu.memory_space<vmem>> -> memref<1x80xi32, #tpu.memory_space<vmem>>
          %dma_wait3A_373 = tpu.memref_squeeze %dma_wait3A_372 : memref<1x80xi32, #tpu.memory_space<vmem>> -> memref<80xi32, #tpu.memory_space<vmem>>
          %dma_wait3A_374 = arith.constant 0 : i32
          %dma_wait3A_375 = arith.constant 0 : i32
          %dma_wait3A_376 = tpu.memref_slice %arg8[%dma_wait3A_374, %dma_wait3A_375] : memref<10000x16xf32, #tpu.memory_space<vmem_shared>> -> memref<10000x16xf32, #tpu.memory_space<vmem_shared>>
          tpu.wait_indirect_dma semaphore(%arg36 : memref<!tpu.dma_semaphore, #tpu.memory_space<semaphore_mem>>) src(%arg12 : memref<80x16xf32, #tpu.memory_space<vmem>>) dst(%dma_wait3A_376 : memref<10000x16xf32, #tpu.memory_space<vmem_shared>>)
        } else {
        }
        %add3A_362 = arith.constant 6 : i32
        %add3A_363 = arith.addi %add3A_313, %add3A_362 : i32
        %mul3A_364 = arith.constant 80 : i32
        %mul3A_365 = arith.muli %add3A_363, %mul3A_364 : i32
        %dma_start3A_366 = tpu.memref_slice %arg6[%mul3A_365] : memref<10000xi32, #tpu.memory_space<vmem>> -> memref<80xi32, #tpu.memory_space<vmem>>
        %dma_start3A_367 = arith.constant 0 : i32
        %dma_start3A_368 = arith.constant 0 : i32
        %dma_start3A_369 = tpu.memref_slice %arg2[%dma_start3A_367, %dma_start3A_368] : memref<10000x16xf32, #tpu.memory_space<hbm>> -> memref<10000x16xf32, #tpu.memory_space<hbm>>
        tpu.enqueue_indirect_dma source(%dma_start3A_369 : memref<10000x16xf32, #tpu.memory_space<hbm>>) target(%arg12 : memref<80x16xf32, #tpu.memory_space<vmem>>) offsets(%dma_start3A_366 : memref<80xi32, #tpu.memory_space<vmem>>) semaphore(%arg24 : memref<!tpu.dma_semaphore, #tpu.memory_space<semaphore_mem>>)
      } else {
      }
      %lt3A_321 = arith.constant 125 : i32
      %lt3A_322 = arith.cmpi slt, %add3A_313, %lt3A_321 : i32
      %convert_element_type3A_323 = arith.extui %lt3A_322 : i1 to i32
      %cond3A_324 = arith.constant 0 : i32
      %cond3A_325 = arith.cmpi ne, %convert_element_type3A_323, %cond3A_324 : i32
      scf.if %cond3A_325 {
        %dma_wait3A_358 = arith.constant 0 : i32
        %dma_wait3A_359 = tpu.memref_slice %arg6[%dma_wait3A_358] : memref<10000xi32, #tpu.memory_space<vmem>> -> memref<80xi32, #tpu.memory_space<vmem>>
        %dma_wait3A_360 = arith.constant 0 : i32
        %dma_wait3A_361 = arith.constant 0 : i32
        %dma_wait3A_362 = tpu.memref_slice %arg2[%dma_wait3A_360, %dma_wait3A_361] : memref<10000x16xf32, #tpu.memory_space<hbm>> -> memref<10000x16xf32, #tpu.memory_space<hbm>>
        tpu.wait_indirect_dma semaphore(%arg30 : memref<!tpu.dma_semaphore, #tpu.memory_space<semaphore_mem>>) src(%dma_wait3A_362 : memref<10000x16xf32, #tpu.memory_space<hbm>>) dst(%arg18 : memref<80x16xf32, #tpu.memory_space<vmem>>)
        %dma_start3A_363 = arith.constant 0 : i32
        %dma_start3A_364 = tpu.memref_slice %arg7[%add3A_313, %dma_start3A_363] : memref<125x80xi32, #tpu.memory_space<vmem>> -> memref<1x80xi32, #tpu.memory_space<vmem>>
        %dma_start3A_365 = tpu.memref_squeeze %dma_start3A_364 : memref<1x80xi32, #tpu.memory_space<vmem>> -> memref<80xi32, #tpu.memory_space<vmem>>
        %dma_start3A_366 = arith.constant 0 : i32
        %dma_start3A_367 = arith.constant 0 : i32
        %dma_start3A_368 = tpu.memref_slice %arg8[%dma_start3A_366, %dma_start3A_367] : memref<10000x16xf32, #tpu.memory_space<vmem_shared>> -> memref<10000x16xf32, #tpu.memory_space<vmem_shared>>
        tpu.enqueue_indirect_dma source(%arg18 : memref<80x16xf32, #tpu.memory_space<vmem>>) target(%dma_start3A_368 : memref<10000x16xf32, #tpu.memory_space<vmem_shared>>) offsets(%dma_start3A_365 : memref<80xi32, #tpu.memory_space<vmem>>) semaphore(%arg42 : memref<!tpu.dma_semaphore, #tpu.memory_space<semaphore_mem>>) {add = true}
      } else {
      }
      %mul3A_326 = arith.constant 12 : i32
      %mul3A_327 = arith.muli %add3A_168, %mul3A_326 : i32
      %add3A_328 = arith.constant 10 : i32
      %add3A_329 = arith.addi %mul3A_327, %add3A_328 : i32
      %add3A_330 = arith.constant 6 : i32
      %add3A_331 = arith.addi %add3A_329, %add3A_330 : i32
      %lt3A_332 = arith.constant 125 : i32
      %lt3A_333 = arith.cmpi slt, %add3A_331, %lt3A_332 : i32
      %convert_element_type3A_334 = arith.extui %lt3A_333 : i1 to i32
      %cond3A_335 = arith.constant 0 : i32
      %cond3A_336 = arith.cmpi ne, %convert_element_type3A_334, %cond3A_335 : i32
      scf.if %cond3A_336 {
        %ge3A = arith.constant 6 : i32
        %ge3A_358 = arith.cmpi sge, %add3A_329, %ge3A : i32
        %convert_element_type3A_359 = arith.extui %ge3A_358 : i1 to i32
        %cond3A_360 = arith.constant 0 : i32
        %cond3A_361 = arith.cmpi ne, %convert_element_type3A_359, %cond3A_360 : i32
        scf.if %cond3A_361 {
          %dma_wait3A_370 = arith.constant 0 : i32
          %dma_wait3A_371 = arith.constant 0 : i32
          %dma_wait3A_372 = tpu.memref_slice %arg7[%dma_wait3A_370, %dma_wait3A_371] : memref<125x80xi32, #tpu.memory_space<vmem>> -> memref<1x80xi32, #tpu.memory_space<vmem>>
          %dma_wait3A_373 = tpu.memref_squeeze %dma_wait3A_372 : memref<1x80xi32, #tpu.memory_space<vmem>> -> memref<80xi32, #tpu.memory_space<vmem>>
          %dma_wait3A_374 = arith.constant 0 : i32
          %dma_wait3A_375 = arith.constant 0 : i32
          %dma_wait3A_376 = tpu.memref_slice %arg8[%dma_wait3A_374, %dma_wait3A_375] : memref<10000x16xf32, #tpu.memory_space<vmem_shared>> -> memref<10000x16xf32, #tpu.memory_space<vmem_shared>>
          tpu.wait_indirect_dma semaphore(%arg37 : memref<!tpu.dma_semaphore, #tpu.memory_space<semaphore_mem>>) src(%arg13 : memref<80x16xf32, #tpu.memory_space<vmem>>) dst(%dma_wait3A_376 : memref<10000x16xf32, #tpu.memory_space<vmem_shared>>)
        } else {
        }
        %add3A_362 = arith.constant 6 : i32
        %add3A_363 = arith.addi %add3A_329, %add3A_362 : i32
        %mul3A_364 = arith.constant 80 : i32
        %mul3A_365 = arith.muli %add3A_363, %mul3A_364 : i32
        %dma_start3A_366 = tpu.memref_slice %arg6[%mul3A_365] : memref<10000xi32, #tpu.memory_space<vmem>> -> memref<80xi32, #tpu.memory_space<vmem>>
        %dma_start3A_367 = arith.constant 0 : i32
        %dma_start3A_368 = arith.constant 0 : i32
        %dma_start3A_369 = tpu.memref_slice %arg2[%dma_start3A_367, %dma_start3A_368] : memref<10000x16xf32, #tpu.memory_space<hbm>> -> memref<10000x16xf32, #tpu.memory_space<hbm>>
        tpu.enqueue_indirect_dma source(%dma_start3A_369 : memref<10000x16xf32, #tpu.memory_space<hbm>>) target(%arg13 : memref<80x16xf32, #tpu.memory_space<vmem>>) offsets(%dma_start3A_366 : memref<80xi32, #tpu.memory_space<vmem>>) semaphore(%arg25 : memref<!tpu.dma_semaphore, #tpu.memory_space<semaphore_mem>>)
      } else {
      }
      %lt3A_337 = arith.constant 125 : i32
      %lt3A_338 = arith.cmpi slt, %add3A_329, %lt3A_337 : i32
      %convert_element_type3A_339 = arith.extui %lt3A_338 : i1 to i32
      %cond3A_340 = arith.constant 0 : i32
      %cond3A_341 = arith.cmpi ne, %convert_element_type3A_339, %cond3A_340 : i32
      scf.if %cond3A_341 {
        %dma_wait3A_358 = arith.constant 0 : i32
        %dma_wait3A_359 = tpu.memref_slice %arg6[%dma_wait3A_358] : memref<10000xi32, #tpu.memory_space<vmem>> -> memref<80xi32, #tpu.memory_space<vmem>>
        %dma_wait3A_360 = arith.constant 0 : i32
        %dma_wait3A_361 = arith.constant 0 : i32
        %dma_wait3A_362 = tpu.memref_slice %arg2[%dma_wait3A_360, %dma_wait3A_361] : memref<10000x16xf32, #tpu.memory_space<hbm>> -> memref<10000x16xf32, #tpu.memory_space<hbm>>
        tpu.wait_indirect_dma semaphore(%arg31 : memref<!tpu.dma_semaphore, #tpu.memory_space<semaphore_mem>>) src(%dma_wait3A_362 : memref<10000x16xf32, #tpu.memory_space<hbm>>) dst(%arg19 : memref<80x16xf32, #tpu.memory_space<vmem>>)
        %dma_start3A_363 = arith.constant 0 : i32
        %dma_start3A_364 = tpu.memref_slice %arg7[%add3A_329, %dma_start3A_363] : memref<125x80xi32, #tpu.memory_space<vmem>> -> memref<1x80xi32, #tpu.memory_space<vmem>>
        %dma_start3A_365 = tpu.memref_squeeze %dma_start3A_364 : memref<1x80xi32, #tpu.memory_space<vmem>> -> memref<80xi32, #tpu.memory_space<vmem>>
        %dma_start3A_366 = arith.constant 0 : i32
        %dma_start3A_367 = arith.constant 0 : i32
        %dma_start3A_368 = tpu.memref_slice %arg8[%dma_start3A_366, %dma_start3A_367] : memref<10000x16xf32, #tpu.memory_space<vmem_shared>> -> memref<10000x16xf32, #tpu.memory_space<vmem_shared>>
        tpu.enqueue_indirect_dma source(%arg19 : memref<80x16xf32, #tpu.memory_space<vmem>>) target(%dma_start3A_368 : memref<10000x16xf32, #tpu.memory_space<vmem_shared>>) offsets(%dma_start3A_365 : memref<80xi32, #tpu.memory_space<vmem>>) semaphore(%arg43 : memref<!tpu.dma_semaphore, #tpu.memory_space<semaphore_mem>>) {add = true}
      } else {
      }
      %mul3A_342 = arith.constant 12 : i32
      %mul3A_343 = arith.muli %add3A_168, %mul3A_342 : i32
      %add3A_344 = arith.constant 11 : i32
      %add3A_345 = arith.addi %mul3A_343, %add3A_344 : i32
      %add3A_346 = arith.constant 6 : i32
      %add3A_347 = arith.addi %add3A_345, %add3A_346 : i32
      %lt3A_348 = arith.constant 125 : i32
      %lt3A_349 = arith.cmpi slt, %add3A_347, %lt3A_348 : i32
      %convert_element_type3A_350 = arith.extui %lt3A_349 : i1 to i32
      %cond3A_351 = arith.constant 0 : i32
      %cond3A_352 = arith.cmpi ne, %convert_element_type3A_350, %cond3A_351 : i32
      scf.if %cond3A_352 {
        %ge3A = arith.constant 6 : i32
        %ge3A_358 = arith.cmpi sge, %add3A_345, %ge3A : i32
        %convert_element_type3A_359 = arith.extui %ge3A_358 : i1 to i32
        %cond3A_360 = arith.constant 0 : i32
        %cond3A_361 = arith.cmpi ne, %convert_element_type3A_359, %cond3A_360 : i32
        scf.if %cond3A_361 {
          %dma_wait3A_370 = arith.constant 0 : i32
          %dma_wait3A_371 = arith.constant 0 : i32
          %dma_wait3A_372 = tpu.memref_slice %arg7[%dma_wait3A_370, %dma_wait3A_371] : memref<125x80xi32, #tpu.memory_space<vmem>> -> memref<1x80xi32, #tpu.memory_space<vmem>>
          %dma_wait3A_373 = tpu.memref_squeeze %dma_wait3A_372 : memref<1x80xi32, #tpu.memory_space<vmem>> -> memref<80xi32, #tpu.memory_space<vmem>>
          %dma_wait3A_374 = arith.constant 0 : i32
          %dma_wait3A_375 = arith.constant 0 : i32
          %dma_wait3A_376 = tpu.memref_slice %arg8[%dma_wait3A_374, %dma_wait3A_375] : memref<10000x16xf32, #tpu.memory_space<vmem_shared>> -> memref<10000x16xf32, #tpu.memory_space<vmem_shared>>
          tpu.wait_indirect_dma semaphore(%arg38 : memref<!tpu.dma_semaphore, #tpu.memory_space<semaphore_mem>>) src(%arg14 : memref<80x16xf32, #tpu.memory_space<vmem>>) dst(%dma_wait3A_376 : memref<10000x16xf32, #tpu.memory_space<vmem_shared>>)
        } else {
        }
        %add3A_362 = arith.constant 6 : i32
        %add3A_363 = arith.addi %add3A_345, %add3A_362 : i32
        %mul3A_364 = arith.constant 80 : i32
        %mul3A_365 = arith.muli %add3A_363, %mul3A_364 : i32
        %dma_start3A_366 = tpu.memref_slice %arg6[%mul3A_365] : memref<10000xi32, #tpu.memory_space<vmem>> -> memref<80xi32, #tpu.memory_space<vmem>>
        %dma_start3A_367 = arith.constant 0 : i32
        %dma_start3A_368 = arith.constant 0 : i32
        %dma_start3A_369 = tpu.memref_slice %arg2[%dma_start3A_367, %dma_start3A_368] : memref<10000x16xf32, #tpu.memory_space<hbm>> -> memref<10000x16xf32, #tpu.memory_space<hbm>>
        tpu.enqueue_indirect_dma source(%dma_start3A_369 : memref<10000x16xf32, #tpu.memory_space<hbm>>) target(%arg14 : memref<80x16xf32, #tpu.memory_space<vmem>>) offsets(%dma_start3A_366 : memref<80xi32, #tpu.memory_space<vmem>>) semaphore(%arg26 : memref<!tpu.dma_semaphore, #tpu.memory_space<semaphore_mem>>)
      } else {
      }
      %lt3A_353 = arith.constant 125 : i32
      %lt3A_354 = arith.cmpi slt, %add3A_345, %lt3A_353 : i32
      %convert_element_type3A_355 = arith.extui %lt3A_354 : i1 to i32
      %cond3A_356 = arith.constant 0 : i32
      %cond3A_357 = arith.cmpi ne, %convert_element_type3A_355, %cond3A_356 : i32
      scf.if %cond3A_357 {
        %dma_wait3A_358 = arith.constant 0 : i32
        %dma_wait3A_359 = tpu.memref_slice %arg6[%dma_wait3A_358] : memref<10000xi32, #tpu.memory_space<vmem>> -> memref<80xi32, #tpu.memory_space<vmem>>
        %dma_wait3A_360 = arith.constant 0 : i32
        %dma_wait3A_361 = arith.constant 0 : i32
        %dma_wait3A_362 = tpu.memref_slice %arg2[%dma_wait3A_360, %dma_wait3A_361] : memref<10000x16xf32, #tpu.memory_space<hbm>> -> memref<10000x16xf32, #tpu.memory_space<hbm>>
        tpu.wait_indirect_dma semaphore(%arg32 : memref<!tpu.dma_semaphore, #tpu.memory_space<semaphore_mem>>) src(%dma_wait3A_362 : memref<10000x16xf32, #tpu.memory_space<hbm>>) dst(%arg20 : memref<80x16xf32, #tpu.memory_space<vmem>>)
        %dma_start3A_363 = arith.constant 0 : i32
        %dma_start3A_364 = tpu.memref_slice %arg7[%add3A_345, %dma_start3A_363] : memref<125x80xi32, #tpu.memory_space<vmem>> -> memref<1x80xi32, #tpu.memory_space<vmem>>
        %dma_start3A_365 = tpu.memref_squeeze %dma_start3A_364 : memref<1x80xi32, #tpu.memory_space<vmem>> -> memref<80xi32, #tpu.memory_space<vmem>>
        %dma_start3A_366 = arith.constant 0 : i32
        %dma_start3A_367 = arith.constant 0 : i32
        %dma_start3A_368 = tpu.memref_slice %arg8[%dma_start3A_366, %dma_start3A_367] : memref<10000x16xf32, #tpu.memory_space<vmem_shared>> -> memref<10000x16xf32, #tpu.memory_space<vmem_shared>>
        tpu.enqueue_indirect_dma source(%arg20 : memref<80x16xf32, #tpu.memory_space<vmem>>) target(%dma_start3A_368 : memref<10000x16xf32, #tpu.memory_space<vmem_shared>>) offsets(%dma_start3A_365 : memref<80xi32, #tpu.memory_space<vmem>>) semaphore(%arg44 : memref<!tpu.dma_semaphore, #tpu.memory_space<semaphore_mem>>) {add = true}
      } else {
      }
    }
    %scan3A_64 = arith.constant 11 : i32
    %dma_wait3A_65 = arith.constant 0 : i32
    %dma_wait3A_66 = arith.constant 0 : i32
    %dma_wait3A_67 = tpu.memref_slice %arg7[%dma_wait3A_65, %dma_wait3A_66] : memref<125x80xi32, #tpu.memory_space<vmem>> -> memref<1x80xi32, #tpu.memory_space<vmem>>
    %dma_wait3A_68 = tpu.memref_squeeze %dma_wait3A_67 : memref<1x80xi32, #tpu.memory_space<vmem>> -> memref<80xi32, #tpu.memory_space<vmem>>
    %dma_wait3A_69 = arith.constant 0 : i32
    %dma_wait3A_70 = arith.constant 0 : i32
    %dma_wait3A_71 = tpu.memref_slice %arg8[%dma_wait3A_69, %dma_wait3A_70] : memref<10000x16xf32, #tpu.memory_space<vmem_shared>> -> memref<10000x16xf32, #tpu.memory_space<vmem_shared>>
    tpu.wait_indirect_dma semaphore(%arg33 : memref<!tpu.dma_semaphore, #tpu.memory_space<semaphore_mem>>) src(%arg9 : memref<80x16xf32, #tpu.memory_space<vmem>>) dst(%dma_wait3A_71 : memref<10000x16xf32, #tpu.memory_space<vmem_shared>>)
    %dma_wait3A_72 = arith.constant 0 : i32
    %dma_wait3A_73 = arith.constant 0 : i32
    %dma_wait3A_74 = tpu.memref_slice %arg7[%dma_wait3A_72, %dma_wait3A_73] : memref<125x80xi32, #tpu.memory_space<vmem>> -> memref<1x80xi32, #tpu.memory_space<vmem>>
    %dma_wait3A_75 = tpu.memref_squeeze %dma_wait3A_74 : memref<1x80xi32, #tpu.memory_space<vmem>> -> memref<80xi32, #tpu.memory_space<vmem>>
    %dma_wait3A_76 = arith.constant 0 : i32
    %dma_wait3A_77 = arith.constant 0 : i32
    %dma_wait3A_78 = tpu.memref_slice %arg8[%dma_wait3A_76, %dma_wait3A_77] : memref<10000x16xf32, #tpu.memory_space<vmem_shared>> -> memref<10000x16xf32, #tpu.memory_space<vmem_shared>>
    tpu.wait_indirect_dma semaphore(%arg34 : memref<!tpu.dma_semaphore, #tpu.memory_space<semaphore_mem>>) src(%arg10 : memref<80x16xf32, #tpu.memory_space<vmem>>) dst(%dma_wait3A_78 : memref<10000x16xf32, #tpu.memory_space<vmem_shared>>)
    %dma_wait3A_79 = arith.constant 0 : i32
    %dma_wait3A_80 = arith.constant 0 : i32
    %dma_wait3A_81 = tpu.memref_slice %arg7[%dma_wait3A_79, %dma_wait3A_80] : memref<125x80xi32, #tpu.memory_space<vmem>> -> memref<1x80xi32, #tpu.memory_space<vmem>>
    %dma_wait3A_82 = tpu.memref_squeeze %dma_wait3A_81 : memref<1x80xi32, #tpu.memory_space<vmem>> -> memref<80xi32, #tpu.memory_space<vmem>>
    %dma_wait3A_83 = arith.constant 0 : i32
    %dma_wait3A_84 = arith.constant 0 : i32
    %dma_wait3A_85 = tpu.memref_slice %arg8[%dma_wait3A_83, %dma_wait3A_84] : memref<10000x16xf32, #tpu.memory_space<vmem_shared>> -> memref<10000x16xf32, #tpu.memory_space<vmem_shared>>
    tpu.wait_indirect_dma semaphore(%arg35 : memref<!tpu.dma_semaphore, #tpu.memory_space<semaphore_mem>>) src(%arg11 : memref<80x16xf32, #tpu.memory_space<vmem>>) dst(%dma_wait3A_85 : memref<10000x16xf32, #tpu.memory_space<vmem_shared>>)
    %dma_wait3A_86 = arith.constant 0 : i32
    %dma_wait3A_87 = arith.constant 0 : i32
    %dma_wait3A_88 = tpu.memref_slice %arg7[%dma_wait3A_86, %dma_wait3A_87] : memref<125x80xi32, #tpu.memory_space<vmem>> -> memref<1x80xi32, #tpu.memory_space<vmem>>
    %dma_wait3A_89 = tpu.memref_squeeze %dma_wait3A_88 : memref<1x80xi32, #tpu.memory_space<vmem>> -> memref<80xi32, #tpu.memory_space<vmem>>
    %dma_wait3A_90 = arith.constant 0 : i32
    %dma_wait3A_91 = arith.constant 0 : i32
    %dma_wait3A_92 = tpu.memref_slice %arg8[%dma_wait3A_90, %dma_wait3A_91] : memref<10000x16xf32, #tpu.memory_space<vmem_shared>> -> memref<10000x16xf32, #tpu.memory_space<vmem_shared>>
    tpu.wait_indirect_dma semaphore(%arg36 : memref<!tpu.dma_semaphore, #tpu.memory_space<semaphore_mem>>) src(%arg12 : memref<80x16xf32, #tpu.memory_space<vmem>>) dst(%dma_wait3A_92 : memref<10000x16xf32, #tpu.memory_space<vmem_shared>>)
    %dma_wait3A_93 = arith.constant 0 : i32
    %dma_wait3A_94 = arith.constant 0 : i32
    %dma_wait3A_95 = tpu.memref_slice %arg7[%dma_wait3A_93, %dma_wait3A_94] : memref<125x80xi32, #tpu.memory_space<vmem>> -> memref<1x80xi32, #tpu.memory_space<vmem>>
    %dma_wait3A_96 = tpu.memref_squeeze %dma_wait3A_95 : memref<1x80xi32, #tpu.memory_space<vmem>> -> memref<80xi32, #tpu.memory_space<vmem>>
    %dma_wait3A_97 = arith.constant 0 : i32
    %dma_wait3A_98 = arith.constant 0 : i32
    %dma_wait3A_99 = tpu.memref_slice %arg8[%dma_wait3A_97, %dma_wait3A_98] : memref<10000x16xf32, #tpu.memory_space<vmem_shared>> -> memref<10000x16xf32, #tpu.memory_space<vmem_shared>>
    tpu.wait_indirect_dma semaphore(%arg37 : memref<!tpu.dma_semaphore, #tpu.memory_space<semaphore_mem>>) src(%arg13 : memref<80x16xf32, #tpu.memory_space<vmem>>) dst(%dma_wait3A_99 : memref<10000x16xf32, #tpu.memory_space<vmem_shared>>)
    %dma_wait3A_100 = arith.constant 0 : i32
    %dma_wait3A_101 = arith.constant 0 : i32
    %dma_wait3A_102 = tpu.memref_slice %arg7[%dma_wait3A_100, %dma_wait3A_101] : memref<125x80xi32, #tpu.memory_space<vmem>> -> memref<1x80xi32, #tpu.memory_space<vmem>>
    %dma_wait3A_103 = tpu.memref_squeeze %dma_wait3A_102 : memref<1x80xi32, #tpu.memory_space<vmem>> -> memref<80xi32, #tpu.memory_space<vmem>>
    %dma_wait3A_104 = arith.constant 0 : i32
    %dma_wait3A_105 = arith.constant 0 : i32
    %dma_wait3A_106 = tpu.memref_slice %arg8[%dma_wait3A_104, %dma_wait3A_105] : memref<10000x16xf32, #tpu.memory_space<vmem_shared>> -> memref<10000x16xf32, #tpu.memory_space<vmem_shared>>
    tpu.wait_indirect_dma semaphore(%arg38 : memref<!tpu.dma_semaphore, #tpu.memory_space<semaphore_mem>>) src(%arg14 : memref<80x16xf32, #tpu.memory_space<vmem>>) dst(%dma_wait3A_106 : memref<10000x16xf32, #tpu.memory_space<vmem_shared>>)
    %dma_wait3A_107 = arith.constant 0 : i32
    %dma_wait3A_108 = arith.constant 0 : i32
    %dma_wait3A_109 = tpu.memref_slice %arg7[%dma_wait3A_107, %dma_wait3A_108] : memref<125x80xi32, #tpu.memory_space<vmem>> -> memref<1x80xi32, #tpu.memory_space<vmem>>
    %dma_wait3A_110 = tpu.memref_squeeze %dma_wait3A_109 : memref<1x80xi32, #tpu.memory_space<vmem>> -> memref<80xi32, #tpu.memory_space<vmem>>
    %dma_wait3A_111 = arith.constant 0 : i32
    %dma_wait3A_112 = arith.constant 0 : i32
    %dma_wait3A_113 = tpu.memref_slice %arg8[%dma_wait3A_111, %dma_wait3A_112] : memref<10000x16xf32, #tpu.memory_space<vmem_shared>> -> memref<10000x16xf32, #tpu.memory_space<vmem_shared>>
    tpu.wait_indirect_dma semaphore(%arg39 : memref<!tpu.dma_semaphore, #tpu.memory_space<semaphore_mem>>) src(%arg15 : memref<80x16xf32, #tpu.memory_space<vmem>>) dst(%dma_wait3A_113 : memref<10000x16xf32, #tpu.memory_space<vmem_shared>>)
    %dma_wait3A_114 = arith.constant 0 : i32
    %dma_wait3A_115 = arith.constant 0 : i32
    %dma_wait3A_116 = tpu.memref_slice %arg7[%dma_wait3A_114, %dma_wait3A_115] : memref<125x80xi32, #tpu.memory_space<vmem>> -> memref<1x80xi32, #tpu.memory_space<vmem>>
    %dma_wait3A_117 = tpu.memref_squeeze %dma_wait3A_116 : memref<1x80xi32, #tpu.memory_space<vmem>> -> memref<80xi32, #tpu.memory_space<vmem>>
    %dma_wait3A_118 = arith.constant 0 : i32
    %dma_wait3A_119 = arith.constant 0 : i32
    %dma_wait3A_120 = tpu.memref_slice %arg8[%dma_wait3A_118, %dma_wait3A_119] : memref<10000x16xf32, #tpu.memory_space<vmem_shared>> -> memref<10000x16xf32, #tpu.memory_space<vmem_shared>>
    tpu.wait_indirect_dma semaphore(%arg40 : memref<!tpu.dma_semaphore, #tpu.memory_space<semaphore_mem>>) src(%arg16 : memref<80x16xf32, #tpu.memory_space<vmem>>) dst(%dma_wait3A_120 : memref<10000x16xf32, #tpu.memory_space<vmem_shared>>)
    %dma_wait3A_121 = arith.constant 0 : i32
    %dma_wait3A_122 = arith.constant 0 : i32
    %dma_wait3A_123 = tpu.memref_slice %arg7[%dma_wait3A_121, %dma_wait3A_122] : memref<125x80xi32, #tpu.memory_space<vmem>> -> memref<1x80xi32, #tpu.memory_space<vmem>>
    %dma_wait3A_124 = tpu.memref_squeeze %dma_wait3A_123 : memref<1x80xi32, #tpu.memory_space<vmem>> -> memref<80xi32, #tpu.memory_space<vmem>>
    %dma_wait3A_125 = arith.constant 0 : i32
    %dma_wait3A_126 = arith.constant 0 : i32
    %dma_wait3A_127 = tpu.memref_slice %arg8[%dma_wait3A_125, %dma_wait3A_126] : memref<10000x16xf32, #tpu.memory_space<vmem_shared>> -> memref<10000x16xf32, #tpu.memory_space<vmem_shared>>
    tpu.wait_indirect_dma semaphore(%arg41 : memref<!tpu.dma_semaphore, #tpu.memory_space<semaphore_mem>>) src(%arg17 : memref<80x16xf32, #tpu.memory_space<vmem>>) dst(%dma_wait3A_127 : memref<10000x16xf32, #tpu.memory_space<vmem_shared>>)
    %dma_wait3A_128 = arith.constant 0 : i32
    %dma_wait3A_129 = arith.constant 0 : i32
    %dma_wait3A_130 = tpu.memref_slice %arg7[%dma_wait3A_128, %dma_wait3A_129] : memref<125x80xi32, #tpu.memory_space<vmem>> -> memref<1x80xi32, #tpu.memory_space<vmem>>
    %dma_wait3A_131 = tpu.memref_squeeze %dma_wait3A_130 : memref<1x80xi32, #tpu.memory_space<vmem>> -> memref<80xi32, #tpu.memory_space<vmem>>
    %dma_wait3A_132 = arith.constant 0 : i32
    %dma_wait3A_133 = arith.constant 0 : i32
    %dma_wait3A_134 = tpu.memref_slice %arg8[%dma_wait3A_132, %dma_wait3A_133] : memref<10000x16xf32, #tpu.memory_space<vmem_shared>> -> memref<10000x16xf32, #tpu.memory_space<vmem_shared>>
    tpu.wait_indirect_dma semaphore(%arg42 : memref<!tpu.dma_semaphore, #tpu.memory_space<semaphore_mem>>) src(%arg18 : memref<80x16xf32, #tpu.memory_space<vmem>>) dst(%dma_wait3A_134 : memref<10000x16xf32, #tpu.memory_space<vmem_shared>>)
    %dma_wait3A_135 = arith.constant 0 : i32
    %dma_wait3A_136 = arith.constant 0 : i32
    %dma_wait3A_137 = tpu.memref_slice %arg7[%dma_wait3A_135, %dma_wait3A_136] : memref<125x80xi32, #tpu.memory_space<vmem>> -> memref<1x80xi32, #tpu.memory_space<vmem>>
    %dma_wait3A_138 = tpu.memref_squeeze %dma_wait3A_137 : memref<1x80xi32, #tpu.memory_space<vmem>> -> memref<80xi32, #tpu.memory_space<vmem>>
    %dma_wait3A_139 = arith.constant 0 : i32
    %dma_wait3A_140 = arith.constant 0 : i32
    %dma_wait3A_141 = tpu.memref_slice %arg8[%dma_wait3A_139, %dma_wait3A_140] : memref<10000x16xf32, #tpu.memory_space<vmem_shared>> -> memref<10000x16xf32, #tpu.memory_space<vmem_shared>>
    tpu.wait_indirect_dma semaphore(%arg43 : memref<!tpu.dma_semaphore, #tpu.memory_space<semaphore_mem>>) src(%arg19 : memref<80x16xf32, #tpu.memory_space<vmem>>) dst(%dma_wait3A_141 : memref<10000x16xf32, #tpu.memory_space<vmem_shared>>)
    %dma_wait3A_142 = arith.constant 0 : i32
    %dma_wait3A_143 = arith.constant 0 : i32
    %dma_wait3A_144 = tpu.memref_slice %arg7[%dma_wait3A_142, %dma_wait3A_143] : memref<125x80xi32, #tpu.memory_space<vmem>> -> memref<1x80xi32, #tpu.memory_space<vmem>>
    %dma_wait3A_145 = tpu.memref_squeeze %dma_wait3A_144 : memref<1x80xi32, #tpu.memory_space<vmem>> -> memref<80xi32, #tpu.memory_space<vmem>>
    %dma_wait3A_146 = arith.constant 0 : i32
    %dma_wait3A_147 = arith.constant 0 : i32
    %dma_wait3A_148 = tpu.memref_slice %arg8[%dma_wait3A_146, %dma_wait3A_147] : memref<10000x16xf32, #tpu.memory_space<vmem_shared>> -> memref<10000x16xf32, #tpu.memory_space<vmem_shared>>
    tpu.wait_indirect_dma semaphore(%arg44 : memref<!tpu.dma_semaphore, #tpu.memory_space<semaphore_mem>>) src(%arg20 : memref<80x16xf32, #tpu.memory_space<vmem>>) dst(%dma_wait3A_148 : memref<10000x16xf32, #tpu.memory_space<vmem_shared>>)
    %barrier3A_149 = arith.constant 0 : index
    tpu.barrier barrier_id(%barrier3A_149)
    %mul3A_150 = arith.constant 625 : i32
    %mul3A_151 = arith.muli %arg1, %mul3A_150 : i32
    %mul3A_152 = arith.constant 625 : i32
    %mul3A_153 = arith.muli %arg1, %mul3A_152 : i32
    %dma_start3A_154 = arith.constant 0 : i32
    %dma_start3A_155 = tpu.memref_slice %arg5[%arg0, %mul3A_153, %dma_start3A_154] : memref<2x10000x16xf32, #tpu.memory_space<hbm>> -> memref<1x625x16xf32, #tpu.memory_space<hbm>>
    %dma_start3A_156 = tpu.memref_squeeze %dma_start3A_155 : memref<1x625x16xf32, #tpu.memory_space<hbm>> -> memref<625x16xf32, #tpu.memory_space<hbm>>
    %dma_start3A_157 = arith.constant 0 : i32
    %dma_start3A_158 = tpu.memref_slice %arg8[%mul3A_151, %dma_start3A_157] : memref<10000x16xf32, #tpu.memory_space<vmem_shared>> -> memref<625x16xf32, #tpu.memory_space<vmem_shared>>
    tpu.enqueue_dma source(%dma_start3A_158 : memref<625x16xf32, #tpu.memory_space<vmem_shared>>) target(%dma_start3A_156 : memref<625x16xf32, #tpu.memory_space<hbm>>) target_semaphore(%arg21 : memref<!tpu.dma_semaphore, #tpu.memory_space<semaphore_mem>>)
    %dma_wait3A_159 = arith.constant 0 : i32
    %dma_wait3A_160 = tpu.memref_slice %arg5[%arg0, %mul3A_153, %dma_wait3A_159] : memref<2x10000x16xf32, #tpu.memory_space<hbm>> -> memref<1x625x16xf32, #tpu.memory_space<hbm>>
    %dma_wait3A_161 = tpu.memref_squeeze %dma_wait3A_160 : memref<1x625x16xf32, #tpu.memory_space<hbm>> -> memref<625x16xf32, #tpu.memory_space<hbm>>
    %dma_wait3A_162 = arith.constant 0 : i32
    %dma_wait3A_163 = tpu.memref_slice %arg8[%mul3A_151, %dma_wait3A_162] : memref<10000x16xf32, #tpu.memory_space<vmem_shared>> -> memref<625x16xf32, #tpu.memory_space<vmem_shared>>
    tpu.wait_dma2 semaphore(%arg21 : memref<!tpu.dma_semaphore, #tpu.memory_space<semaphore_mem>>) src(%dma_wait3A_163 : memref<625x16xf32, #tpu.memory_space<vmem_shared>>) dst(%dma_wait3A_161 : memref<625x16xf32, #tpu.memory_space<hbm>>)
    return
  }
}

#map = affine_map<(d0, d1) -> (0, 0)>
#map1 = affine_map<(d0, d1) -> (0, 0, 0)>
module attributes {stable_mosaic.version = 14 : i64} {
  func.func @edge_kernel(%arg0: i32, %arg1: i32, %arg2: memref<10000x16xf32, #tpu.memory_space<hbm>>, %arg3: memref<2x320000xi32, #tpu.memory_space<hbm>>, %arg4: memref<625x16xf32, #tpu.memory_space<hbm>>, %arg5: memref<2x10000x16xf32, #tpu.memory_space<hbm>>, %arg6: memref<10000xi32, #tpu.memory_space<vmem>>, %arg7: memref<125x80xi32, #tpu.memory_space<vmem>>, %arg8: memref<10000x16xf32, #tpu.memory_space<vmem_shared>>, %arg9: memref<80x16xf32, #tpu.memory_space<vmem>>, %arg10: memref<80x16xf32, #tpu.memory_space<vmem>>, %arg11: memref<80x16xf32, #tpu.memory_space<vmem>>, %arg12: memref<80x16xf32, #tpu.memory_space<vmem>>, %arg13: memref<80x16xf32, #tpu.memory_space<vmem>>, %arg14: memref<80x16xf32, #tpu.memory_space<vmem>>, %arg15: memref<80x16xf32, #tpu.memory_space<vmem>>, %arg16: memref<80x16xf32, #tpu.memory_space<vmem>>, %arg17: memref<80x16xf32, #tpu.memory_space<vmem>>, %arg18: memref<80x16xf32, #tpu.memory_space<vmem>>, %arg19: memref<80x16xf32, #tpu.memory_space<vmem>>, %arg20: memref<80x16xf32, #tpu.memory_space<vmem>>, %arg21: memref<!tpu.dma_semaphore, #tpu.memory_space<semaphore_mem>>, %arg22: memref<!tpu.dma_semaphore, #tpu.memory_space<semaphore_mem>>, %arg23: memref<!tpu.dma_semaphore, #tpu.memory_space<semaphore_mem>>, %arg24: memref<!tpu.dma_semaphore, #tpu.memory_space<semaphore_mem>>, %arg25: memref<!tpu.dma_semaphore, #tpu.memory_space<semaphore_mem>>, %arg26: memref<!tpu.dma_semaphore, #tpu.memory_space<semaphore_mem>>, %arg27: memref<!tpu.dma_semaphore, #tpu.memory_space<semaphore_mem>>, %arg28: memref<!tpu.dma_semaphore, #tpu.memory_space<semaphore_mem>>, %arg29: memref<!tpu.dma_semaphore, #tpu.memory_space<semaphore_mem>>, %arg30: memref<!tpu.dma_semaphore, #tpu.memory_space<semaphore_mem>>, %arg31: memref<!tpu.dma_semaphore, #tpu.memory_space<semaphore_mem>>, %arg32: memref<!tpu.dma_semaphore, #tpu.memory_space<semaphore_mem>>, %arg33: memref<!tpu.dma_semaphore, #tpu.memory_space<semaphore_mem>>, %arg34: memref<!tpu.dma_semaphore, #tpu.memory_space<semaphore_mem>>, %arg35: memref<!tpu.dma_semaphore, #tpu.memory_space<semaphore_mem>>, %arg36: memref<!tpu.dma_semaphore, #tpu.memory_space<semaphore_mem>>, %arg37: memref<!tpu.dma_semaphore, #tpu.memory_space<semaphore_mem>>, %arg38: memref<!tpu.dma_semaphore, #tpu.memory_space<semaphore_mem>>, %arg39: memref<!tpu.dma_semaphore, #tpu.memory_space<semaphore_mem>>, %arg40: memref<!tpu.dma_semaphore, #tpu.memory_space<semaphore_mem>>, %arg41: memref<!tpu.dma_semaphore, #tpu.memory_space<semaphore_mem>>, %arg42: memref<!tpu.dma_semaphore, #tpu.memory_space<semaphore_mem>>, %arg43: memref<!tpu.dma_semaphore, #tpu.memory_space<semaphore_mem>>, %arg44: memref<!tpu.dma_semaphore, #tpu.memory_space<semaphore_mem>>) attributes {dimension_semantics = [#tpu.dimension_semantics<core_parallel>, #tpu.dimension_semantics<subcore_parallel>], iteration_bounds = array<i64: 2, 16>, scalar_prefetch = 0 : i64, scratch_operands = 39 : i64, tpu.core_type = #tpu.core_type<sc_vector_subcore>, window_params = [{transform_indices = #map}, {transform_indices = #map}, {transform_indices = #map}, {transform_indices = #map1}]} {
    %mul3A = arith.constant 2 : i32
    %mul3A_0 = arith.muli %arg1, %mul3A : i32
    %add3A = arith.addi %mul3A_0, %arg0 : i32
    %mul3A_1 = arith.constant 625 : i32
    %mul3A_2 = arith.muli %arg1, %mul3A_1 : i32
    %dma_start3A = arith.constant 0 : i32
    %dma_start3A_3 = tpu.memref_slice %arg8[%mul3A_2, %dma_start3A] : memref<10000x16xf32, #tpu.memory_space<vmem_shared>> -> memref<625x16xf32, #tpu.memory_space<vmem_shared>>
    tpu.enqueue_dma source(%arg4 : memref<625x16xf32, #tpu.memory_space<hbm>>) target(%dma_start3A_3 : memref<625x16xf32, #tpu.memory_space<vmem_shared>>) target_semaphore(%arg21 : memref<!tpu.dma_semaphore, #tpu.memory_space<semaphore_mem>>)
    %mul3A_4 = arith.constant 10000 : i32
    %mul3A_5 = arith.muli %add3A, %mul3A_4 : i32
    %dma_start3A_6 = arith.constant 0 : i32
    %dma_start3A_7 = tpu.memref_slice %arg3[%dma_start3A_6, %mul3A_5] : memref<2x320000xi32, #tpu.memory_space<hbm>> -> memref<1x10000xi32, #tpu.memory_space<hbm>>
    %dma_start3A_8 = tpu.memref_squeeze %dma_start3A_7 : memref<1x10000xi32, #tpu.memory_space<hbm>> -> memref<10000xi32, #tpu.memory_space<hbm>>
    %dma_start3A_9 = tpu.memref_slice %arg3[%dma_start3A_6, %mul3A_5] : memref<2x320000xi32, #tpu.memory_space<hbm>> -> memref<1x10000xi32, #tpu.memory_space<hbm>>
    %dma_start3A_10 = tpu.memref_squeeze %dma_start3A_9 : memref<1x10000xi32, #tpu.memory_space<hbm>> -> memref<10000xi32, #tpu.memory_space<hbm>>
    tpu.enqueue_dma source(%dma_start3A_10 : memref<10000xi32, #tpu.memory_space<hbm>>) target(%arg6 : memref<10000xi32, #tpu.memory_space<vmem>>) target_semaphore(%arg22 : memref<!tpu.dma_semaphore, #tpu.memory_space<semaphore_mem>>)
    %scan3A = arith.constant 0 : i32
    %scan3A_11 = arith.constant 125 : i32
    %scan3A_12 = arith.addi %scan3A, %scan3A_11 : i32
    %scan3A_13 = arith.constant 1 : i32
    scf.for %scan3A_164 = %scan3A to %scan3A_12 step %scan3A_13  : i32 {
      %mul3A_165 = arith.constant 1 : i32
      %mul3A_166 = arith.muli %scan3A_164, %mul3A_165 : i32
      %add3A_167 = arith.constant 0 : i32
      %add3A_168 = arith.addi %add3A_167, %mul3A_166 : i32
      %mul3A_169 = arith.constant 10000 : i32
      %mul3A_170 = arith.muli %add3A, %mul3A_169 : i32
      %mul3A_171 = arith.constant 80 : i32
      %mul3A_172 = arith.muli %add3A_168, %mul3A_171 : i32
      %add3A_173 = arith.addi %mul3A_170, %mul3A_172 : i32
      %dma_start3A_174 = arith.constant 1 : i32
      %dma_start3A_175 = arith.constant 0 : i32
      %dma_start3A_176 = tpu.memref_slice %arg7[%add3A_168, %dma_start3A_175] : memref<125x80xi32, #tpu.memory_space<vmem>> -> memref<1x80xi32, #tpu.memory_space<vmem>>
      %dma_start3A_177 = tpu.memref_squeeze %dma_start3A_176 : memref<1x80xi32, #tpu.memory_space<vmem>> -> memref<80xi32, #tpu.memory_space<vmem>>
      %dma_start3A_178 = tpu.memref_slice %arg3[%dma_start3A_174, %add3A_173] : memref<2x320000xi32, #tpu.memory_space<hbm>> -> memref<1x80xi32, #tpu.memory_space<hbm>>
      %dma_start3A_179 = tpu.memref_squeeze %dma_start3A_178 : memref<1x80xi32, #tpu.memory_space<hbm>> -> memref<80xi32, #tpu.memory_space<hbm>>
      %dma_start3A_180 = arith.constant 0 : i32
      %dma_start3A_181 = tpu.memref_slice %arg7[%add3A_168, %dma_start3A_180] : memref<125x80xi32, #tpu.memory_space<vmem>> -> memref<1x80xi32, #tpu.memory_space<vmem>>
      %dma_start3A_182 = tpu.memref_squeeze %dma_start3A_181 : memref<1x80xi32, #tpu.memory_space<vmem>> -> memref<80xi32, #tpu.memory_space<vmem>>
      %dma_start3A_183 = tpu.memref_slice %arg3[%dma_start3A_174, %add3A_173] : memref<2x320000xi32, #tpu.memory_space<hbm>> -> memref<1x80xi32, #tpu.memory_space<hbm>>
      %dma_start3A_184 = tpu.memref_squeeze %dma_start3A_183 : memref<1x80xi32, #tpu.memory_space<hbm>> -> memref<80xi32, #tpu.memory_space<hbm>>
      tpu.enqueue_dma source(%dma_start3A_184 : memref<80xi32, #tpu.memory_space<hbm>>) target(%dma_start3A_182 : memref<80xi32, #tpu.memory_space<vmem>>) target_semaphore(%arg33 : memref<!tpu.dma_semaphore, #tpu.memory_space<semaphore_mem>>)
    }
    %scan3A_14 = arith.constant 125 : i32
    %mul3A_15 = arith.constant 625 : i32
    %mul3A_16 = arith.muli %arg1, %mul3A_15 : i32
    %dma_wait3A = arith.constant 0 : i32
    %dma_wait3A_17 = tpu.memref_slice %arg8[%mul3A_16, %dma_wait3A] : memref<10000x16xf32, #tpu.memory_space<vmem_shared>> -> memref<625x16xf32, #tpu.memory_space<vmem_shared>>
    tpu.wait_dma2 semaphore(%arg21 : memref<!tpu.dma_semaphore, #tpu.memory_space<semaphore_mem>>) src(%arg4 : memref<625x16xf32, #tpu.memory_space<hbm>>) dst(%dma_wait3A_17 : memref<625x16xf32, #tpu.memory_space<vmem_shared>>)
    %mul3A_18 = arith.constant 10000 : i32
    %mul3A_19 = arith.muli %add3A, %mul3A_18 : i32
    %dma_wait3A_20 = arith.constant 0 : i32
    %dma_wait3A_21 = tpu.memref_slice %arg3[%dma_wait3A_20, %mul3A_19] : memref<2x320000xi32, #tpu.memory_space<hbm>> -> memref<1x10000xi32, #tpu.memory_space<hbm>>
    %dma_wait3A_22 = tpu.memref_squeeze %dma_wait3A_21 : memref<1x10000xi32, #tpu.memory_space<hbm>> -> memref<10000xi32, #tpu.memory_space<hbm>>
    %dma_wait3A_23 = tpu.memref_slice %arg3[%dma_wait3A_20, %mul3A_19] : memref<2x320000xi32, #tpu.memory_space<hbm>> -> memref<1x10000xi32, #tpu.memory_space<hbm>>
    %dma_wait3A_24 = tpu.memref_squeeze %dma_wait3A_23 : memref<1x10000xi32, #tpu.memory_space<hbm>> -> memref<10000xi32, #tpu.memory_space<hbm>>
    tpu.wait_dma2 semaphore(%arg22 : memref<!tpu.dma_semaphore, #tpu.memory_space<semaphore_mem>>) src(%dma_wait3A_24 : memref<10000xi32, #tpu.memory_space<hbm>>) dst(%arg6 : memref<10000xi32, #tpu.memory_space<vmem>>)
    %scan3A_25 = arith.constant 0 : i32
    %scan3A_26 = arith.constant 125 : i32
    %scan3A_27 = arith.addi %scan3A_25, %scan3A_26 : i32
    %scan3A_28 = arith.constant 1 : i32
    scf.for %scan3A_164 = %scan3A_25 to %scan3A_27 step %scan3A_28  : i32 {
      %mul3A_165 = arith.constant 1 : i32
      %mul3A_166 = arith.muli %scan3A_164, %mul3A_165 : i32
      %add3A_167 = arith.constant 0 : i32
      %add3A_168 = arith.addi %add3A_167, %mul3A_166 : i32
      %dma_wait3A_169 = arith.constant 1 : i32
      %dma_wait3A_170 = arith.constant 0 : i32
      %dma_wait3A_171 = arith.constant 0 : i32
      %dma_wait3A_172 = tpu.memref_slice %arg7[%dma_wait3A_170, %dma_wait3A_171] : memref<125x80xi32, #tpu.memory_space<vmem>> -> memref<1x80xi32, #tpu.memory_space<vmem>>
      %dma_wait3A_173 = tpu.memref_squeeze %dma_wait3A_172 : memref<1x80xi32, #tpu.memory_space<vmem>> -> memref<80xi32, #tpu.memory_space<vmem>>
      %dma_wait3A_174 = arith.constant 0 : i32
      %dma_wait3A_175 = tpu.memref_slice %arg3[%dma_wait3A_169, %dma_wait3A_174] : memref<2x320000xi32, #tpu.memory_space<hbm>> -> memref<1x80xi32, #tpu.memory_space<hbm>>
      %dma_wait3A_176 = tpu.memref_squeeze %dma_wait3A_175 : memref<1x80xi32, #tpu.memory_space<hbm>> -> memref<80xi32, #tpu.memory_space<hbm>>
      %dma_wait3A_177 = arith.constant 0 : i32
      %dma_wait3A_178 = tpu.memref_slice %arg7[%dma_wait3A_170, %dma_wait3A_177] : memref<125x80xi32, #tpu.memory_space<vmem>> -> memref<1x80xi32, #tpu.memory_space<vmem>>
      %dma_wait3A_179 = tpu.memref_squeeze %dma_wait3A_178 : memref<1x80xi32, #tpu.memory_space<vmem>> -> memref<80xi32, #tpu.memory_space<vmem>>
      %dma_wait3A_180 = arith.constant 0 : i32
      %dma_wait3A_181 = tpu.memref_slice %arg3[%dma_wait3A_169, %dma_wait3A_180] : memref<2x320000xi32, #tpu.memory_space<hbm>> -> memref<1x80xi32, #tpu.memory_space<hbm>>
      %dma_wait3A_182 = tpu.memref_squeeze %dma_wait3A_181 : memref<1x80xi32, #tpu.memory_space<hbm>> -> memref<80xi32, #tpu.memory_space<hbm>>
      tpu.wait_dma2 semaphore(%arg33 : memref<!tpu.dma_semaphore, #tpu.memory_space<semaphore_mem>>) src(%dma_wait3A_182 : memref<80xi32, #tpu.memory_space<hbm>>) dst(%dma_wait3A_179 : memref<80xi32, #tpu.memory_space<vmem>>)
    }
    %scan3A_29 = arith.constant 125 : i32
    %barrier3A = arith.constant 0 : index
    tpu.barrier barrier_id(%barrier3A)
    %dma_start3A_30 = arith.constant 0 : i32
    %dma_start3A_31 = tpu.memref_slice %arg6[%dma_start3A_30] : memref<10000xi32, #tpu.memory_space<vmem>> -> memref<80xi32, #tpu.memory_space<vmem>>
    %dma_start3A_32 = arith.constant 0 : i32
    %dma_start3A_33 = arith.constant 0 : i32
    %dma_start3A_34 = tpu.memref_slice %arg2[%dma_start3A_32, %dma_start3A_33] : memref<10000x16xf32, #tpu.memory_space<hbm>> -> memref<10000x16xf32, #tpu.memory_space<hbm>>
    tpu.enqueue_indirect_dma source(%dma_start3A_34 : memref<10000x16xf32, #tpu.memory_space<hbm>>) target(%arg9 : memref<80x16xf32, #tpu.memory_space<vmem>>) offsets(%dma_start3A_31 : memref<80xi32, #tpu.memory_space<vmem>>) semaphore(%arg21 : memref<!tpu.dma_semaphore, #tpu.memory_space<semaphore_mem>>)
    %dma_start3A_35 = arith.constant 80 : i32
    %dma_start3A_36 = tpu.memref_slice %arg6[%dma_start3A_35] : memref<10000xi32, #tpu.memory_space<vmem>> -> memref<80xi32, #tpu.memory_space<vmem>>
    %dma_start3A_37 = arith.constant 0 : i32
    %dma_start3A_38 = arith.constant 0 : i32
    %dma_start3A_39 = tpu.memref_slice %arg2[%dma_start3A_37, %dma_start3A_38] : memref<10000x16xf32, #tpu.memory_space<hbm>> -> memref<10000x16xf32, #tpu.memory_space<hbm>>
    tpu.enqueue_indirect_dma source(%dma_start3A_39 : memref<10000x16xf32, #tpu.memory_space<hbm>>) target(%arg10 : memref<80x16xf32, #tpu.memory_space<vmem>>) offsets(%dma_start3A_36 : memref<80xi32, #tpu.memory_space<vmem>>) semaphore(%arg22 : memref<!tpu.dma_semaphore, #tpu.memory_space<semaphore_mem>>)
    %dma_start3A_40 = arith.constant 160 : i32
    %dma_start3A_41 = tpu.memref_slice %arg6[%dma_start3A_40] : memref<10000xi32, #tpu.memory_space<vmem>> -> memref<80xi32, #tpu.memory_space<vmem>>
    %dma_start3A_42 = arith.constant 0 : i32
    %dma_start3A_43 = arith.constant 0 : i32
    %dma_start3A_44 = tpu.memref_slice %arg2[%dma_start3A_42, %dma_start3A_43] : memref<10000x16xf32, #tpu.memory_space<hbm>> -> memref<10000x16xf32, #tpu.memory_space<hbm>>
    tpu.enqueue_indirect_dma source(%dma_start3A_44 : memref<10000x16xf32, #tpu.memory_space<hbm>>) target(%arg11 : memref<80x16xf32, #tpu.memory_space<vmem>>) offsets(%dma_start3A_41 : memref<80xi32, #tpu.memory_space<vmem>>) semaphore(%arg23 : memref<!tpu.dma_semaphore, #tpu.memory_space<semaphore_mem>>)
    %dma_start3A_45 = arith.constant 240 : i32
    %dma_start3A_46 = tpu.memref_slice %arg6[%dma_start3A_45] : memref<10000xi32, #tpu.memory_space<vmem>> -> memref<80xi32, #tpu.memory_space<vmem>>
    %dma_start3A_47 = arith.constant 0 : i32
    %dma_start3A_48 = arith.constant 0 : i32
    %dma_start3A_49 = tpu.memref_slice %arg2[%dma_start3A_47, %dma_start3A_48] : memref<10000x16xf32, #tpu.memory_space<hbm>> -> memref<10000x16xf32, #tpu.memory_space<hbm>>
    tpu.enqueue_indirect_dma source(%dma_start3A_49 : memref<10000x16xf32, #tpu.memory_space<hbm>>) target(%arg12 : memref<80x16xf32, #tpu.memory_space<vmem>>) offsets(%dma_start3A_46 : memref<80xi32, #tpu.memory_space<vmem>>) semaphore(%arg24 : memref<!tpu.dma_semaphore, #tpu.memory_space<semaphore_mem>>)
    %dma_start3A_50 = arith.constant 320 : i32
    %dma_start3A_51 = tpu.memref_slice %arg6[%dma_start3A_50] : memref<10000xi32, #tpu.memory_space<vmem>> -> memref<80xi32, #tpu.memory_space<vmem>>
    %dma_start3A_52 = arith.constant 0 : i32
    %dma_start3A_53 = arith.constant 0 : i32
    %dma_start3A_54 = tpu.memref_slice %arg2[%dma_start3A_52, %dma_start3A_53] : memref<10000x16xf32, #tpu.memory_space<hbm>> -> memref<10000x16xf32, #tpu.memory_space<hbm>>
    tpu.enqueue_indirect_dma source(%dma_start3A_54 : memref<10000x16xf32, #tpu.memory_space<hbm>>) target(%arg13 : memref<80x16xf32, #tpu.memory_space<vmem>>) offsets(%dma_start3A_51 : memref<80xi32, #tpu.memory_space<vmem>>) semaphore(%arg25 : memref<!tpu.dma_semaphore, #tpu.memory_space<semaphore_mem>>)
    %dma_start3A_55 = arith.constant 400 : i32
    %dma_start3A_56 = tpu.memref_slice %arg6[%dma_start3A_55] : memref<10000xi32, #tpu.memory_space<vmem>> -> memref<80xi32, #tpu.memory_space<vmem>>
    %dma_start3A_57 = arith.constant 0 : i32
    %dma_start3A_58 = arith.constant 0 : i32
    %dma_start3A_59 = tpu.memref_slice %arg2[%dma_start3A_57, %dma_start3A_58] : memref<10000x16xf32, #tpu.memory_space<hbm>> -> memref<10000x16xf32, #tpu.memory_space<hbm>>
    tpu.enqueue_indirect_dma source(%dma_start3A_59 : memref<10000x16xf32, #tpu.memory_space<hbm>>) target(%arg14 : memref<80x16xf32, #tpu.memory_space<vmem>>) offsets(%dma_start3A_56 : memref<80xi32, #tpu.memory_space<vmem>>) semaphore(%arg26 : memref<!tpu.dma_semaphore, #tpu.memory_space<semaphore_mem>>)
    %scan3A_60 = arith.constant 0 : i32
    %scan3A_61 = arith.constant 11 : i32
    %scan3A_62 = arith.addi %scan3A_60, %scan3A_61 : i32
    %scan3A_63 = arith.constant 1 : i32
    scf.for %scan3A_164 = %scan3A_60 to %scan3A_62 step %scan3A_63  : i32 {
      %mul3A_165 = arith.constant 1 : i32
      %mul3A_166 = arith.muli %scan3A_164, %mul3A_165 : i32
      %add3A_167 = arith.constant 0 : i32
      %add3A_168 = arith.addi %add3A_167, %mul3A_166 : i32
      %mul3A_169 = arith.constant 12 : i32
      %mul3A_170 = arith.muli %add3A_168, %mul3A_169 : i32
      %add3A_171 = arith.constant 0 : i32
      %add3A_172 = arith.addi %mul3A_170, %add3A_171 : i32
      %add3A_173 = arith.constant 6 : i32
      %add3A_174 = arith.addi %add3A_172, %add3A_173 : i32
      %lt3A = arith.constant 125 : i32
      %lt3A_175 = arith.cmpi slt, %add3A_174, %lt3A : i32
      %convert_element_type3A = arith.extui %lt3A_175 : i1 to i32
      %cond3A = arith.constant 0 : i32
      %cond3A_176 = arith.cmpi ne, %convert_element_type3A, %cond3A : i32
      scf.if %cond3A_176 {
        %ge3A = arith.constant 6 : i32
        %ge3A_358 = arith.cmpi sge, %add3A_172, %ge3A : i32
        %convert_element_type3A_359 = arith.extui %ge3A_358 : i1 to i32
        %cond3A_360 = arith.constant 0 : i32
        %cond3A_361 = arith.cmpi ne, %convert_element_type3A_359, %cond3A_360 : i32
        scf.if %cond3A_361 {
          %dma_wait3A_370 = arith.constant 0 : i32
          %dma_wait3A_371 = arith.constant 0 : i32
          %dma_wait3A_372 = tpu.memref_slice %arg7[%dma_wait3A_370, %dma_wait3A_371] : memref<125x80xi32, #tpu.memory_space<vmem>> -> memref<1x80xi32, #tpu.memory_space<vmem>>
          %dma_wait3A_373 = tpu.memref_squeeze %dma_wait3A_372 : memref<1x80xi32, #tpu.memory_space<vmem>> -> memref<80xi32, #tpu.memory_space<vmem>>
          %dma_wait3A_374 = arith.constant 0 : i32
          %dma_wait3A_375 = arith.constant 0 : i32
          %dma_wait3A_376 = tpu.memref_slice %arg8[%dma_wait3A_374, %dma_wait3A_375] : memref<10000x16xf32, #tpu.memory_space<vmem_shared>> -> memref<10000x16xf32, #tpu.memory_space<vmem_shared>>
          tpu.wait_indirect_dma semaphore(%arg39 : memref<!tpu.dma_semaphore, #tpu.memory_space<semaphore_mem>>) src(%arg15 : memref<80x16xf32, #tpu.memory_space<vmem>>) dst(%dma_wait3A_376 : memref<10000x16xf32, #tpu.memory_space<vmem_shared>>)
        } else {
        }
        %add3A_362 = arith.constant 6 : i32
        %add3A_363 = arith.addi %add3A_172, %add3A_362 : i32
        %mul3A_364 = arith.constant 80 : i32
        %mul3A_365 = arith.muli %add3A_363, %mul3A_364 : i32
        %dma_start3A_366 = tpu.memref_slice %arg6[%mul3A_365] : memref<10000xi32, #tpu.memory_space<vmem>> -> memref<80xi32, #tpu.memory_space<vmem>>
        %dma_start3A_367 = arith.constant 0 : i32
        %dma_start3A_368 = arith.constant 0 : i32
        %dma_start3A_369 = tpu.memref_slice %arg2[%dma_start3A_367, %dma_start3A_368] : memref<10000x16xf32, #tpu.memory_space<hbm>> -> memref<10000x16xf32, #tpu.memory_space<hbm>>
        tpu.enqueue_indirect_dma source(%dma_start3A_369 : memref<10000x16xf32, #tpu.memory_space<hbm>>) target(%arg15 : memref<80x16xf32, #tpu.memory_space<vmem>>) offsets(%dma_start3A_366 : memref<80xi32, #tpu.memory_space<vmem>>) semaphore(%arg27 : memref<!tpu.dma_semaphore, #tpu.memory_space<semaphore_mem>>)
      } else {
      }
      %lt3A_177 = arith.constant 125 : i32
      %lt3A_178 = arith.cmpi slt, %add3A_172, %lt3A_177 : i32
      %convert_element_type3A_179 = arith.extui %lt3A_178 : i1 to i32
      %cond3A_180 = arith.constant 0 : i32
      %cond3A_181 = arith.cmpi ne, %convert_element_type3A_179, %cond3A_180 : i32
      scf.if %cond3A_181 {
        %dma_wait3A_358 = arith.constant 0 : i32
        %dma_wait3A_359 = tpu.memref_slice %arg6[%dma_wait3A_358] : memref<10000xi32, #tpu.memory_space<vmem>> -> memref<80xi32, #tpu.memory_space<vmem>>
        %dma_wait3A_360 = arith.constant 0 : i32
        %dma_wait3A_361 = arith.constant 0 : i32
        %dma_wait3A_362 = tpu.memref_slice %arg2[%dma_wait3A_360, %dma_wait3A_361] : memref<10000x16xf32, #tpu.memory_space<hbm>> -> memref<10000x16xf32, #tpu.memory_space<hbm>>
        tpu.wait_indirect_dma semaphore(%arg21 : memref<!tpu.dma_semaphore, #tpu.memory_space<semaphore_mem>>) src(%dma_wait3A_362 : memref<10000x16xf32, #tpu.memory_space<hbm>>) dst(%arg9 : memref<80x16xf32, #tpu.memory_space<vmem>>)
        %dma_start3A_363 = arith.constant 0 : i32
        %dma_start3A_364 = tpu.memref_slice %arg7[%add3A_172, %dma_start3A_363] : memref<125x80xi32, #tpu.memory_space<vmem>> -> memref<1x80xi32, #tpu.memory_space<vmem>>
        %dma_start3A_365 = tpu.memref_squeeze %dma_start3A_364 : memref<1x80xi32, #tpu.memory_space<vmem>> -> memref<80xi32, #tpu.memory_space<vmem>>
        %dma_start3A_366 = arith.constant 0 : i32
        %dma_start3A_367 = arith.constant 0 : i32
        %dma_start3A_368 = tpu.memref_slice %arg8[%dma_start3A_366, %dma_start3A_367] : memref<10000x16xf32, #tpu.memory_space<vmem_shared>> -> memref<10000x16xf32, #tpu.memory_space<vmem_shared>>
        tpu.enqueue_indirect_dma source(%arg9 : memref<80x16xf32, #tpu.memory_space<vmem>>) target(%dma_start3A_368 : memref<10000x16xf32, #tpu.memory_space<vmem_shared>>) offsets(%dma_start3A_365 : memref<80xi32, #tpu.memory_space<vmem>>) semaphore(%arg33 : memref<!tpu.dma_semaphore, #tpu.memory_space<semaphore_mem>>) {add = true}
      } else {
      }
      %mul3A_182 = arith.constant 12 : i32
      %mul3A_183 = arith.muli %add3A_168, %mul3A_182 : i32
      %add3A_184 = arith.constant 1 : i32
      %add3A_185 = arith.addi %mul3A_183, %add3A_184 : i32
      %add3A_186 = arith.constant 6 : i32
      %add3A_187 = arith.addi %add3A_185, %add3A_186 : i32
      %lt3A_188 = arith.constant 125 : i32
      %lt3A_189 = arith.cmpi slt, %add3A_187, %lt3A_188 : i32
      %convert_element_type3A_190 = arith.extui %lt3A_189 : i1 to i32
      %cond3A_191 = arith.constant 0 : i32
      %cond3A_192 = arith.cmpi ne, %convert_element_type3A_190, %cond3A_191 : i32
      scf.if %cond3A_192 {
        %ge3A = arith.constant 6 : i32
        %ge3A_358 = arith.cmpi sge, %add3A_185, %ge3A : i32
        %convert_element_type3A_359 = arith.extui %ge3A_358 : i1 to i32
        %cond3A_360 = arith.constant 0 : i32
        %cond3A_361 = arith.cmpi ne, %convert_element_type3A_359, %cond3A_360 : i32
        scf.if %cond3A_361 {
          %dma_wait3A_370 = arith.constant 0 : i32
          %dma_wait3A_371 = arith.constant 0 : i32
          %dma_wait3A_372 = tpu.memref_slice %arg7[%dma_wait3A_370, %dma_wait3A_371] : memref<125x80xi32, #tpu.memory_space<vmem>> -> memref<1x80xi32, #tpu.memory_space<vmem>>
          %dma_wait3A_373 = tpu.memref_squeeze %dma_wait3A_372 : memref<1x80xi32, #tpu.memory_space<vmem>> -> memref<80xi32, #tpu.memory_space<vmem>>
          %dma_wait3A_374 = arith.constant 0 : i32
          %dma_wait3A_375 = arith.constant 0 : i32
          %dma_wait3A_376 = tpu.memref_slice %arg8[%dma_wait3A_374, %dma_wait3A_375] : memref<10000x16xf32, #tpu.memory_space<vmem_shared>> -> memref<10000x16xf32, #tpu.memory_space<vmem_shared>>
          tpu.wait_indirect_dma semaphore(%arg40 : memref<!tpu.dma_semaphore, #tpu.memory_space<semaphore_mem>>) src(%arg16 : memref<80x16xf32, #tpu.memory_space<vmem>>) dst(%dma_wait3A_376 : memref<10000x16xf32, #tpu.memory_space<vmem_shared>>)
        } else {
        }
        %add3A_362 = arith.constant 6 : i32
        %add3A_363 = arith.addi %add3A_185, %add3A_362 : i32
        %mul3A_364 = arith.constant 80 : i32
        %mul3A_365 = arith.muli %add3A_363, %mul3A_364 : i32
        %dma_start3A_366 = tpu.memref_slice %arg6[%mul3A_365] : memref<10000xi32, #tpu.memory_space<vmem>> -> memref<80xi32, #tpu.memory_space<vmem>>
        %dma_start3A_367 = arith.constant 0 : i32
        %dma_start3A_368 = arith.constant 0 : i32
        %dma_start3A_369 = tpu.memref_slice %arg2[%dma_start3A_367, %dma_start3A_368] : memref<10000x16xf32, #tpu.memory_space<hbm>> -> memref<10000x16xf32, #tpu.memory_space<hbm>>
        tpu.enqueue_indirect_dma source(%dma_start3A_369 : memref<10000x16xf32, #tpu.memory_space<hbm>>) target(%arg16 : memref<80x16xf32, #tpu.memory_space<vmem>>) offsets(%dma_start3A_366 : memref<80xi32, #tpu.memory_space<vmem>>) semaphore(%arg28 : memref<!tpu.dma_semaphore, #tpu.memory_space<semaphore_mem>>)
      } else {
      }
      %lt3A_193 = arith.constant 125 : i32
      %lt3A_194 = arith.cmpi slt, %add3A_185, %lt3A_193 : i32
      %convert_element_type3A_195 = arith.extui %lt3A_194 : i1 to i32
      %cond3A_196 = arith.constant 0 : i32
      %cond3A_197 = arith.cmpi ne, %convert_element_type3A_195, %cond3A_196 : i32
      scf.if %cond3A_197 {
        %dma_wait3A_358 = arith.constant 0 : i32
        %dma_wait3A_359 = tpu.memref_slice %arg6[%dma_wait3A_358] : memref<10000xi32, #tpu.memory_space<vmem>> -> memref<80xi32, #tpu.memory_space<vmem>>
        %dma_wait3A_360 = arith.constant 0 : i32
        %dma_wait3A_361 = arith.constant 0 : i32
        %dma_wait3A_362 = tpu.memref_slice %arg2[%dma_wait3A_360, %dma_wait3A_361] : memref<10000x16xf32, #tpu.memory_space<hbm>> -> memref<10000x16xf32, #tpu.memory_space<hbm>>
        tpu.wait_indirect_dma semaphore(%arg22 : memref<!tpu.dma_semaphore, #tpu.memory_space<semaphore_mem>>) src(%dma_wait3A_362 : memref<10000x16xf32, #tpu.memory_space<hbm>>) dst(%arg10 : memref<80x16xf32, #tpu.memory_space<vmem>>)
        %dma_start3A_363 = arith.constant 0 : i32
        %dma_start3A_364 = tpu.memref_slice %arg7[%add3A_185, %dma_start3A_363] : memref<125x80xi32, #tpu.memory_space<vmem>> -> memref<1x80xi32, #tpu.memory_space<vmem>>
        %dma_start3A_365 = tpu.memref_squeeze %dma_start3A_364 : memref<1x80xi32, #tpu.memory_space<vmem>> -> memref<80xi32, #tpu.memory_space<vmem>>
        %dma_start3A_366 = arith.constant 0 : i32
        %dma_start3A_367 = arith.constant 0 : i32
        %dma_start3A_368 = tpu.memref_slice %arg8[%dma_start3A_366, %dma_start3A_367] : memref<10000x16xf32, #tpu.memory_space<vmem_shared>> -> memref<10000x16xf32, #tpu.memory_space<vmem_shared>>
        tpu.enqueue_indirect_dma source(%arg10 : memref<80x16xf32, #tpu.memory_space<vmem>>) target(%dma_start3A_368 : memref<10000x16xf32, #tpu.memory_space<vmem_shared>>) offsets(%dma_start3A_365 : memref<80xi32, #tpu.memory_space<vmem>>) semaphore(%arg34 : memref<!tpu.dma_semaphore, #tpu.memory_space<semaphore_mem>>) {add = true}
      } else {
      }
      %mul3A_198 = arith.constant 12 : i32
      %mul3A_199 = arith.muli %add3A_168, %mul3A_198 : i32
      %add3A_200 = arith.constant 2 : i32
      %add3A_201 = arith.addi %mul3A_199, %add3A_200 : i32
      %add3A_202 = arith.constant 6 : i32
      %add3A_203 = arith.addi %add3A_201, %add3A_202 : i32
      %lt3A_204 = arith.constant 125 : i32
      %lt3A_205 = arith.cmpi slt, %add3A_203, %lt3A_204 : i32
      %convert_element_type3A_206 = arith.extui %lt3A_205 : i1 to i32
      %cond3A_207 = arith.constant 0 : i32
      %cond3A_208 = arith.cmpi ne, %convert_element_type3A_206, %cond3A_207 : i32
      scf.if %cond3A_208 {
        %ge3A = arith.constant 6 : i32
        %ge3A_358 = arith.cmpi sge, %add3A_201, %ge3A : i32
        %convert_element_type3A_359 = arith.extui %ge3A_358 : i1 to i32
        %cond3A_360 = arith.constant 0 : i32
        %cond3A_361 = arith.cmpi ne, %convert_element_type3A_359, %cond3A_360 : i32
        scf.if %cond3A_361 {
          %dma_wait3A_370 = arith.constant 0 : i32
          %dma_wait3A_371 = arith.constant 0 : i32
          %dma_wait3A_372 = tpu.memref_slice %arg7[%dma_wait3A_370, %dma_wait3A_371] : memref<125x80xi32, #tpu.memory_space<vmem>> -> memref<1x80xi32, #tpu.memory_space<vmem>>
          %dma_wait3A_373 = tpu.memref_squeeze %dma_wait3A_372 : memref<1x80xi32, #tpu.memory_space<vmem>> -> memref<80xi32, #tpu.memory_space<vmem>>
          %dma_wait3A_374 = arith.constant 0 : i32
          %dma_wait3A_375 = arith.constant 0 : i32
          %dma_wait3A_376 = tpu.memref_slice %arg8[%dma_wait3A_374, %dma_wait3A_375] : memref<10000x16xf32, #tpu.memory_space<vmem_shared>> -> memref<10000x16xf32, #tpu.memory_space<vmem_shared>>
          tpu.wait_indirect_dma semaphore(%arg41 : memref<!tpu.dma_semaphore, #tpu.memory_space<semaphore_mem>>) src(%arg17 : memref<80x16xf32, #tpu.memory_space<vmem>>) dst(%dma_wait3A_376 : memref<10000x16xf32, #tpu.memory_space<vmem_shared>>)
        } else {
        }
        %add3A_362 = arith.constant 6 : i32
        %add3A_363 = arith.addi %add3A_201, %add3A_362 : i32
        %mul3A_364 = arith.constant 80 : i32
        %mul3A_365 = arith.muli %add3A_363, %mul3A_364 : i32
        %dma_start3A_366 = tpu.memref_slice %arg6[%mul3A_365] : memref<10000xi32, #tpu.memory_space<vmem>> -> memref<80xi32, #tpu.memory_space<vmem>>
        %dma_start3A_367 = arith.constant 0 : i32
        %dma_start3A_368 = arith.constant 0 : i32
        %dma_start3A_369 = tpu.memref_slice %arg2[%dma_start3A_367, %dma_start3A_368] : memref<10000x16xf32, #tpu.memory_space<hbm>> -> memref<10000x16xf32, #tpu.memory_space<hbm>>
        tpu.enqueue_indirect_dma source(%dma_start3A_369 : memref<10000x16xf32, #tpu.memory_space<hbm>>) target(%arg17 : memref<80x16xf32, #tpu.memory_space<vmem>>) offsets(%dma_start3A_366 : memref<80xi32, #tpu.memory_space<vmem>>) semaphore(%arg29 : memref<!tpu.dma_semaphore, #tpu.memory_space<semaphore_mem>>)
      } else {
      }
      %lt3A_209 = arith.constant 125 : i32
      %lt3A_210 = arith.cmpi slt, %add3A_201, %lt3A_209 : i32
      %convert_element_type3A_211 = arith.extui %lt3A_210 : i1 to i32
      %cond3A_212 = arith.constant 0 : i32
      %cond3A_213 = arith.cmpi ne, %convert_element_type3A_211, %cond3A_212 : i32
      scf.if %cond3A_213 {
        %dma_wait3A_358 = arith.constant 0 : i32
        %dma_wait3A_359 = tpu.memref_slice %arg6[%dma_wait3A_358] : memref<10000xi32, #tpu.memory_space<vmem>> -> memref<80xi32, #tpu.memory_space<vmem>>
        %dma_wait3A_360 = arith.constant 0 : i32
        %dma_wait3A_361 = arith.constant 0 : i32
        %dma_wait3A_362 = tpu.memref_slice %arg2[%dma_wait3A_360, %dma_wait3A_361] : memref<10000x16xf32, #tpu.memory_space<hbm>> -> memref<10000x16xf32, #tpu.memory_space<hbm>>
        tpu.wait_indirect_dma semaphore(%arg23 : memref<!tpu.dma_semaphore, #tpu.memory_space<semaphore_mem>>) src(%dma_wait3A_362 : memref<10000x16xf32, #tpu.memory_space<hbm>>) dst(%arg11 : memref<80x16xf32, #tpu.memory_space<vmem>>)
        %dma_start3A_363 = arith.constant 0 : i32
        %dma_start3A_364 = tpu.memref_slice %arg7[%add3A_201, %dma_start3A_363] : memref<125x80xi32, #tpu.memory_space<vmem>> -> memref<1x80xi32, #tpu.memory_space<vmem>>
        %dma_start3A_365 = tpu.memref_squeeze %dma_start3A_364 : memref<1x80xi32, #tpu.memory_space<vmem>> -> memref<80xi32, #tpu.memory_space<vmem>>
        %dma_start3A_366 = arith.constant 0 : i32
        %dma_start3A_367 = arith.constant 0 : i32
        %dma_start3A_368 = tpu.memref_slice %arg8[%dma_start3A_366, %dma_start3A_367] : memref<10000x16xf32, #tpu.memory_space<vmem_shared>> -> memref<10000x16xf32, #tpu.memory_space<vmem_shared>>
        tpu.enqueue_indirect_dma source(%arg11 : memref<80x16xf32, #tpu.memory_space<vmem>>) target(%dma_start3A_368 : memref<10000x16xf32, #tpu.memory_space<vmem_shared>>) offsets(%dma_start3A_365 : memref<80xi32, #tpu.memory_space<vmem>>) semaphore(%arg35 : memref<!tpu.dma_semaphore, #tpu.memory_space<semaphore_mem>>) {add = true}
      } else {
      }
      %mul3A_214 = arith.constant 12 : i32
      %mul3A_215 = arith.muli %add3A_168, %mul3A_214 : i32
      %add3A_216 = arith.constant 3 : i32
      %add3A_217 = arith.addi %mul3A_215, %add3A_216 : i32
      %add3A_218 = arith.constant 6 : i32
      %add3A_219 = arith.addi %add3A_217, %add3A_218 : i32
      %lt3A_220 = arith.constant 125 : i32
      %lt3A_221 = arith.cmpi slt, %add3A_219, %lt3A_220 : i32
      %convert_element_type3A_222 = arith.extui %lt3A_221 : i1 to i32
      %cond3A_223 = arith.constant 0 : i32
      %cond3A_224 = arith.cmpi ne, %convert_element_type3A_222, %cond3A_223 : i32
      scf.if %cond3A_224 {
        %ge3A = arith.constant 6 : i32
        %ge3A_358 = arith.cmpi sge, %add3A_217, %ge3A : i32
        %convert_element_type3A_359 = arith.extui %ge3A_358 : i1 to i32
        %cond3A_360 = arith.constant 0 : i32
        %cond3A_361 = arith.cmpi ne, %convert_element_type3A_359, %cond3A_360 : i32
        scf.if %cond3A_361 {
          %dma_wait3A_370 = arith.constant 0 : i32
          %dma_wait3A_371 = arith.constant 0 : i32
          %dma_wait3A_372 = tpu.memref_slice %arg7[%dma_wait3A_370, %dma_wait3A_371] : memref<125x80xi32, #tpu.memory_space<vmem>> -> memref<1x80xi32, #tpu.memory_space<vmem>>
          %dma_wait3A_373 = tpu.memref_squeeze %dma_wait3A_372 : memref<1x80xi32, #tpu.memory_space<vmem>> -> memref<80xi32, #tpu.memory_space<vmem>>
          %dma_wait3A_374 = arith.constant 0 : i32
          %dma_wait3A_375 = arith.constant 0 : i32
          %dma_wait3A_376 = tpu.memref_slice %arg8[%dma_wait3A_374, %dma_wait3A_375] : memref<10000x16xf32, #tpu.memory_space<vmem_shared>> -> memref<10000x16xf32, #tpu.memory_space<vmem_shared>>
          tpu.wait_indirect_dma semaphore(%arg42 : memref<!tpu.dma_semaphore, #tpu.memory_space<semaphore_mem>>) src(%arg18 : memref<80x16xf32, #tpu.memory_space<vmem>>) dst(%dma_wait3A_376 : memref<10000x16xf32, #tpu.memory_space<vmem_shared>>)
        } else {
        }
        %add3A_362 = arith.constant 6 : i32
        %add3A_363 = arith.addi %add3A_217, %add3A_362 : i32
        %mul3A_364 = arith.constant 80 : i32
        %mul3A_365 = arith.muli %add3A_363, %mul3A_364 : i32
        %dma_start3A_366 = tpu.memref_slice %arg6[%mul3A_365] : memref<10000xi32, #tpu.memory_space<vmem>> -> memref<80xi32, #tpu.memory_space<vmem>>
        %dma_start3A_367 = arith.constant 0 : i32
        %dma_start3A_368 = arith.constant 0 : i32
        %dma_start3A_369 = tpu.memref_slice %arg2[%dma_start3A_367, %dma_start3A_368] : memref<10000x16xf32, #tpu.memory_space<hbm>> -> memref<10000x16xf32, #tpu.memory_space<hbm>>
        tpu.enqueue_indirect_dma source(%dma_start3A_369 : memref<10000x16xf32, #tpu.memory_space<hbm>>) target(%arg18 : memref<80x16xf32, #tpu.memory_space<vmem>>) offsets(%dma_start3A_366 : memref<80xi32, #tpu.memory_space<vmem>>) semaphore(%arg30 : memref<!tpu.dma_semaphore, #tpu.memory_space<semaphore_mem>>)
      } else {
      }
      %lt3A_225 = arith.constant 125 : i32
      %lt3A_226 = arith.cmpi slt, %add3A_217, %lt3A_225 : i32
      %convert_element_type3A_227 = arith.extui %lt3A_226 : i1 to i32
      %cond3A_228 = arith.constant 0 : i32
      %cond3A_229 = arith.cmpi ne, %convert_element_type3A_227, %cond3A_228 : i32
      scf.if %cond3A_229 {
        %dma_wait3A_358 = arith.constant 0 : i32
        %dma_wait3A_359 = tpu.memref_slice %arg6[%dma_wait3A_358] : memref<10000xi32, #tpu.memory_space<vmem>> -> memref<80xi32, #tpu.memory_space<vmem>>
        %dma_wait3A_360 = arith.constant 0 : i32
        %dma_wait3A_361 = arith.constant 0 : i32
        %dma_wait3A_362 = tpu.memref_slice %arg2[%dma_wait3A_360, %dma_wait3A_361] : memref<10000x16xf32, #tpu.memory_space<hbm>> -> memref<10000x16xf32, #tpu.memory_space<hbm>>
        tpu.wait_indirect_dma semaphore(%arg24 : memref<!tpu.dma_semaphore, #tpu.memory_space<semaphore_mem>>) src(%dma_wait3A_362 : memref<10000x16xf32, #tpu.memory_space<hbm>>) dst(%arg12 : memref<80x16xf32, #tpu.memory_space<vmem>>)
        %dma_start3A_363 = arith.constant 0 : i32
        %dma_start3A_364 = tpu.memref_slice %arg7[%add3A_217, %dma_start3A_363] : memref<125x80xi32, #tpu.memory_space<vmem>> -> memref<1x80xi32, #tpu.memory_space<vmem>>
        %dma_start3A_365 = tpu.memref_squeeze %dma_start3A_364 : memref<1x80xi32, #tpu.memory_space<vmem>> -> memref<80xi32, #tpu.memory_space<vmem>>
        %dma_start3A_366 = arith.constant 0 : i32
        %dma_start3A_367 = arith.constant 0 : i32
        %dma_start3A_368 = tpu.memref_slice %arg8[%dma_start3A_366, %dma_start3A_367] : memref<10000x16xf32, #tpu.memory_space<vmem_shared>> -> memref<10000x16xf32, #tpu.memory_space<vmem_shared>>
        tpu.enqueue_indirect_dma source(%arg12 : memref<80x16xf32, #tpu.memory_space<vmem>>) target(%dma_start3A_368 : memref<10000x16xf32, #tpu.memory_space<vmem_shared>>) offsets(%dma_start3A_365 : memref<80xi32, #tpu.memory_space<vmem>>) semaphore(%arg36 : memref<!tpu.dma_semaphore, #tpu.memory_space<semaphore_mem>>) {add = true}
      } else {
      }
      %mul3A_230 = arith.constant 12 : i32
      %mul3A_231 = arith.muli %add3A_168, %mul3A_230 : i32
      %add3A_232 = arith.constant 4 : i32
      %add3A_233 = arith.addi %mul3A_231, %add3A_232 : i32
      %add3A_234 = arith.constant 6 : i32
      %add3A_235 = arith.addi %add3A_233, %add3A_234 : i32
      %lt3A_236 = arith.constant 125 : i32
      %lt3A_237 = arith.cmpi slt, %add3A_235, %lt3A_236 : i32
      %convert_element_type3A_238 = arith.extui %lt3A_237 : i1 to i32
      %cond3A_239 = arith.constant 0 : i32
      %cond3A_240 = arith.cmpi ne, %convert_element_type3A_238, %cond3A_239 : i32
      scf.if %cond3A_240 {
        %ge3A = arith.constant 6 : i32
        %ge3A_358 = arith.cmpi sge, %add3A_233, %ge3A : i32
        %convert_element_type3A_359 = arith.extui %ge3A_358 : i1 to i32
        %cond3A_360 = arith.constant 0 : i32
        %cond3A_361 = arith.cmpi ne, %convert_element_type3A_359, %cond3A_360 : i32
        scf.if %cond3A_361 {
          %dma_wait3A_370 = arith.constant 0 : i32
          %dma_wait3A_371 = arith.constant 0 : i32
          %dma_wait3A_372 = tpu.memref_slice %arg7[%dma_wait3A_370, %dma_wait3A_371] : memref<125x80xi32, #tpu.memory_space<vmem>> -> memref<1x80xi32, #tpu.memory_space<vmem>>
          %dma_wait3A_373 = tpu.memref_squeeze %dma_wait3A_372 : memref<1x80xi32, #tpu.memory_space<vmem>> -> memref<80xi32, #tpu.memory_space<vmem>>
          %dma_wait3A_374 = arith.constant 0 : i32
          %dma_wait3A_375 = arith.constant 0 : i32
          %dma_wait3A_376 = tpu.memref_slice %arg8[%dma_wait3A_374, %dma_wait3A_375] : memref<10000x16xf32, #tpu.memory_space<vmem_shared>> -> memref<10000x16xf32, #tpu.memory_space<vmem_shared>>
          tpu.wait_indirect_dma semaphore(%arg43 : memref<!tpu.dma_semaphore, #tpu.memory_space<semaphore_mem>>) src(%arg19 : memref<80x16xf32, #tpu.memory_space<vmem>>) dst(%dma_wait3A_376 : memref<10000x16xf32, #tpu.memory_space<vmem_shared>>)
        } else {
        }
        %add3A_362 = arith.constant 6 : i32
        %add3A_363 = arith.addi %add3A_233, %add3A_362 : i32
        %mul3A_364 = arith.constant 80 : i32
        %mul3A_365 = arith.muli %add3A_363, %mul3A_364 : i32
        %dma_start3A_366 = tpu.memref_slice %arg6[%mul3A_365] : memref<10000xi32, #tpu.memory_space<vmem>> -> memref<80xi32, #tpu.memory_space<vmem>>
        %dma_start3A_367 = arith.constant 0 : i32
        %dma_start3A_368 = arith.constant 0 : i32
        %dma_start3A_369 = tpu.memref_slice %arg2[%dma_start3A_367, %dma_start3A_368] : memref<10000x16xf32, #tpu.memory_space<hbm>> -> memref<10000x16xf32, #tpu.memory_space<hbm>>
        tpu.enqueue_indirect_dma source(%dma_start3A_369 : memref<10000x16xf32, #tpu.memory_space<hbm>>) target(%arg19 : memref<80x16xf32, #tpu.memory_space<vmem>>) offsets(%dma_start3A_366 : memref<80xi32, #tpu.memory_space<vmem>>) semaphore(%arg31 : memref<!tpu.dma_semaphore, #tpu.memory_space<semaphore_mem>>)
      } else {
      }
      %lt3A_241 = arith.constant 125 : i32
      %lt3A_242 = arith.cmpi slt, %add3A_233, %lt3A_241 : i32
      %convert_element_type3A_243 = arith.extui %lt3A_242 : i1 to i32
      %cond3A_244 = arith.constant 0 : i32
      %cond3A_245 = arith.cmpi ne, %convert_element_type3A_243, %cond3A_244 : i32
      scf.if %cond3A_245 {
        %dma_wait3A_358 = arith.constant 0 : i32
        %dma_wait3A_359 = tpu.memref_slice %arg6[%dma_wait3A_358] : memref<10000xi32, #tpu.memory_space<vmem>> -> memref<80xi32, #tpu.memory_space<vmem>>
        %dma_wait3A_360 = arith.constant 0 : i32
        %dma_wait3A_361 = arith.constant 0 : i32
        %dma_wait3A_362 = tpu.memref_slice %arg2[%dma_wait3A_360, %dma_wait3A_361] : memref<10000x16xf32, #tpu.memory_space<hbm>> -> memref<10000x16xf32, #tpu.memory_space<hbm>>
        tpu.wait_indirect_dma semaphore(%arg25 : memref<!tpu.dma_semaphore, #tpu.memory_space<semaphore_mem>>) src(%dma_wait3A_362 : memref<10000x16xf32, #tpu.memory_space<hbm>>) dst(%arg13 : memref<80x16xf32, #tpu.memory_space<vmem>>)
        %dma_start3A_363 = arith.constant 0 : i32
        %dma_start3A_364 = tpu.memref_slice %arg7[%add3A_233, %dma_start3A_363] : memref<125x80xi32, #tpu.memory_space<vmem>> -> memref<1x80xi32, #tpu.memory_space<vmem>>
        %dma_start3A_365 = tpu.memref_squeeze %dma_start3A_364 : memref<1x80xi32, #tpu.memory_space<vmem>> -> memref<80xi32, #tpu.memory_space<vmem>>
        %dma_start3A_366 = arith.constant 0 : i32
        %dma_start3A_367 = arith.constant 0 : i32
        %dma_start3A_368 = tpu.memref_slice %arg8[%dma_start3A_366, %dma_start3A_367] : memref<10000x16xf32, #tpu.memory_space<vmem_shared>> -> memref<10000x16xf32, #tpu.memory_space<vmem_shared>>
        tpu.enqueue_indirect_dma source(%arg13 : memref<80x16xf32, #tpu.memory_space<vmem>>) target(%dma_start3A_368 : memref<10000x16xf32, #tpu.memory_space<vmem_shared>>) offsets(%dma_start3A_365 : memref<80xi32, #tpu.memory_space<vmem>>) semaphore(%arg37 : memref<!tpu.dma_semaphore, #tpu.memory_space<semaphore_mem>>) {add = true}
      } else {
      }
      %mul3A_246 = arith.constant 12 : i32
      %mul3A_247 = arith.muli %add3A_168, %mul3A_246 : i32
      %add3A_248 = arith.constant 5 : i32
      %add3A_249 = arith.addi %mul3A_247, %add3A_248 : i32
      %add3A_250 = arith.constant 6 : i32
      %add3A_251 = arith.addi %add3A_249, %add3A_250 : i32
      %lt3A_252 = arith.constant 125 : i32
      %lt3A_253 = arith.cmpi slt, %add3A_251, %lt3A_252 : i32
      %convert_element_type3A_254 = arith.extui %lt3A_253 : i1 to i32
      %cond3A_255 = arith.constant 0 : i32
      %cond3A_256 = arith.cmpi ne, %convert_element_type3A_254, %cond3A_255 : i32
      scf.if %cond3A_256 {
        %ge3A = arith.constant 6 : i32
        %ge3A_358 = arith.cmpi sge, %add3A_249, %ge3A : i32
        %convert_element_type3A_359 = arith.extui %ge3A_358 : i1 to i32
        %cond3A_360 = arith.constant 0 : i32
        %cond3A_361 = arith.cmpi ne, %convert_element_type3A_359, %cond3A_360 : i32
        scf.if %cond3A_361 {
          %dma_wait3A_370 = arith.constant 0 : i32
          %dma_wait3A_371 = arith.constant 0 : i32
          %dma_wait3A_372 = tpu.memref_slice %arg7[%dma_wait3A_370, %dma_wait3A_371] : memref<125x80xi32, #tpu.memory_space<vmem>> -> memref<1x80xi32, #tpu.memory_space<vmem>>
          %dma_wait3A_373 = tpu.memref_squeeze %dma_wait3A_372 : memref<1x80xi32, #tpu.memory_space<vmem>> -> memref<80xi32, #tpu.memory_space<vmem>>
          %dma_wait3A_374 = arith.constant 0 : i32
          %dma_wait3A_375 = arith.constant 0 : i32
          %dma_wait3A_376 = tpu.memref_slice %arg8[%dma_wait3A_374, %dma_wait3A_375] : memref<10000x16xf32, #tpu.memory_space<vmem_shared>> -> memref<10000x16xf32, #tpu.memory_space<vmem_shared>>
          tpu.wait_indirect_dma semaphore(%arg44 : memref<!tpu.dma_semaphore, #tpu.memory_space<semaphore_mem>>) src(%arg20 : memref<80x16xf32, #tpu.memory_space<vmem>>) dst(%dma_wait3A_376 : memref<10000x16xf32, #tpu.memory_space<vmem_shared>>)
        } else {
        }
        %add3A_362 = arith.constant 6 : i32
        %add3A_363 = arith.addi %add3A_249, %add3A_362 : i32
        %mul3A_364 = arith.constant 80 : i32
        %mul3A_365 = arith.muli %add3A_363, %mul3A_364 : i32
        %dma_start3A_366 = tpu.memref_slice %arg6[%mul3A_365] : memref<10000xi32, #tpu.memory_space<vmem>> -> memref<80xi32, #tpu.memory_space<vmem>>
        %dma_start3A_367 = arith.constant 0 : i32
        %dma_start3A_368 = arith.constant 0 : i32
        %dma_start3A_369 = tpu.memref_slice %arg2[%dma_start3A_367, %dma_start3A_368] : memref<10000x16xf32, #tpu.memory_space<hbm>> -> memref<10000x16xf32, #tpu.memory_space<hbm>>
        tpu.enqueue_indirect_dma source(%dma_start3A_369 : memref<10000x16xf32, #tpu.memory_space<hbm>>) target(%arg20 : memref<80x16xf32, #tpu.memory_space<vmem>>) offsets(%dma_start3A_366 : memref<80xi32, #tpu.memory_space<vmem>>) semaphore(%arg32 : memref<!tpu.dma_semaphore, #tpu.memory_space<semaphore_mem>>)
      } else {
      }
      %lt3A_257 = arith.constant 125 : i32
      %lt3A_258 = arith.cmpi slt, %add3A_249, %lt3A_257 : i32
      %convert_element_type3A_259 = arith.extui %lt3A_258 : i1 to i32
      %cond3A_260 = arith.constant 0 : i32
      %cond3A_261 = arith.cmpi ne, %convert_element_type3A_259, %cond3A_260 : i32
      scf.if %cond3A_261 {
        %dma_wait3A_358 = arith.constant 0 : i32
        %dma_wait3A_359 = tpu.memref_slice %arg6[%dma_wait3A_358] : memref<10000xi32, #tpu.memory_space<vmem>> -> memref<80xi32, #tpu.memory_space<vmem>>
        %dma_wait3A_360 = arith.constant 0 : i32
        %dma_wait3A_361 = arith.constant 0 : i32
        %dma_wait3A_362 = tpu.memref_slice %arg2[%dma_wait3A_360, %dma_wait3A_361] : memref<10000x16xf32, #tpu.memory_space<hbm>> -> memref<10000x16xf32, #tpu.memory_space<hbm>>
        tpu.wait_indirect_dma semaphore(%arg26 : memref<!tpu.dma_semaphore, #tpu.memory_space<semaphore_mem>>) src(%dma_wait3A_362 : memref<10000x16xf32, #tpu.memory_space<hbm>>) dst(%arg14 : memref<80x16xf32, #tpu.memory_space<vmem>>)
        %dma_start3A_363 = arith.constant 0 : i32
        %dma_start3A_364 = tpu.memref_slice %arg7[%add3A_249, %dma_start3A_363] : memref<125x80xi32, #tpu.memory_space<vmem>> -> memref<1x80xi32, #tpu.memory_space<vmem>>
        %dma_start3A_365 = tpu.memref_squeeze %dma_start3A_364 : memref<1x80xi32, #tpu.memory_space<vmem>> -> memref<80xi32, #tpu.memory_space<vmem>>
        %dma_start3A_366 = arith.constant 0 : i32
        %dma_start3A_367 = arith.constant 0 : i32
        %dma_start3A_368 = tpu.memref_slice %arg8[%dma_start3A_366, %dma_start3A_367] : memref<10000x16xf32, #tpu.memory_space<vmem_shared>> -> memref<10000x16xf32, #tpu.memory_space<vmem_shared>>
        tpu.enqueue_indirect_dma source(%arg14 : memref<80x16xf32, #tpu.memory_space<vmem>>) target(%dma_start3A_368 : memref<10000x16xf32, #tpu.memory_space<vmem_shared>>) offsets(%dma_start3A_365 : memref<80xi32, #tpu.memory_space<vmem>>) semaphore(%arg38 : memref<!tpu.dma_semaphore, #tpu.memory_space<semaphore_mem>>) {add = true}
      } else {
      }
      %mul3A_262 = arith.constant 12 : i32
      %mul3A_263 = arith.muli %add3A_168, %mul3A_262 : i32
      %add3A_264 = arith.constant 6 : i32
      %add3A_265 = arith.addi %mul3A_263, %add3A_264 : i32
      %add3A_266 = arith.constant 6 : i32
      %add3A_267 = arith.addi %add3A_265, %add3A_266 : i32
      %lt3A_268 = arith.constant 125 : i32
      %lt3A_269 = arith.cmpi slt, %add3A_267, %lt3A_268 : i32
      %convert_element_type3A_270 = arith.extui %lt3A_269 : i1 to i32
      %cond3A_271 = arith.constant 0 : i32
      %cond3A_272 = arith.cmpi ne, %convert_element_type3A_270, %cond3A_271 : i32
      scf.if %cond3A_272 {
        %ge3A = arith.constant 6 : i32
        %ge3A_358 = arith.cmpi sge, %add3A_265, %ge3A : i32
        %convert_element_type3A_359 = arith.extui %ge3A_358 : i1 to i32
        %cond3A_360 = arith.constant 0 : i32
        %cond3A_361 = arith.cmpi ne, %convert_element_type3A_359, %cond3A_360 : i32
        scf.if %cond3A_361 {
          %dma_wait3A_370 = arith.constant 0 : i32
          %dma_wait3A_371 = arith.constant 0 : i32
          %dma_wait3A_372 = tpu.memref_slice %arg7[%dma_wait3A_370, %dma_wait3A_371] : memref<125x80xi32, #tpu.memory_space<vmem>> -> memref<1x80xi32, #tpu.memory_space<vmem>>
          %dma_wait3A_373 = tpu.memref_squeeze %dma_wait3A_372 : memref<1x80xi32, #tpu.memory_space<vmem>> -> memref<80xi32, #tpu.memory_space<vmem>>
          %dma_wait3A_374 = arith.constant 0 : i32
          %dma_wait3A_375 = arith.constant 0 : i32
          %dma_wait3A_376 = tpu.memref_slice %arg8[%dma_wait3A_374, %dma_wait3A_375] : memref<10000x16xf32, #tpu.memory_space<vmem_shared>> -> memref<10000x16xf32, #tpu.memory_space<vmem_shared>>
          tpu.wait_indirect_dma semaphore(%arg33 : memref<!tpu.dma_semaphore, #tpu.memory_space<semaphore_mem>>) src(%arg9 : memref<80x16xf32, #tpu.memory_space<vmem>>) dst(%dma_wait3A_376 : memref<10000x16xf32, #tpu.memory_space<vmem_shared>>)
        } else {
        }
        %add3A_362 = arith.constant 6 : i32
        %add3A_363 = arith.addi %add3A_265, %add3A_362 : i32
        %mul3A_364 = arith.constant 80 : i32
        %mul3A_365 = arith.muli %add3A_363, %mul3A_364 : i32
        %dma_start3A_366 = tpu.memref_slice %arg6[%mul3A_365] : memref<10000xi32, #tpu.memory_space<vmem>> -> memref<80xi32, #tpu.memory_space<vmem>>
        %dma_start3A_367 = arith.constant 0 : i32
        %dma_start3A_368 = arith.constant 0 : i32
        %dma_start3A_369 = tpu.memref_slice %arg2[%dma_start3A_367, %dma_start3A_368] : memref<10000x16xf32, #tpu.memory_space<hbm>> -> memref<10000x16xf32, #tpu.memory_space<hbm>>
        tpu.enqueue_indirect_dma source(%dma_start3A_369 : memref<10000x16xf32, #tpu.memory_space<hbm>>) target(%arg9 : memref<80x16xf32, #tpu.memory_space<vmem>>) offsets(%dma_start3A_366 : memref<80xi32, #tpu.memory_space<vmem>>) semaphore(%arg21 : memref<!tpu.dma_semaphore, #tpu.memory_space<semaphore_mem>>)
      } else {
      }
      %lt3A_273 = arith.constant 125 : i32
      %lt3A_274 = arith.cmpi slt, %add3A_265, %lt3A_273 : i32
      %convert_element_type3A_275 = arith.extui %lt3A_274 : i1 to i32
      %cond3A_276 = arith.constant 0 : i32
      %cond3A_277 = arith.cmpi ne, %convert_element_type3A_275, %cond3A_276 : i32
      scf.if %cond3A_277 {
        %dma_wait3A_358 = arith.constant 0 : i32
        %dma_wait3A_359 = tpu.memref_slice %arg6[%dma_wait3A_358] : memref<10000xi32, #tpu.memory_space<vmem>> -> memref<80xi32, #tpu.memory_space<vmem>>
        %dma_wait3A_360 = arith.constant 0 : i32
        %dma_wait3A_361 = arith.constant 0 : i32
        %dma_wait3A_362 = tpu.memref_slice %arg2[%dma_wait3A_360, %dma_wait3A_361] : memref<10000x16xf32, #tpu.memory_space<hbm>> -> memref<10000x16xf32, #tpu.memory_space<hbm>>
        tpu.wait_indirect_dma semaphore(%arg27 : memref<!tpu.dma_semaphore, #tpu.memory_space<semaphore_mem>>) src(%dma_wait3A_362 : memref<10000x16xf32, #tpu.memory_space<hbm>>) dst(%arg15 : memref<80x16xf32, #tpu.memory_space<vmem>>)
        %dma_start3A_363 = arith.constant 0 : i32
        %dma_start3A_364 = tpu.memref_slice %arg7[%add3A_265, %dma_start3A_363] : memref<125x80xi32, #tpu.memory_space<vmem>> -> memref<1x80xi32, #tpu.memory_space<vmem>>
        %dma_start3A_365 = tpu.memref_squeeze %dma_start3A_364 : memref<1x80xi32, #tpu.memory_space<vmem>> -> memref<80xi32, #tpu.memory_space<vmem>>
        %dma_start3A_366 = arith.constant 0 : i32
        %dma_start3A_367 = arith.constant 0 : i32
        %dma_start3A_368 = tpu.memref_slice %arg8[%dma_start3A_366, %dma_start3A_367] : memref<10000x16xf32, #tpu.memory_space<vmem_shared>> -> memref<10000x16xf32, #tpu.memory_space<vmem_shared>>
        tpu.enqueue_indirect_dma source(%arg15 : memref<80x16xf32, #tpu.memory_space<vmem>>) target(%dma_start3A_368 : memref<10000x16xf32, #tpu.memory_space<vmem_shared>>) offsets(%dma_start3A_365 : memref<80xi32, #tpu.memory_space<vmem>>) semaphore(%arg39 : memref<!tpu.dma_semaphore, #tpu.memory_space<semaphore_mem>>) {add = true}
      } else {
      }
      %mul3A_278 = arith.constant 12 : i32
      %mul3A_279 = arith.muli %add3A_168, %mul3A_278 : i32
      %add3A_280 = arith.constant 7 : i32
      %add3A_281 = arith.addi %mul3A_279, %add3A_280 : i32
      %add3A_282 = arith.constant 6 : i32
      %add3A_283 = arith.addi %add3A_281, %add3A_282 : i32
      %lt3A_284 = arith.constant 125 : i32
      %lt3A_285 = arith.cmpi slt, %add3A_283, %lt3A_284 : i32
      %convert_element_type3A_286 = arith.extui %lt3A_285 : i1 to i32
      %cond3A_287 = arith.constant 0 : i32
      %cond3A_288 = arith.cmpi ne, %convert_element_type3A_286, %cond3A_287 : i32
      scf.if %cond3A_288 {
        %ge3A = arith.constant 6 : i32
        %ge3A_358 = arith.cmpi sge, %add3A_281, %ge3A : i32
        %convert_element_type3A_359 = arith.extui %ge3A_358 : i1 to i32
        %cond3A_360 = arith.constant 0 : i32
        %cond3A_361 = arith.cmpi ne, %convert_element_type3A_359, %cond3A_360 : i32
        scf.if %cond3A_361 {
          %dma_wait3A_370 = arith.constant 0 : i32
          %dma_wait3A_371 = arith.constant 0 : i32
          %dma_wait3A_372 = tpu.memref_slice %arg7[%dma_wait3A_370, %dma_wait3A_371] : memref<125x80xi32, #tpu.memory_space<vmem>> -> memref<1x80xi32, #tpu.memory_space<vmem>>
          %dma_wait3A_373 = tpu.memref_squeeze %dma_wait3A_372 : memref<1x80xi32, #tpu.memory_space<vmem>> -> memref<80xi32, #tpu.memory_space<vmem>>
          %dma_wait3A_374 = arith.constant 0 : i32
          %dma_wait3A_375 = arith.constant 0 : i32
          %dma_wait3A_376 = tpu.memref_slice %arg8[%dma_wait3A_374, %dma_wait3A_375] : memref<10000x16xf32, #tpu.memory_space<vmem_shared>> -> memref<10000x16xf32, #tpu.memory_space<vmem_shared>>
          tpu.wait_indirect_dma semaphore(%arg34 : memref<!tpu.dma_semaphore, #tpu.memory_space<semaphore_mem>>) src(%arg10 : memref<80x16xf32, #tpu.memory_space<vmem>>) dst(%dma_wait3A_376 : memref<10000x16xf32, #tpu.memory_space<vmem_shared>>)
        } else {
        }
        %add3A_362 = arith.constant 6 : i32
        %add3A_363 = arith.addi %add3A_281, %add3A_362 : i32
        %mul3A_364 = arith.constant 80 : i32
        %mul3A_365 = arith.muli %add3A_363, %mul3A_364 : i32
        %dma_start3A_366 = tpu.memref_slice %arg6[%mul3A_365] : memref<10000xi32, #tpu.memory_space<vmem>> -> memref<80xi32, #tpu.memory_space<vmem>>
        %dma_start3A_367 = arith.constant 0 : i32
        %dma_start3A_368 = arith.constant 0 : i32
        %dma_start3A_369 = tpu.memref_slice %arg2[%dma_start3A_367, %dma_start3A_368] : memref<10000x16xf32, #tpu.memory_space<hbm>> -> memref<10000x16xf32, #tpu.memory_space<hbm>>
        tpu.enqueue_indirect_dma source(%dma_start3A_369 : memref<10000x16xf32, #tpu.memory_space<hbm>>) target(%arg10 : memref<80x16xf32, #tpu.memory_space<vmem>>) offsets(%dma_start3A_366 : memref<80xi32, #tpu.memory_space<vmem>>) semaphore(%arg22 : memref<!tpu.dma_semaphore, #tpu.memory_space<semaphore_mem>>)
      } else {
      }
      %lt3A_289 = arith.constant 125 : i32
      %lt3A_290 = arith.cmpi slt, %add3A_281, %lt3A_289 : i32
      %convert_element_type3A_291 = arith.extui %lt3A_290 : i1 to i32
      %cond3A_292 = arith.constant 0 : i32
      %cond3A_293 = arith.cmpi ne, %convert_element_type3A_291, %cond3A_292 : i32
      scf.if %cond3A_293 {
        %dma_wait3A_358 = arith.constant 0 : i32
        %dma_wait3A_359 = tpu.memref_slice %arg6[%dma_wait3A_358] : memref<10000xi32, #tpu.memory_space<vmem>> -> memref<80xi32, #tpu.memory_space<vmem>>
        %dma_wait3A_360 = arith.constant 0 : i32
        %dma_wait3A_361 = arith.constant 0 : i32
        %dma_wait3A_362 = tpu.memref_slice %arg2[%dma_wait3A_360, %dma_wait3A_361] : memref<10000x16xf32, #tpu.memory_space<hbm>> -> memref<10000x16xf32, #tpu.memory_space<hbm>>
        tpu.wait_indirect_dma semaphore(%arg28 : memref<!tpu.dma_semaphore, #tpu.memory_space<semaphore_mem>>) src(%dma_wait3A_362 : memref<10000x16xf32, #tpu.memory_space<hbm>>) dst(%arg16 : memref<80x16xf32, #tpu.memory_space<vmem>>)
        %dma_start3A_363 = arith.constant 0 : i32
        %dma_start3A_364 = tpu.memref_slice %arg7[%add3A_281, %dma_start3A_363] : memref<125x80xi32, #tpu.memory_space<vmem>> -> memref<1x80xi32, #tpu.memory_space<vmem>>
        %dma_start3A_365 = tpu.memref_squeeze %dma_start3A_364 : memref<1x80xi32, #tpu.memory_space<vmem>> -> memref<80xi32, #tpu.memory_space<vmem>>
        %dma_start3A_366 = arith.constant 0 : i32
        %dma_start3A_367 = arith.constant 0 : i32
        %dma_start3A_368 = tpu.memref_slice %arg8[%dma_start3A_366, %dma_start3A_367] : memref<10000x16xf32, #tpu.memory_space<vmem_shared>> -> memref<10000x16xf32, #tpu.memory_space<vmem_shared>>
        tpu.enqueue_indirect_dma source(%arg16 : memref<80x16xf32, #tpu.memory_space<vmem>>) target(%dma_start3A_368 : memref<10000x16xf32, #tpu.memory_space<vmem_shared>>) offsets(%dma_start3A_365 : memref<80xi32, #tpu.memory_space<vmem>>) semaphore(%arg40 : memref<!tpu.dma_semaphore, #tpu.memory_space<semaphore_mem>>) {add = true}
      } else {
      }
      %mul3A_294 = arith.constant 12 : i32
      %mul3A_295 = arith.muli %add3A_168, %mul3A_294 : i32
      %add3A_296 = arith.constant 8 : i32
      %add3A_297 = arith.addi %mul3A_295, %add3A_296 : i32
      %add3A_298 = arith.constant 6 : i32
      %add3A_299 = arith.addi %add3A_297, %add3A_298 : i32
      %lt3A_300 = arith.constant 125 : i32
      %lt3A_301 = arith.cmpi slt, %add3A_299, %lt3A_300 : i32
      %convert_element_type3A_302 = arith.extui %lt3A_301 : i1 to i32
      %cond3A_303 = arith.constant 0 : i32
      %cond3A_304 = arith.cmpi ne, %convert_element_type3A_302, %cond3A_303 : i32
      scf.if %cond3A_304 {
        %ge3A = arith.constant 6 : i32
        %ge3A_358 = arith.cmpi sge, %add3A_297, %ge3A : i32
        %convert_element_type3A_359 = arith.extui %ge3A_358 : i1 to i32
        %cond3A_360 = arith.constant 0 : i32
        %cond3A_361 = arith.cmpi ne, %convert_element_type3A_359, %cond3A_360 : i32
        scf.if %cond3A_361 {
          %dma_wait3A_370 = arith.constant 0 : i32
          %dma_wait3A_371 = arith.constant 0 : i32
          %dma_wait3A_372 = tpu.memref_slice %arg7[%dma_wait3A_370, %dma_wait3A_371] : memref<125x80xi32, #tpu.memory_space<vmem>> -> memref<1x80xi32, #tpu.memory_space<vmem>>
          %dma_wait3A_373 = tpu.memref_squeeze %dma_wait3A_372 : memref<1x80xi32, #tpu.memory_space<vmem>> -> memref<80xi32, #tpu.memory_space<vmem>>
          %dma_wait3A_374 = arith.constant 0 : i32
          %dma_wait3A_375 = arith.constant 0 : i32
          %dma_wait3A_376 = tpu.memref_slice %arg8[%dma_wait3A_374, %dma_wait3A_375] : memref<10000x16xf32, #tpu.memory_space<vmem_shared>> -> memref<10000x16xf32, #tpu.memory_space<vmem_shared>>
          tpu.wait_indirect_dma semaphore(%arg35 : memref<!tpu.dma_semaphore, #tpu.memory_space<semaphore_mem>>) src(%arg11 : memref<80x16xf32, #tpu.memory_space<vmem>>) dst(%dma_wait3A_376 : memref<10000x16xf32, #tpu.memory_space<vmem_shared>>)
        } else {
        }
        %add3A_362 = arith.constant 6 : i32
        %add3A_363 = arith.addi %add3A_297, %add3A_362 : i32
        %mul3A_364 = arith.constant 80 : i32
        %mul3A_365 = arith.muli %add3A_363, %mul3A_364 : i32
        %dma_start3A_366 = tpu.memref_slice %arg6[%mul3A_365] : memref<10000xi32, #tpu.memory_space<vmem>> -> memref<80xi32, #tpu.memory_space<vmem>>
        %dma_start3A_367 = arith.constant 0 : i32
        %dma_start3A_368 = arith.constant 0 : i32
        %dma_start3A_369 = tpu.memref_slice %arg2[%dma_start3A_367, %dma_start3A_368] : memref<10000x16xf32, #tpu.memory_space<hbm>> -> memref<10000x16xf32, #tpu.memory_space<hbm>>
        tpu.enqueue_indirect_dma source(%dma_start3A_369 : memref<10000x16xf32, #tpu.memory_space<hbm>>) target(%arg11 : memref<80x16xf32, #tpu.memory_space<vmem>>) offsets(%dma_start3A_366 : memref<80xi32, #tpu.memory_space<vmem>>) semaphore(%arg23 : memref<!tpu.dma_semaphore, #tpu.memory_space<semaphore_mem>>)
      } else {
      }
      %lt3A_305 = arith.constant 125 : i32
      %lt3A_306 = arith.cmpi slt, %add3A_297, %lt3A_305 : i32
      %convert_element_type3A_307 = arith.extui %lt3A_306 : i1 to i32
      %cond3A_308 = arith.constant 0 : i32
      %cond3A_309 = arith.cmpi ne, %convert_element_type3A_307, %cond3A_308 : i32
      scf.if %cond3A_309 {
        %dma_wait3A_358 = arith.constant 0 : i32
        %dma_wait3A_359 = tpu.memref_slice %arg6[%dma_wait3A_358] : memref<10000xi32, #tpu.memory_space<vmem>> -> memref<80xi32, #tpu.memory_space<vmem>>
        %dma_wait3A_360 = arith.constant 0 : i32
        %dma_wait3A_361 = arith.constant 0 : i32
        %dma_wait3A_362 = tpu.memref_slice %arg2[%dma_wait3A_360, %dma_wait3A_361] : memref<10000x16xf32, #tpu.memory_space<hbm>> -> memref<10000x16xf32, #tpu.memory_space<hbm>>
        tpu.wait_indirect_dma semaphore(%arg29 : memref<!tpu.dma_semaphore, #tpu.memory_space<semaphore_mem>>) src(%dma_wait3A_362 : memref<10000x16xf32, #tpu.memory_space<hbm>>) dst(%arg17 : memref<80x16xf32, #tpu.memory_space<vmem>>)
        %dma_start3A_363 = arith.constant 0 : i32
        %dma_start3A_364 = tpu.memref_slice %arg7[%add3A_297, %dma_start3A_363] : memref<125x80xi32, #tpu.memory_space<vmem>> -> memref<1x80xi32, #tpu.memory_space<vmem>>
        %dma_start3A_365 = tpu.memref_squeeze %dma_start3A_364 : memref<1x80xi32, #tpu.memory_space<vmem>> -> memref<80xi32, #tpu.memory_space<vmem>>
        %dma_start3A_366 = arith.constant 0 : i32
        %dma_start3A_367 = arith.constant 0 : i32
        %dma_start3A_368 = tpu.memref_slice %arg8[%dma_start3A_366, %dma_start3A_367] : memref<10000x16xf32, #tpu.memory_space<vmem_shared>> -> memref<10000x16xf32, #tpu.memory_space<vmem_shared>>
        tpu.enqueue_indirect_dma source(%arg17 : memref<80x16xf32, #tpu.memory_space<vmem>>) target(%dma_start3A_368 : memref<10000x16xf32, #tpu.memory_space<vmem_shared>>) offsets(%dma_start3A_365 : memref<80xi32, #tpu.memory_space<vmem>>) semaphore(%arg41 : memref<!tpu.dma_semaphore, #tpu.memory_space<semaphore_mem>>) {add = true}
      } else {
      }
      %mul3A_310 = arith.constant 12 : i32
      %mul3A_311 = arith.muli %add3A_168, %mul3A_310 : i32
      %add3A_312 = arith.constant 9 : i32
      %add3A_313 = arith.addi %mul3A_311, %add3A_312 : i32
      %add3A_314 = arith.constant 6 : i32
      %add3A_315 = arith.addi %add3A_313, %add3A_314 : i32
      %lt3A_316 = arith.constant 125 : i32
      %lt3A_317 = arith.cmpi slt, %add3A_315, %lt3A_316 : i32
      %convert_element_type3A_318 = arith.extui %lt3A_317 : i1 to i32
      %cond3A_319 = arith.constant 0 : i32
      %cond3A_320 = arith.cmpi ne, %convert_element_type3A_318, %cond3A_319 : i32
      scf.if %cond3A_320 {
        %ge3A = arith.constant 6 : i32
        %ge3A_358 = arith.cmpi sge, %add3A_313, %ge3A : i32
        %convert_element_type3A_359 = arith.extui %ge3A_358 : i1 to i32
        %cond3A_360 = arith.constant 0 : i32
        %cond3A_361 = arith.cmpi ne, %convert_element_type3A_359, %cond3A_360 : i32
        scf.if %cond3A_361 {
          %dma_wait3A_370 = arith.constant 0 : i32
          %dma_wait3A_371 = arith.constant 0 : i32
          %dma_wait3A_372 = tpu.memref_slice %arg7[%dma_wait3A_370, %dma_wait3A_371] : memref<125x80xi32, #tpu.memory_space<vmem>> -> memref<1x80xi32, #tpu.memory_space<vmem>>
          %dma_wait3A_373 = tpu.memref_squeeze %dma_wait3A_372 : memref<1x80xi32, #tpu.memory_space<vmem>> -> memref<80xi32, #tpu.memory_space<vmem>>
          %dma_wait3A_374 = arith.constant 0 : i32
          %dma_wait3A_375 = arith.constant 0 : i32
          %dma_wait3A_376 = tpu.memref_slice %arg8[%dma_wait3A_374, %dma_wait3A_375] : memref<10000x16xf32, #tpu.memory_space<vmem_shared>> -> memref<10000x16xf32, #tpu.memory_space<vmem_shared>>
          tpu.wait_indirect_dma semaphore(%arg36 : memref<!tpu.dma_semaphore, #tpu.memory_space<semaphore_mem>>) src(%arg12 : memref<80x16xf32, #tpu.memory_space<vmem>>) dst(%dma_wait3A_376 : memref<10000x16xf32, #tpu.memory_space<vmem_shared>>)
        } else {
        }
        %add3A_362 = arith.constant 6 : i32
        %add3A_363 = arith.addi %add3A_313, %add3A_362 : i32
        %mul3A_364 = arith.constant 80 : i32
        %mul3A_365 = arith.muli %add3A_363, %mul3A_364 : i32
        %dma_start3A_366 = tpu.memref_slice %arg6[%mul3A_365] : memref<10000xi32, #tpu.memory_space<vmem>> -> memref<80xi32, #tpu.memory_space<vmem>>
        %dma_start3A_367 = arith.constant 0 : i32
        %dma_start3A_368 = arith.constant 0 : i32
        %dma_start3A_369 = tpu.memref_slice %arg2[%dma_start3A_367, %dma_start3A_368] : memref<10000x16xf32, #tpu.memory_space<hbm>> -> memref<10000x16xf32, #tpu.memory_space<hbm>>
        tpu.enqueue_indirect_dma source(%dma_start3A_369 : memref<10000x16xf32, #tpu.memory_space<hbm>>) target(%arg12 : memref<80x16xf32, #tpu.memory_space<vmem>>) offsets(%dma_start3A_366 : memref<80xi32, #tpu.memory_space<vmem>>) semaphore(%arg24 : memref<!tpu.dma_semaphore, #tpu.memory_space<semaphore_mem>>)
      } else {
      }
      %lt3A_321 = arith.constant 125 : i32
      %lt3A_322 = arith.cmpi slt, %add3A_313, %lt3A_321 : i32
      %convert_element_type3A_323 = arith.extui %lt3A_322 : i1 to i32
      %cond3A_324 = arith.constant 0 : i32
      %cond3A_325 = arith.cmpi ne, %convert_element_type3A_323, %cond3A_324 : i32
      scf.if %cond3A_325 {
        %dma_wait3A_358 = arith.constant 0 : i32
        %dma_wait3A_359 = tpu.memref_slice %arg6[%dma_wait3A_358] : memref<10000xi32, #tpu.memory_space<vmem>> -> memref<80xi32, #tpu.memory_space<vmem>>
        %dma_wait3A_360 = arith.constant 0 : i32
        %dma_wait3A_361 = arith.constant 0 : i32
        %dma_wait3A_362 = tpu.memref_slice %arg2[%dma_wait3A_360, %dma_wait3A_361] : memref<10000x16xf32, #tpu.memory_space<hbm>> -> memref<10000x16xf32, #tpu.memory_space<hbm>>
        tpu.wait_indirect_dma semaphore(%arg30 : memref<!tpu.dma_semaphore, #tpu.memory_space<semaphore_mem>>) src(%dma_wait3A_362 : memref<10000x16xf32, #tpu.memory_space<hbm>>) dst(%arg18 : memref<80x16xf32, #tpu.memory_space<vmem>>)
        %dma_start3A_363 = arith.constant 0 : i32
        %dma_start3A_364 = tpu.memref_slice %arg7[%add3A_313, %dma_start3A_363] : memref<125x80xi32, #tpu.memory_space<vmem>> -> memref<1x80xi32, #tpu.memory_space<vmem>>
        %dma_start3A_365 = tpu.memref_squeeze %dma_start3A_364 : memref<1x80xi32, #tpu.memory_space<vmem>> -> memref<80xi32, #tpu.memory_space<vmem>>
        %dma_start3A_366 = arith.constant 0 : i32
        %dma_start3A_367 = arith.constant 0 : i32
        %dma_start3A_368 = tpu.memref_slice %arg8[%dma_start3A_366, %dma_start3A_367] : memref<10000x16xf32, #tpu.memory_space<vmem_shared>> -> memref<10000x16xf32, #tpu.memory_space<vmem_shared>>
        tpu.enqueue_indirect_dma source(%arg18 : memref<80x16xf32, #tpu.memory_space<vmem>>) target(%dma_start3A_368 : memref<10000x16xf32, #tpu.memory_space<vmem_shared>>) offsets(%dma_start3A_365 : memref<80xi32, #tpu.memory_space<vmem>>) semaphore(%arg42 : memref<!tpu.dma_semaphore, #tpu.memory_space<semaphore_mem>>) {add = true}
      } else {
      }
      %mul3A_326 = arith.constant 12 : i32
      %mul3A_327 = arith.muli %add3A_168, %mul3A_326 : i32
      %add3A_328 = arith.constant 10 : i32
      %add3A_329 = arith.addi %mul3A_327, %add3A_328 : i32
      %add3A_330 = arith.constant 6 : i32
      %add3A_331 = arith.addi %add3A_329, %add3A_330 : i32
      %lt3A_332 = arith.constant 125 : i32
      %lt3A_333 = arith.cmpi slt, %add3A_331, %lt3A_332 : i32
      %convert_element_type3A_334 = arith.extui %lt3A_333 : i1 to i32
      %cond3A_335 = arith.constant 0 : i32
      %cond3A_336 = arith.cmpi ne, %convert_element_type3A_334, %cond3A_335 : i32
      scf.if %cond3A_336 {
        %ge3A = arith.constant 6 : i32
        %ge3A_358 = arith.cmpi sge, %add3A_329, %ge3A : i32
        %convert_element_type3A_359 = arith.extui %ge3A_358 : i1 to i32
        %cond3A_360 = arith.constant 0 : i32
        %cond3A_361 = arith.cmpi ne, %convert_element_type3A_359, %cond3A_360 : i32
        scf.if %cond3A_361 {
          %dma_wait3A_370 = arith.constant 0 : i32
          %dma_wait3A_371 = arith.constant 0 : i32
          %dma_wait3A_372 = tpu.memref_slice %arg7[%dma_wait3A_370, %dma_wait3A_371] : memref<125x80xi32, #tpu.memory_space<vmem>> -> memref<1x80xi32, #tpu.memory_space<vmem>>
          %dma_wait3A_373 = tpu.memref_squeeze %dma_wait3A_372 : memref<1x80xi32, #tpu.memory_space<vmem>> -> memref<80xi32, #tpu.memory_space<vmem>>
          %dma_wait3A_374 = arith.constant 0 : i32
          %dma_wait3A_375 = arith.constant 0 : i32
          %dma_wait3A_376 = tpu.memref_slice %arg8[%dma_wait3A_374, %dma_wait3A_375] : memref<10000x16xf32, #tpu.memory_space<vmem_shared>> -> memref<10000x16xf32, #tpu.memory_space<vmem_shared>>
          tpu.wait_indirect_dma semaphore(%arg37 : memref<!tpu.dma_semaphore, #tpu.memory_space<semaphore_mem>>) src(%arg13 : memref<80x16xf32, #tpu.memory_space<vmem>>) dst(%dma_wait3A_376 : memref<10000x16xf32, #tpu.memory_space<vmem_shared>>)
        } else {
        }
        %add3A_362 = arith.constant 6 : i32
        %add3A_363 = arith.addi %add3A_329, %add3A_362 : i32
        %mul3A_364 = arith.constant 80 : i32
        %mul3A_365 = arith.muli %add3A_363, %mul3A_364 : i32
        %dma_start3A_366 = tpu.memref_slice %arg6[%mul3A_365] : memref<10000xi32, #tpu.memory_space<vmem>> -> memref<80xi32, #tpu.memory_space<vmem>>
        %dma_start3A_367 = arith.constant 0 : i32
        %dma_start3A_368 = arith.constant 0 : i32
        %dma_start3A_369 = tpu.memref_slice %arg2[%dma_start3A_367, %dma_start3A_368] : memref<10000x16xf32, #tpu.memory_space<hbm>> -> memref<10000x16xf32, #tpu.memory_space<hbm>>
        tpu.enqueue_indirect_dma source(%dma_start3A_369 : memref<10000x16xf32, #tpu.memory_space<hbm>>) target(%arg13 : memref<80x16xf32, #tpu.memory_space<vmem>>) offsets(%dma_start3A_366 : memref<80xi32, #tpu.memory_space<vmem>>) semaphore(%arg25 : memref<!tpu.dma_semaphore, #tpu.memory_space<semaphore_mem>>)
      } else {
      }
      %lt3A_337 = arith.constant 125 : i32
      %lt3A_338 = arith.cmpi slt, %add3A_329, %lt3A_337 : i32
      %convert_element_type3A_339 = arith.extui %lt3A_338 : i1 to i32
      %cond3A_340 = arith.constant 0 : i32
      %cond3A_341 = arith.cmpi ne, %convert_element_type3A_339, %cond3A_340 : i32
      scf.if %cond3A_341 {
        %dma_wait3A_358 = arith.constant 0 : i32
        %dma_wait3A_359 = tpu.memref_slice %arg6[%dma_wait3A_358] : memref<10000xi32, #tpu.memory_space<vmem>> -> memref<80xi32, #tpu.memory_space<vmem>>
        %dma_wait3A_360 = arith.constant 0 : i32
        %dma_wait3A_361 = arith.constant 0 : i32
        %dma_wait3A_362 = tpu.memref_slice %arg2[%dma_wait3A_360, %dma_wait3A_361] : memref<10000x16xf32, #tpu.memory_space<hbm>> -> memref<10000x16xf32, #tpu.memory_space<hbm>>
        tpu.wait_indirect_dma semaphore(%arg31 : memref<!tpu.dma_semaphore, #tpu.memory_space<semaphore_mem>>) src(%dma_wait3A_362 : memref<10000x16xf32, #tpu.memory_space<hbm>>) dst(%arg19 : memref<80x16xf32, #tpu.memory_space<vmem>>)
        %dma_start3A_363 = arith.constant 0 : i32
        %dma_start3A_364 = tpu.memref_slice %arg7[%add3A_329, %dma_start3A_363] : memref<125x80xi32, #tpu.memory_space<vmem>> -> memref<1x80xi32, #tpu.memory_space<vmem>>
        %dma_start3A_365 = tpu.memref_squeeze %dma_start3A_364 : memref<1x80xi32, #tpu.memory_space<vmem>> -> memref<80xi32, #tpu.memory_space<vmem>>
        %dma_start3A_366 = arith.constant 0 : i32
        %dma_start3A_367 = arith.constant 0 : i32
        %dma_start3A_368 = tpu.memref_slice %arg8[%dma_start3A_366, %dma_start3A_367] : memref<10000x16xf32, #tpu.memory_space<vmem_shared>> -> memref<10000x16xf32, #tpu.memory_space<vmem_shared>>
        tpu.enqueue_indirect_dma source(%arg19 : memref<80x16xf32, #tpu.memory_space<vmem>>) target(%dma_start3A_368 : memref<10000x16xf32, #tpu.memory_space<vmem_shared>>) offsets(%dma_start3A_365 : memref<80xi32, #tpu.memory_space<vmem>>) semaphore(%arg43 : memref<!tpu.dma_semaphore, #tpu.memory_space<semaphore_mem>>) {add = true}
      } else {
      }
      %mul3A_342 = arith.constant 12 : i32
      %mul3A_343 = arith.muli %add3A_168, %mul3A_342 : i32
      %add3A_344 = arith.constant 11 : i32
      %add3A_345 = arith.addi %mul3A_343, %add3A_344 : i32
      %add3A_346 = arith.constant 6 : i32
      %add3A_347 = arith.addi %add3A_345, %add3A_346 : i32
      %lt3A_348 = arith.constant 125 : i32
      %lt3A_349 = arith.cmpi slt, %add3A_347, %lt3A_348 : i32
      %convert_element_type3A_350 = arith.extui %lt3A_349 : i1 to i32
      %cond3A_351 = arith.constant 0 : i32
      %cond3A_352 = arith.cmpi ne, %convert_element_type3A_350, %cond3A_351 : i32
      scf.if %cond3A_352 {
        %ge3A = arith.constant 6 : i32
        %ge3A_358 = arith.cmpi sge, %add3A_345, %ge3A : i32
        %convert_element_type3A_359 = arith.extui %ge3A_358 : i1 to i32
        %cond3A_360 = arith.constant 0 : i32
        %cond3A_361 = arith.cmpi ne, %convert_element_type3A_359, %cond3A_360 : i32
        scf.if %cond3A_361 {
          %dma_wait3A_370 = arith.constant 0 : i32
          %dma_wait3A_371 = arith.constant 0 : i32
          %dma_wait3A_372 = tpu.memref_slice %arg7[%dma_wait3A_370, %dma_wait3A_371] : memref<125x80xi32, #tpu.memory_space<vmem>> -> memref<1x80xi32, #tpu.memory_space<vmem>>
          %dma_wait3A_373 = tpu.memref_squeeze %dma_wait3A_372 : memref<1x80xi32, #tpu.memory_space<vmem>> -> memref<80xi32, #tpu.memory_space<vmem>>
          %dma_wait3A_374 = arith.constant 0 : i32
          %dma_wait3A_375 = arith.constant 0 : i32
          %dma_wait3A_376 = tpu.memref_slice %arg8[%dma_wait3A_374, %dma_wait3A_375] : memref<10000x16xf32, #tpu.memory_space<vmem_shared>> -> memref<10000x16xf32, #tpu.memory_space<vmem_shared>>
          tpu.wait_indirect_dma semaphore(%arg38 : memref<!tpu.dma_semaphore, #tpu.memory_space<semaphore_mem>>) src(%arg14 : memref<80x16xf32, #tpu.memory_space<vmem>>) dst(%dma_wait3A_376 : memref<10000x16xf32, #tpu.memory_space<vmem_shared>>)
        } else {
        }
        %add3A_362 = arith.constant 6 : i32
        %add3A_363 = arith.addi %add3A_345, %add3A_362 : i32
        %mul3A_364 = arith.constant 80 : i32
        %mul3A_365 = arith.muli %add3A_363, %mul3A_364 : i32
        %dma_start3A_366 = tpu.memref_slice %arg6[%mul3A_365] : memref<10000xi32, #tpu.memory_space<vmem>> -> memref<80xi32, #tpu.memory_space<vmem>>
        %dma_start3A_367 = arith.constant 0 : i32
        %dma_start3A_368 = arith.constant 0 : i32
        %dma_start3A_369 = tpu.memref_slice %arg2[%dma_start3A_367, %dma_start3A_368] : memref<10000x16xf32, #tpu.memory_space<hbm>> -> memref<10000x16xf32, #tpu.memory_space<hbm>>
        tpu.enqueue_indirect_dma source(%dma_start3A_369 : memref<10000x16xf32, #tpu.memory_space<hbm>>) target(%arg14 : memref<80x16xf32, #tpu.memory_space<vmem>>) offsets(%dma_start3A_366 : memref<80xi32, #tpu.memory_space<vmem>>) semaphore(%arg26 : memref<!tpu.dma_semaphore, #tpu.memory_space<semaphore_mem>>)
      } else {
      }
      %lt3A_353 = arith.constant 125 : i32
      %lt3A_354 = arith.cmpi slt, %add3A_345, %lt3A_353 : i32
      %convert_element_type3A_355 = arith.extui %lt3A_354 : i1 to i32
      %cond3A_356 = arith.constant 0 : i32
      %cond3A_357 = arith.cmpi ne, %convert_element_type3A_355, %cond3A_356 : i32
      scf.if %cond3A_357 {
        %dma_wait3A_358 = arith.constant 0 : i32
        %dma_wait3A_359 = tpu.memref_slice %arg6[%dma_wait3A_358] : memref<10000xi32, #tpu.memory_space<vmem>> -> memref<80xi32, #tpu.memory_space<vmem>>
        %dma_wait3A_360 = arith.constant 0 : i32
        %dma_wait3A_361 = arith.constant 0 : i32
        %dma_wait3A_362 = tpu.memref_slice %arg2[%dma_wait3A_360, %dma_wait3A_361] : memref<10000x16xf32, #tpu.memory_space<hbm>> -> memref<10000x16xf32, #tpu.memory_space<hbm>>
        tpu.wait_indirect_dma semaphore(%arg32 : memref<!tpu.dma_semaphore, #tpu.memory_space<semaphore_mem>>) src(%dma_wait3A_362 : memref<10000x16xf32, #tpu.memory_space<hbm>>) dst(%arg20 : memref<80x16xf32, #tpu.memory_space<vmem>>)
        %dma_start3A_363 = arith.constant 0 : i32
        %dma_start3A_364 = tpu.memref_slice %arg7[%add3A_345, %dma_start3A_363] : memref<125x80xi32, #tpu.memory_space<vmem>> -> memref<1x80xi32, #tpu.memory_space<vmem>>
        %dma_start3A_365 = tpu.memref_squeeze %dma_start3A_364 : memref<1x80xi32, #tpu.memory_space<vmem>> -> memref<80xi32, #tpu.memory_space<vmem>>
        %dma_start3A_366 = arith.constant 0 : i32
        %dma_start3A_367 = arith.constant 0 : i32
        %dma_start3A_368 = tpu.memref_slice %arg8[%dma_start3A_366, %dma_start3A_367] : memref<10000x16xf32, #tpu.memory_space<vmem_shared>> -> memref<10000x16xf32, #tpu.memory_space<vmem_shared>>
        tpu.enqueue_indirect_dma source(%arg20 : memref<80x16xf32, #tpu.memory_space<vmem>>) target(%dma_start3A_368 : memref<10000x16xf32, #tpu.memory_space<vmem_shared>>) offsets(%dma_start3A_365 : memref<80xi32, #tpu.memory_space<vmem>>) semaphore(%arg44 : memref<!tpu.dma_semaphore, #tpu.memory_space<semaphore_mem>>) {add = true}
      } else {
      }
    }
    %scan3A_64 = arith.constant 11 : i32
    %dma_wait3A_65 = arith.constant 0 : i32
    %dma_wait3A_66 = arith.constant 0 : i32
    %dma_wait3A_67 = tpu.memref_slice %arg7[%dma_wait3A_65, %dma_wait3A_66] : memref<125x80xi32, #tpu.memory_space<vmem>> -> memref<1x80xi32, #tpu.memory_space<vmem>>
    %dma_wait3A_68 = tpu.memref_squeeze %dma_wait3A_67 : memref<1x80xi32, #tpu.memory_space<vmem>> -> memref<80xi32, #tpu.memory_space<vmem>>
    %dma_wait3A_69 = arith.constant 0 : i32
    %dma_wait3A_70 = arith.constant 0 : i32
    %dma_wait3A_71 = tpu.memref_slice %arg8[%dma_wait3A_69, %dma_wait3A_70] : memref<10000x16xf32, #tpu.memory_space<vmem_shared>> -> memref<10000x16xf32, #tpu.memory_space<vmem_shared>>
    tpu.wait_indirect_dma semaphore(%arg33 : memref<!tpu.dma_semaphore, #tpu.memory_space<semaphore_mem>>) src(%arg9 : memref<80x16xf32, #tpu.memory_space<vmem>>) dst(%dma_wait3A_71 : memref<10000x16xf32, #tpu.memory_space<vmem_shared>>)
    %dma_wait3A_72 = arith.constant 0 : i32
    %dma_wait3A_73 = arith.constant 0 : i32
    %dma_wait3A_74 = tpu.memref_slice %arg7[%dma_wait3A_72, %dma_wait3A_73] : memref<125x80xi32, #tpu.memory_space<vmem>> -> memref<1x80xi32, #tpu.memory_space<vmem>>
    %dma_wait3A_75 = tpu.memref_squeeze %dma_wait3A_74 : memref<1x80xi32, #tpu.memory_space<vmem>> -> memref<80xi32, #tpu.memory_space<vmem>>
    %dma_wait3A_76 = arith.constant 0 : i32
    %dma_wait3A_77 = arith.constant 0 : i32
    %dma_wait3A_78 = tpu.memref_slice %arg8[%dma_wait3A_76, %dma_wait3A_77] : memref<10000x16xf32, #tpu.memory_space<vmem_shared>> -> memref<10000x16xf32, #tpu.memory_space<vmem_shared>>
    tpu.wait_indirect_dma semaphore(%arg34 : memref<!tpu.dma_semaphore, #tpu.memory_space<semaphore_mem>>) src(%arg10 : memref<80x16xf32, #tpu.memory_space<vmem>>) dst(%dma_wait3A_78 : memref<10000x16xf32, #tpu.memory_space<vmem_shared>>)
    %dma_wait3A_79 = arith.constant 0 : i32
    %dma_wait3A_80 = arith.constant 0 : i32
    %dma_wait3A_81 = tpu.memref_slice %arg7[%dma_wait3A_79, %dma_wait3A_80] : memref<125x80xi32, #tpu.memory_space<vmem>> -> memref<1x80xi32, #tpu.memory_space<vmem>>
    %dma_wait3A_82 = tpu.memref_squeeze %dma_wait3A_81 : memref<1x80xi32, #tpu.memory_space<vmem>> -> memref<80xi32, #tpu.memory_space<vmem>>
    %dma_wait3A_83 = arith.constant 0 : i32
    %dma_wait3A_84 = arith.constant 0 : i32
    %dma_wait3A_85 = tpu.memref_slice %arg8[%dma_wait3A_83, %dma_wait3A_84] : memref<10000x16xf32, #tpu.memory_space<vmem_shared>> -> memref<10000x16xf32, #tpu.memory_space<vmem_shared>>
    tpu.wait_indirect_dma semaphore(%arg35 : memref<!tpu.dma_semaphore, #tpu.memory_space<semaphore_mem>>) src(%arg11 : memref<80x16xf32, #tpu.memory_space<vmem>>) dst(%dma_wait3A_85 : memref<10000x16xf32, #tpu.memory_space<vmem_shared>>)
    %dma_wait3A_86 = arith.constant 0 : i32
    %dma_wait3A_87 = arith.constant 0 : i32
    %dma_wait3A_88 = tpu.memref_slice %arg7[%dma_wait3A_86, %dma_wait3A_87] : memref<125x80xi32, #tpu.memory_space<vmem>> -> memref<1x80xi32, #tpu.memory_space<vmem>>
    %dma_wait3A_89 = tpu.memref_squeeze %dma_wait3A_88 : memref<1x80xi32, #tpu.memory_space<vmem>> -> memref<80xi32, #tpu.memory_space<vmem>>
    %dma_wait3A_90 = arith.constant 0 : i32
    %dma_wait3A_91 = arith.constant 0 : i32
    %dma_wait3A_92 = tpu.memref_slice %arg8[%dma_wait3A_90, %dma_wait3A_91] : memref<10000x16xf32, #tpu.memory_space<vmem_shared>> -> memref<10000x16xf32, #tpu.memory_space<vmem_shared>>
    tpu.wait_indirect_dma semaphore(%arg36 : memref<!tpu.dma_semaphore, #tpu.memory_space<semaphore_mem>>) src(%arg12 : memref<80x16xf32, #tpu.memory_space<vmem>>) dst(%dma_wait3A_92 : memref<10000x16xf32, #tpu.memory_space<vmem_shared>>)
    %dma_wait3A_93 = arith.constant 0 : i32
    %dma_wait3A_94 = arith.constant 0 : i32
    %dma_wait3A_95 = tpu.memref_slice %arg7[%dma_wait3A_93, %dma_wait3A_94] : memref<125x80xi32, #tpu.memory_space<vmem>> -> memref<1x80xi32, #tpu.memory_space<vmem>>
    %dma_wait3A_96 = tpu.memref_squeeze %dma_wait3A_95 : memref<1x80xi32, #tpu.memory_space<vmem>> -> memref<80xi32, #tpu.memory_space<vmem>>
    %dma_wait3A_97 = arith.constant 0 : i32
    %dma_wait3A_98 = arith.constant 0 : i32
    %dma_wait3A_99 = tpu.memref_slice %arg8[%dma_wait3A_97, %dma_wait3A_98] : memref<10000x16xf32, #tpu.memory_space<vmem_shared>> -> memref<10000x16xf32, #tpu.memory_space<vmem_shared>>
    tpu.wait_indirect_dma semaphore(%arg37 : memref<!tpu.dma_semaphore, #tpu.memory_space<semaphore_mem>>) src(%arg13 : memref<80x16xf32, #tpu.memory_space<vmem>>) dst(%dma_wait3A_99 : memref<10000x16xf32, #tpu.memory_space<vmem_shared>>)
    %dma_wait3A_100 = arith.constant 0 : i32
    %dma_wait3A_101 = arith.constant 0 : i32
    %dma_wait3A_102 = tpu.memref_slice %arg7[%dma_wait3A_100, %dma_wait3A_101] : memref<125x80xi32, #tpu.memory_space<vmem>> -> memref<1x80xi32, #tpu.memory_space<vmem>>
    %dma_wait3A_103 = tpu.memref_squeeze %dma_wait3A_102 : memref<1x80xi32, #tpu.memory_space<vmem>> -> memref<80xi32, #tpu.memory_space<vmem>>
    %dma_wait3A_104 = arith.constant 0 : i32
    %dma_wait3A_105 = arith.constant 0 : i32
    %dma_wait3A_106 = tpu.memref_slice %arg8[%dma_wait3A_104, %dma_wait3A_105] : memref<10000x16xf32, #tpu.memory_space<vmem_shared>> -> memref<10000x16xf32, #tpu.memory_space<vmem_shared>>
    tpu.wait_indirect_dma semaphore(%arg38 : memref<!tpu.dma_semaphore, #tpu.memory_space<semaphore_mem>>) src(%arg14 : memref<80x16xf32, #tpu.memory_space<vmem>>) dst(%dma_wait3A_106 : memref<10000x16xf32, #tpu.memory_space<vmem_shared>>)
    %dma_wait3A_107 = arith.constant 0 : i32
    %dma_wait3A_108 = arith.constant 0 : i32
    %dma_wait3A_109 = tpu.memref_slice %arg7[%dma_wait3A_107, %dma_wait3A_108] : memref<125x80xi32, #tpu.memory_space<vmem>> -> memref<1x80xi32, #tpu.memory_space<vmem>>
    %dma_wait3A_110 = tpu.memref_squeeze %dma_wait3A_109 : memref<1x80xi32, #tpu.memory_space<vmem>> -> memref<80xi32, #tpu.memory_space<vmem>>
    %dma_wait3A_111 = arith.constant 0 : i32
    %dma_wait3A_112 = arith.constant 0 : i32
    %dma_wait3A_113 = tpu.memref_slice %arg8[%dma_wait3A_111, %dma_wait3A_112] : memref<10000x16xf32, #tpu.memory_space<vmem_shared>> -> memref<10000x16xf32, #tpu.memory_space<vmem_shared>>
    tpu.wait_indirect_dma semaphore(%arg39 : memref<!tpu.dma_semaphore, #tpu.memory_space<semaphore_mem>>) src(%arg15 : memref<80x16xf32, #tpu.memory_space<vmem>>) dst(%dma_wait3A_113 : memref<10000x16xf32, #tpu.memory_space<vmem_shared>>)
    %dma_wait3A_114 = arith.constant 0 : i32
    %dma_wait3A_115 = arith.constant 0 : i32
    %dma_wait3A_116 = tpu.memref_slice %arg7[%dma_wait3A_114, %dma_wait3A_115] : memref<125x80xi32, #tpu.memory_space<vmem>> -> memref<1x80xi32, #tpu.memory_space<vmem>>
    %dma_wait3A_117 = tpu.memref_squeeze %dma_wait3A_116 : memref<1x80xi32, #tpu.memory_space<vmem>> -> memref<80xi32, #tpu.memory_space<vmem>>
    %dma_wait3A_118 = arith.constant 0 : i32
    %dma_wait3A_119 = arith.constant 0 : i32
    %dma_wait3A_120 = tpu.memref_slice %arg8[%dma_wait3A_118, %dma_wait3A_119] : memref<10000x16xf32, #tpu.memory_space<vmem_shared>> -> memref<10000x16xf32, #tpu.memory_space<vmem_shared>>
    tpu.wait_indirect_dma semaphore(%arg40 : memref<!tpu.dma_semaphore, #tpu.memory_space<semaphore_mem>>) src(%arg16 : memref<80x16xf32, #tpu.memory_space<vmem>>) dst(%dma_wait3A_120 : memref<10000x16xf32, #tpu.memory_space<vmem_shared>>)
    %dma_wait3A_121 = arith.constant 0 : i32
    %dma_wait3A_122 = arith.constant 0 : i32
    %dma_wait3A_123 = tpu.memref_slice %arg7[%dma_wait3A_121, %dma_wait3A_122] : memref<125x80xi32, #tpu.memory_space<vmem>> -> memref<1x80xi32, #tpu.memory_space<vmem>>
    %dma_wait3A_124 = tpu.memref_squeeze %dma_wait3A_123 : memref<1x80xi32, #tpu.memory_space<vmem>> -> memref<80xi32, #tpu.memory_space<vmem>>
    %dma_wait3A_125 = arith.constant 0 : i32
    %dma_wait3A_126 = arith.constant 0 : i32
    %dma_wait3A_127 = tpu.memref_slice %arg8[%dma_wait3A_125, %dma_wait3A_126] : memref<10000x16xf32, #tpu.memory_space<vmem_shared>> -> memref<10000x16xf32, #tpu.memory_space<vmem_shared>>
    tpu.wait_indirect_dma semaphore(%arg41 : memref<!tpu.dma_semaphore, #tpu.memory_space<semaphore_mem>>) src(%arg17 : memref<80x16xf32, #tpu.memory_space<vmem>>) dst(%dma_wait3A_127 : memref<10000x16xf32, #tpu.memory_space<vmem_shared>>)
    %dma_wait3A_128 = arith.constant 0 : i32
    %dma_wait3A_129 = arith.constant 0 : i32
    %dma_wait3A_130 = tpu.memref_slice %arg7[%dma_wait3A_128, %dma_wait3A_129] : memref<125x80xi32, #tpu.memory_space<vmem>> -> memref<1x80xi32, #tpu.memory_space<vmem>>
    %dma_wait3A_131 = tpu.memref_squeeze %dma_wait3A_130 : memref<1x80xi32, #tpu.memory_space<vmem>> -> memref<80xi32, #tpu.memory_space<vmem>>
    %dma_wait3A_132 = arith.constant 0 : i32
    %dma_wait3A_133 = arith.constant 0 : i32
    %dma_wait3A_134 = tpu.memref_slice %arg8[%dma_wait3A_132, %dma_wait3A_133] : memref<10000x16xf32, #tpu.memory_space<vmem_shared>> -> memref<10000x16xf32, #tpu.memory_space<vmem_shared>>
    tpu.wait_indirect_dma semaphore(%arg42 : memref<!tpu.dma_semaphore, #tpu.memory_space<semaphore_mem>>) src(%arg18 : memref<80x16xf32, #tpu.memory_space<vmem>>) dst(%dma_wait3A_134 : memref<10000x16xf32, #tpu.memory_space<vmem_shared>>)
    %dma_wait3A_135 = arith.constant 0 : i32
    %dma_wait3A_136 = arith.constant 0 : i32
    %dma_wait3A_137 = tpu.memref_slice %arg7[%dma_wait3A_135, %dma_wait3A_136] : memref<125x80xi32, #tpu.memory_space<vmem>> -> memref<1x80xi32, #tpu.memory_space<vmem>>
    %dma_wait3A_138 = tpu.memref_squeeze %dma_wait3A_137 : memref<1x80xi32, #tpu.memory_space<vmem>> -> memref<80xi32, #tpu.memory_space<vmem>>
    %dma_wait3A_139 = arith.constant 0 : i32
    %dma_wait3A_140 = arith.constant 0 : i32
    %dma_wait3A_141 = tpu.memref_slice %arg8[%dma_wait3A_139, %dma_wait3A_140] : memref<10000x16xf32, #tpu.memory_space<vmem_shared>> -> memref<10000x16xf32, #tpu.memory_space<vmem_shared>>
    tpu.wait_indirect_dma semaphore(%arg43 : memref<!tpu.dma_semaphore, #tpu.memory_space<semaphore_mem>>) src(%arg19 : memref<80x16xf32, #tpu.memory_space<vmem>>) dst(%dma_wait3A_141 : memref<10000x16xf32, #tpu.memory_space<vmem_shared>>)
    %dma_wait3A_142 = arith.constant 0 : i32
    %dma_wait3A_143 = arith.constant 0 : i32
    %dma_wait3A_144 = tpu.memref_slice %arg7[%dma_wait3A_142, %dma_wait3A_143] : memref<125x80xi32, #tpu.memory_space<vmem>> -> memref<1x80xi32, #tpu.memory_space<vmem>>
    %dma_wait3A_145 = tpu.memref_squeeze %dma_wait3A_144 : memref<1x80xi32, #tpu.memory_space<vmem>> -> memref<80xi32, #tpu.memory_space<vmem>>
    %dma_wait3A_146 = arith.constant 0 : i32
    %dma_wait3A_147 = arith.constant 0 : i32
    %dma_wait3A_148 = tpu.memref_slice %arg8[%dma_wait3A_146, %dma_wait3A_147] : memref<10000x16xf32, #tpu.memory_space<vmem_shared>> -> memref<10000x16xf32, #tpu.memory_space<vmem_shared>>
    tpu.wait_indirect_dma semaphore(%arg44 : memref<!tpu.dma_semaphore, #tpu.memory_space<semaphore_mem>>) src(%arg20 : memref<80x16xf32, #tpu.memory_space<vmem>>) dst(%dma_wait3A_148 : memref<10000x16xf32, #tpu.memory_space<vmem_shared>>)
    %barrier3A_149 = arith.constant 0 : index
    tpu.barrier barrier_id(%barrier3A_149)
    %mul3A_150 = arith.constant 625 : i32
    %mul3A_151 = arith.muli %arg1, %mul3A_150 : i32
    %mul3A_152 = arith.constant 625 : i32
    %mul3A_153 = arith.muli %arg1, %mul3A_152 : i32
    %dma_start3A_154 = arith.constant 0 : i32
    %dma_start3A_155 = tpu.memref_slice %arg5[%arg0, %mul3A_153, %dma_start3A_154] : memref<2x10000x16xf32, #tpu.memory_space<hbm>> -> memref<1x625x16xf32, #tpu.memory_space<hbm>>
    %dma_start3A_156 = tpu.memref_squeeze %dma_start3A_155 : memref<1x625x16xf32, #tpu.memory_space<hbm>> -> memref<625x16xf32, #tpu.memory_space<hbm>>
    %dma_start3A_157 = arith.constant 0 : i32
    %dma_start3A_158 = tpu.memref_slice %arg8[%mul3A_151, %dma_start3A_157] : memref<10000x16xf32, #tpu.memory_space<vmem_shared>> -> memref<625x16xf32, #tpu.memory_space<vmem_shared>>
    tpu.enqueue_dma source(%dma_start3A_158 : memref<625x16xf32, #tpu.memory_space<vmem_shared>>) target(%dma_start3A_156 : memref<625x16xf32, #tpu.memory_space<hbm>>) target_semaphore(%arg21 : memref<!tpu.dma_semaphore, #tpu.memory_space<semaphore_mem>>)
    %dma_wait3A_159 = arith.constant 0 : i32
    %dma_wait3A_160 = tpu.memref_slice %arg5[%arg0, %mul3A_153, %dma_wait3A_159] : memref<2x10000x16xf32, #tpu.memory_space<hbm>> -> memref<1x625x16xf32, #tpu.memory_space<hbm>>
    %dma_wait3A_161 = tpu.memref_squeeze %dma_wait3A_160 : memref<1x625x16xf32, #tpu.memory_space<hbm>> -> memref<625x16xf32, #tpu.memory_space<hbm>>
    %dma_wait3A_162 = arith.constant 0 : i32
    %dma_wait3A_163 = tpu.memref_slice %arg8[%mul3A_151, %dma_wait3A_162] : memref<10000x16xf32, #tpu.memory_space<vmem_shared>> -> memref<625x16xf32, #tpu.memory_space<vmem_shared>>
    tpu.wait_dma2 semaphore(%arg21 : memref<!tpu.dma_semaphore, #tpu.memory_space<semaphore_mem>>) src(%dma_wait3A_163 : memref<625x16xf32, #tpu.memory_space<vmem_shared>>) dst(%dma_wait3A_161 : memref<625x16xf32, #tpu.memory_space<hbm>>)
    return
  }
}

#map = affine_map<(d0, d1) -> (0, 0)>
module attributes {stable_mosaic.version = 14 : i64} {
  func.func @hist_kernel(%arg0: i32, %arg1: i32, %arg2: memref<2x320000xi32, #tpu.memory_space<hbm>>, %arg3: memref<32x10000xf32, #tpu.memory_space<hbm>>, %arg4: memref<10000xi32, #tpu.memory_space<vmem>>, %arg5: memref<10000xf32, #tpu.memory_space<vmem>>, %arg6: memref<!tpu.dma_semaphore, #tpu.memory_space<semaphore_mem>>) attributes {dimension_semantics = [#tpu.dimension_semantics<core_parallel>, #tpu.dimension_semantics<subcore_parallel>], iteration_bounds = array<i64: 2, 16>, scalar_prefetch = 0 : i64, scratch_operands = 3 : i64, tpu.core_type = #tpu.core_type<sc_vector_subcore>, window_params = [{transform_indices = #map}, {transform_indices = #map}]} {
    %mul3A = arith.constant 2 : i32
    %mul3A_0 = arith.muli %arg1, %mul3A : i32
    %add3A = arith.addi %mul3A_0, %arg0 : i32
    %broadcast_in_dim3A = arith.constant 0.000000e+00 : f32
    %broadcast_in_dim3A_1 = vector.broadcast %broadcast_in_dim3A : f32 to vector<16xf32>
    %scan3A = arith.constant 0 : i32
    %scan3A_2 = arith.constant 625 : i32
    %scan3A_3 = arith.addi %scan3A, %scan3A_2 : i32
    %scan3A_4 = arith.constant 1 : i32
    scf.for %scan3A_35 = %scan3A to %scan3A_3 step %scan3A_4  : i32 {
      %mul3A_36 = arith.constant 1 : i32
      %mul3A_37 = arith.muli %scan3A_35, %mul3A_36 : i32
      %add3A_38 = arith.constant 0 : i32
      %add3A_39 = arith.addi %add3A_38, %mul3A_37 : i32
      %mul3A_40 = arith.constant 16 : i32
      %mul3A_41 = arith.muli %add3A_39, %mul3A_40 : i32
      %swap3A = arith.index_cast %mul3A_41 : i32 to index
      %swap3A_42 = tpu.vector_load %arg5[%swap3A] {strides = array<i32>} : memref<10000xf32, #tpu.memory_space<vmem>>, vector<16xf32>,
      tpu.vector_store %arg5[%swap3A], %broadcast_in_dim3A_1 {strides = array<i32>} : memref<10000xf32, #tpu.memory_space<vmem>>, vector<16xf32>,
    }
    %scan3A_5 = arith.constant 625 : i32
    %mul3A_6 = arith.constant 10000 : i32
    %mul3A_7 = arith.muli %add3A, %mul3A_6 : i32
    %dma_start3A = arith.constant 1 : i32
    %dma_start3A_8 = tpu.memref_slice %arg2[%dma_start3A, %mul3A_7] : memref<2x320000xi32, #tpu.memory_space<hbm>> -> memref<1x10000xi32, #tpu.memory_space<hbm>>
    %dma_start3A_9 = tpu.memref_squeeze %dma_start3A_8 : memref<1x10000xi32, #tpu.memory_space<hbm>> -> memref<10000xi32, #tpu.memory_space<hbm>>
    %dma_start3A_10 = tpu.memref_slice %arg2[%dma_start3A, %mul3A_7] : memref<2x320000xi32, #tpu.memory_space<hbm>> -> memref<1x10000xi32, #tpu.memory_space<hbm>>
    %dma_start3A_11 = tpu.memref_squeeze %dma_start3A_10 : memref<1x10000xi32, #tpu.memory_space<hbm>> -> memref<10000xi32, #tpu.memory_space<hbm>>
    tpu.enqueue_dma source(%dma_start3A_11 : memref<10000xi32, #tpu.memory_space<hbm>>) target(%arg4 : memref<10000xi32, #tpu.memory_space<vmem>>) target_semaphore(%arg6 : memref<!tpu.dma_semaphore, #tpu.memory_space<semaphore_mem>>)
    %dma_wait3A = arith.constant 1 : i32
    %dma_wait3A_12 = tpu.memref_slice %arg2[%dma_wait3A, %mul3A_7] : memref<2x320000xi32, #tpu.memory_space<hbm>> -> memref<1x10000xi32, #tpu.memory_space<hbm>>
    %dma_wait3A_13 = tpu.memref_squeeze %dma_wait3A_12 : memref<1x10000xi32, #tpu.memory_space<hbm>> -> memref<10000xi32, #tpu.memory_space<hbm>>
    %dma_wait3A_14 = tpu.memref_slice %arg2[%dma_wait3A, %mul3A_7] : memref<2x320000xi32, #tpu.memory_space<hbm>> -> memref<1x10000xi32, #tpu.memory_space<hbm>>
    %dma_wait3A_15 = tpu.memref_squeeze %dma_wait3A_14 : memref<1x10000xi32, #tpu.memory_space<hbm>> -> memref<10000xi32, #tpu.memory_space<hbm>>
    tpu.wait_dma2 semaphore(%arg6 : memref<!tpu.dma_semaphore, #tpu.memory_space<semaphore_mem>>) src(%dma_wait3A_15 : memref<10000xi32, #tpu.memory_space<hbm>>) dst(%arg4 : memref<10000xi32, #tpu.memory_space<vmem>>)
    %broadcast_in_dim3A_16 = arith.constant 1.000000e+00 : f32
    %broadcast_in_dim3A_17 = vector.broadcast %broadcast_in_dim3A_16 : f32 to vector<16xf32>
    %scan3A_18 = arith.constant 0 : i32
    %scan3A_19 = arith.constant 625 : i32
    %scan3A_20 = arith.addi %scan3A_18, %scan3A_19 : i32
    %scan3A_21 = arith.constant 1 : i32
    scf.for %scan3A_35 = %scan3A_18 to %scan3A_20 step %scan3A_21  : i32 {
      %mul3A_36 = arith.constant 1 : i32
      %mul3A_37 = arith.muli %scan3A_35, %mul3A_36 : i32
      %add3A_38 = arith.constant 0 : i32
      %add3A_39 = arith.addi %add3A_38, %mul3A_37 : i32
      %mul3A_40 = arith.constant 16 : i32
      %mul3A_41 = arith.muli %add3A_39, %mul3A_40 : i32
      %get3A = arith.index_cast %mul3A_41 : i32 to index
      %get3A_42 = tpu.vector_load %arg4[%get3A] {strides = array<i32>} : memref<10000xi32, #tpu.memory_space<vmem>>, vector<16xi32>,
      tpu.vector_store_idx %arg5[%get3A_42], %broadcast_in_dim3A_17 {add = true} : memref<10000xf32, #tpu.memory_space<vmem>>[vector<16xi32>], vector<16xf32>,
    }
    %scan3A_22 = arith.constant 625 : i32
    %dma_start3A_23 = arith.constant 0 : i32
    %dma_start3A_24 = tpu.memref_slice %arg3[%add3A, %dma_start3A_23] : memref<32x10000xf32, #tpu.memory_space<hbm>> -> memref<1x10000xf32, #tpu.memory_space<hbm>>
    %dma_start3A_25 = tpu.memref_squeeze %dma_start3A_24 : memref<1x10000xf32, #tpu.memory_space<hbm>> -> memref<10000xf32, #tpu.memory_space<hbm>>
    %dma_start3A_26 = arith.constant 0 : i32
    %dma_start3A_27 = tpu.memref_slice %arg3[%add3A, %dma_start3A_26] : memref<32x10000xf32, #tpu.memory_space<hbm>> -> memref<1x10000xf32, #tpu.memory_space<hbm>>
    %dma_start3A_28 = tpu.memref_squeeze %dma_start3A_27 : memref<1x10000xf32, #tpu.memory_space<hbm>> -> memref<10000xf32, #tpu.memory_space<hbm>>
    tpu.enqueue_dma source(%arg5 : memref<10000xf32, #tpu.memory_space<vmem>>) target(%dma_start3A_28 : memref<10000xf32, #tpu.memory_space<hbm>>) target_semaphore(%arg6 : memref<!tpu.dma_semaphore, #tpu.memory_space<semaphore_mem>>)
    %dma_wait3A_29 = arith.constant 0 : i32
    %dma_wait3A_30 = tpu.memref_slice %arg3[%add3A, %dma_wait3A_29] : memref<32x10000xf32, #tpu.memory_space<hbm>> -> memref<1x10000xf32, #tpu.memory_space<hbm>>
    %dma_wait3A_31 = tpu.memref_squeeze %dma_wait3A_30 : memref<1x10000xf32, #tpu.memory_space<hbm>> -> memref<10000xf32, #tpu.memory_space<hbm>>
    %dma_wait3A_32 = arith.constant 0 : i32
    %dma_wait3A_33 = tpu.memref_slice %arg3[%add3A, %dma_wait3A_32] : memref<32x10000xf32, #tpu.memory_space<hbm>> -> memref<1x10000xf32, #tpu.memory_space<hbm>>
    %dma_wait3A_34 = tpu.memref_squeeze %dma_wait3A_33 : memref<1x10000xf32, #tpu.memory_space<hbm>> -> memref<10000xf32, #tpu.memory_space<hbm>>
    tpu.wait_dma2 semaphore(%arg6 : memref<!tpu.dma_semaphore, #tpu.memory_space<semaphore_mem>>) src(%arg5 : memref<10000xf32, #tpu.memory_space<vmem>>) dst(%dma_wait3A_34 : memref<10000xf32, #tpu.memory_space<hbm>>)
    return
  }
}

module attributes {stable_mosaic.version = 14 : i64} {
  func.func @body(%arg0: memref<32x10000xf32, #tpu.memory_space<vmem>>, %arg1: memref<10000x128xf32, #tpu.memory_space<vmem>>, %arg2: memref<128x16xf32, #tpu.memory_space<vmem>>, %arg3: memref<10000x16xf32, #tpu.memory_space<vmem>>, %arg4: memref<10000x1xf32, #tpu.memory_space<vmem>>) attributes {dimension_semantics = [], scalar_prefetch = 0 : i64, scratch_operands = 0 : i64, tpu.core_type = #tpu.core_type<tc>} {
    %broadcast_in_dim3A = arith.constant 1.000000e+00 : f32
    %broadcast_in_dim3A_0 = vector.broadcast %broadcast_in_dim3A : f32 to vector<32x1xf32>
    %get3A = arith.constant 0 : index
    %get3A_1 = arith.constant 0 : index
    %get3A_2 = vector.load %arg0[%get3A, %get3A_1] : memref<32x10000xf32, #tpu.memory_space<vmem>>, vector<32x10000xf32>
    %dot_general3A = arith.constant dense<0.000000e+00> : vector<10000x1xf32>
    %dot_general3A_3 = tpu.matmul %get3A_2, %broadcast_in_dim3A_0, %dot_general3A {dimension_numbers = #tpu.dot_dimension_numbers<[0], [0], [1], [1], [0, 1, 1, 1], [], []>, transpose_lhs_hint = false} : vector<32x10000xf32>, vector<32x1xf32>, vector<10000x1xf32> -> vector<10000x1xf32>
    %add3A = arith.constant 1.000000e+00 : f32
    %add3A_4 = vector.broadcast %add3A : f32 to vector<10000x1xf32>
    %add3A_5 = arith.addf %dot_general3A_3, %add3A_4 : vector<10000x1xf32>
    %rsqrt3A = math.rsqrt %add3A_5 : vector<10000x1xf32>
    %get3A_6 = arith.constant 0 : index
    %get3A_7 = arith.constant 0 : index
    %get3A_8 = vector.load %arg1[%get3A_6, %get3A_7] : memref<10000x128xf32, #tpu.memory_space<vmem>>, vector<10000x128xf32>
    %get3A_9 = arith.constant 0 : index
    %get3A_10 = arith.constant 0 : index
    %get3A_11 = vector.load %arg2[%get3A_9, %get3A_10] : memref<128x16xf32, #tpu.memory_space<vmem>>, vector<128x16xf32>
    %dot_general3A_12 = arith.constant dense<0.000000e+00> : vector<10000x16xf32>
    %dot_general3A_13 = tpu.matmul %get3A_8, %get3A_11, %dot_general3A_12 {dimension_numbers = #tpu.dot_dimension_numbers<[1], [0], [0], [1], [0, 0, 1, 1], [], []>, transpose_lhs_hint = false} : vector<10000x128xf32>, vector<128x16xf32>, vector<10000x16xf32> -> vector<10000x16xf32>
    %swap3A = arith.constant 0 : index
    %swap3A_14 = arith.constant 0 : index
    %swap3A_15 = vector.load %arg4[%swap3A, %swap3A_14] : memref<10000x1xf32, #tpu.memory_space<vmem>>, vector<10000x1xf32>
    tpu.vector_store %arg4[%swap3A, %swap3A_14], %rsqrt3A {strides = array<i32>} : memref<10000x1xf32, #tpu.memory_space<vmem>>, vector<10000x1xf32>,
    %mul3A = vector.broadcast %rsqrt3A : vector<10000x1xf32> to vector<10000x16xf32>
    %mul3A_16 = arith.mulf %dot_general3A_13, %mul3A : vector<10000x16xf32>
    %swap3A_17 = arith.constant 0 : index
    %swap3A_18 = arith.constant 0 : index
    %swap3A_19 = vector.load %arg3[%swap3A_17, %swap3A_18] : memref<10000x16xf32, #tpu.memory_space<vmem>>, vector<10000x16xf32>
    tpu.vector_store %arg3[%swap3A_17, %swap3A_18], %mul3A_16 {strides = array<i32>} : memref<10000x16xf32, #tpu.memory_space<vmem>>, vector<10000x16xf32>,
    return
  }
}

module attributes {stable_mosaic.version = 14 : i64} {
  func.func @body(%arg0: memref<2x1250x128xf32, #tpu.memory_space<vmem>>, %arg1: memref<1250x128xf32, #tpu.memory_space<vmem>>, %arg2: memref<1250x128xf32, #tpu.memory_space<vmem>>, %arg3: memref<1x128xf32, #tpu.memory_space<vmem>>, %arg4: memref<1250x128xf32, #tpu.memory_space<vmem>>) attributes {dimension_semantics = [], scalar_prefetch = 0 : i64, scratch_operands = 0 : i64, tpu.core_type = #tpu.core_type<tc>} {
    %get3A = arith.constant 0 : index
    %get3A_0 = arith.constant 0 : index
    %get3A_1 = vector.load %arg2[%get3A, %get3A_0] : memref<1250x128xf32, #tpu.memory_space<vmem>>, vector<1250x128xf32>
    %get3A_2 = arith.constant 0 : index
    %get3A_3 = arith.constant 0 : index
    %get3A_4 = arith.constant 0 : index
    %get3A_5 = vector.load %arg0[%get3A_2, %get3A_3, %get3A_4] : memref<2x1250x128xf32, #tpu.memory_space<vmem>>, vector<1x1250x128xf32>
    %get3A_6 = vector.shape_cast %get3A_5 : vector<1x1250x128xf32> to vector<1250x128xf32>
    %get3A_7 = arith.constant 1 : index
    %get3A_8 = arith.constant 0 : index
    %get3A_9 = arith.constant 0 : index
    %get3A_10 = vector.load %arg0[%get3A_7, %get3A_8, %get3A_9] : memref<2x1250x128xf32, #tpu.memory_space<vmem>>, vector<1x1250x128xf32>
    %get3A_11 = vector.shape_cast %get3A_10 : vector<1x1250x128xf32> to vector<1250x128xf32>
    %add3A = arith.addf %get3A_6, %get3A_11 : vector<1250x128xf32>
    %get3A_12 = arith.constant 0 : index
    %get3A_13 = arith.constant 0 : index
    %get3A_14 = vector.load %arg1[%get3A_12, %get3A_13] : memref<1250x128xf32, #tpu.memory_space<vmem>>, vector<1250x128xf32>
    %add3A_15 = arith.addf %add3A, %get3A_14 : vector<1250x128xf32>
    %mul3A = arith.mulf %get3A_1, %add3A_15 : vector<1250x128xf32>
    %get3A_16 = arith.constant 0 : index
    %get3A_17 = arith.constant 0 : index
    %get3A_18 = vector.load %arg3[%get3A_16, %get3A_17] : memref<1x128xf32, #tpu.memory_space<vmem>>, vector<1x128xf32>
    %add3A_19 = vector.broadcast %get3A_18 : vector<1x128xf32> to vector<1250x128xf32>
    %add3A_20 = arith.addf %mul3A, %add3A_19 : vector<1250x128xf32>
    %max3A = arith.constant 0.000000e+00 : f32
    %max3A_21 = vector.broadcast %max3A : f32 to vector<1250x128xf32>
    %max3A_22 = arith.maximumf %add3A_20, %max3A_21 : vector<1250x128xf32>
    %get3A_23 = arith.constant 0 : index
    %get3A_24 = arith.constant 0 : index
    %get3A_25 = vector.load %arg2[%get3A_23, %get3A_24] : memref<1250x128xf32, #tpu.memory_space<vmem>>, vector<1250x128xf32>
    %mul3A_26 = arith.mulf %get3A_25, %max3A_22 : vector<1250x128xf32>
    %swap3A = arith.constant 0 : index
    %swap3A_27 = arith.constant 0 : index
    %swap3A_28 = vector.load %arg4[%swap3A, %swap3A_27] : memref<1250x128xf32, #tpu.memory_space<vmem>>, vector<1250x128xf32>
    tpu.vector_store %arg4[%swap3A, %swap3A_27], %mul3A_26 {strides = array<i32>} : memref<1250x128xf32, #tpu.memory_space<vmem>>, vector<1250x128xf32>,
    return
  }
}

module attributes {stable_mosaic.version = 14 : i64} {
  func.func @body(%arg0: memref<2x1250x128xf32, #tpu.memory_space<vmem>>, %arg1: memref<1250x128xf32, #tpu.memory_space<vmem>>, %arg2: memref<1250x128xf32, #tpu.memory_space<vmem>>, %arg3: memref<16x40xf32, #tpu.memory_space<vmem>>, %arg4: memref<1x320xf32, #tpu.memory_space<vmem>>, %arg5: memref<1250x320xf32, #tpu.memory_space<vmem>>, %arg6: memref<128x320xf32, #tpu.memory_space<vmem>>) attributes {dimension_semantics = [], scalar_prefetch = 0 : i64, scratch_operands = 1 : i64, tpu.core_type = #tpu.core_type<tc>} {
    %get3A = arith.constant 0 : index
    %get3A_0 = arith.constant 0 : index
    %get3A_1 = vector.load %arg2[%get3A, %get3A_0] : memref<1250x128xf32, #tpu.memory_space<vmem>>, vector<1250x128xf32>
    %get3A_2 = arith.constant 0 : index
    %get3A_3 = arith.constant 0 : index
    %get3A_4 = arith.constant 0 : index
    %get3A_5 = vector.load %arg0[%get3A_2, %get3A_3, %get3A_4] : memref<2x1250x128xf32, #tpu.memory_space<vmem>>, vector<1x1250x128xf32>
    %get3A_6 = vector.shape_cast %get3A_5 : vector<1x1250x128xf32> to vector<1250x128xf32>
    %get3A_7 = arith.constant 1 : index
    %get3A_8 = arith.constant 0 : index
    %get3A_9 = arith.constant 0 : index
    %get3A_10 = vector.load %arg0[%get3A_7, %get3A_8, %get3A_9] : memref<2x1250x128xf32, #tpu.memory_space<vmem>>, vector<1x1250x128xf32>
    %get3A_11 = vector.shape_cast %get3A_10 : vector<1x1250x128xf32> to vector<1250x128xf32>
    %add3A = arith.addf %get3A_6, %get3A_11 : vector<1250x128xf32>
    %get3A_12 = arith.constant 0 : index
    %get3A_13 = arith.constant 0 : index
    %get3A_14 = vector.load %arg1[%get3A_12, %get3A_13] : memref<1250x128xf32, #tpu.memory_space<vmem>>, vector<1250x128xf32>
    %add3A_15 = arith.addf %add3A, %get3A_14 : vector<1250x128xf32>
    %mul3A = arith.mulf %get3A_1, %add3A_15 : vector<1250x128xf32>
    %broadcast_in_dim3A = arith.constant 0.000000e+00 : f32
    %broadcast_in_dim3A_16 = vector.broadcast %broadcast_in_dim3A : f32 to vector<128x320xf32>
    %swap3A = arith.constant 0 : index
    %swap3A_17 = arith.constant 0 : index
    %swap3A_18 = vector.load %arg6[%swap3A, %swap3A_17] : memref<128x320xf32, #tpu.memory_space<vmem>>, vector<128x320xf32>
    tpu.vector_store %arg6[%swap3A, %swap3A_17], %broadcast_in_dim3A_16 {strides = array<i32>} : memref<128x320xf32, #tpu.memory_space<vmem>>, vector<128x320xf32>,
    %get3A_19 = arith.constant 0 : index
    %get3A_20 = arith.constant 0 : index
    %get3A_21 = vector.load %arg3[%get3A_19, %get3A_20] : memref<16x40xf32, #tpu.memory_space<vmem>>, vector<16x40xf32>
    %swap3A_22 = arith.constant 0 : index
    %swap3A_23 = arith.constant 0 : index
    %swap3A_24 = vector.load %arg6[%swap3A_22, %swap3A_23] : memref<128x320xf32, #tpu.memory_space<vmem>>, vector<16x40xf32>
    tpu.vector_store %arg6[%swap3A_22, %swap3A_23], %get3A_21 {strides = array<i32>} : memref<128x320xf32, #tpu.memory_space<vmem>>, vector<16x40xf32>,
    %get3A_25 = arith.constant 0 : index
    %get3A_26 = arith.constant 0 : index
    %get3A_27 = vector.load %arg3[%get3A_25, %get3A_26] : memref<16x40xf32, #tpu.memory_space<vmem>>, vector<16x40xf32>
    %swap3A_28 = arith.constant 16 : index
    %swap3A_29 = arith.constant 40 : index
    %swap3A_30 = vector.load %arg6[%swap3A_28, %swap3A_29] : memref<128x320xf32, #tpu.memory_space<vmem>>, vector<16x40xf32>
    tpu.vector_store %arg6[%swap3A_28, %swap3A_29], %get3A_27 {strides = array<i32>} : memref<128x320xf32, #tpu.memory_space<vmem>>, vector<16x40xf32>,
    %get3A_31 = arith.constant 0 : index
    %get3A_32 = arith.constant 0 : index
    %get3A_33 = vector.load %arg3[%get3A_31, %get3A_32] : memref<16x40xf32, #tpu.memory_space<vmem>>, vector<16x40xf32>
    %swap3A_34 = arith.constant 32 : index
    %swap3A_35 = arith.constant 80 : index
    %swap3A_36 = vector.load %arg6[%swap3A_34, %swap3A_35] : memref<128x320xf32, #tpu.memory_space<vmem>>, vector<16x40xf32>
    tpu.vector_store %arg6[%swap3A_34, %swap3A_35], %get3A_33 {strides = array<i32>} : memref<128x320xf32, #tpu.memory_space<vmem>>, vector<16x40xf32>,
    %get3A_37 = arith.constant 0 : index
    %get3A_38 = arith.constant 0 : index
    %get3A_39 = vector.load %arg3[%get3A_37, %get3A_38] : memref<16x40xf32, #tpu.memory_space<vmem>>, vector<16x40xf32>
    %swap3A_40 = arith.constant 48 : index
    %swap3A_41 = arith.constant 120 : index
    %swap3A_42 = vector.load %arg6[%swap3A_40, %swap3A_41] : memref<128x320xf32, #tpu.memory_space<vmem>>, vector<16x40xf32>
    tpu.vector_store %arg6[%swap3A_40, %swap3A_41], %get3A_39 {strides = array<i32>} : memref<128x320xf32, #tpu.memory_space<vmem>>, vector<16x40xf32>,
    %get3A_43 = arith.constant 0 : index
    %get3A_44 = arith.constant 0 : index
    %get3A_45 = vector.load %arg3[%get3A_43, %get3A_44] : memref<16x40xf32, #tpu.memory_space<vmem>>, vector<16x40xf32>
    %swap3A_46 = arith.constant 64 : index
    %swap3A_47 = arith.constant 160 : index
    %swap3A_48 = vector.load %arg6[%swap3A_46, %swap3A_47] : memref<128x320xf32, #tpu.memory_space<vmem>>, vector<16x40xf32>
    tpu.vector_store %arg6[%swap3A_46, %swap3A_47], %get3A_45 {strides = array<i32>} : memref<128x320xf32, #tpu.memory_space<vmem>>, vector<16x40xf32>,
    %get3A_49 = arith.constant 0 : index
    %get3A_50 = arith.constant 0 : index
    %get3A_51 = vector.load %arg3[%get3A_49, %get3A_50] : memref<16x40xf32, #tpu.memory_space<vmem>>, vector<16x40xf32>
    %swap3A_52 = arith.constant 80 : index
    %swap3A_53 = arith.constant 200 : index
    %swap3A_54 = vector.load %arg6[%swap3A_52, %swap3A_53] : memref<128x320xf32, #tpu.memory_space<vmem>>, vector<16x40xf32>
    tpu.vector_store %arg6[%swap3A_52, %swap3A_53], %get3A_51 {strides = array<i32>} : memref<128x320xf32, #tpu.memory_space<vmem>>, vector<16x40xf32>,
    %get3A_55 = arith.constant 0 : index
    %get3A_56 = arith.constant 0 : index
    %get3A_57 = vector.load %arg3[%get3A_55, %get3A_56] : memref<16x40xf32, #tpu.memory_space<vmem>>, vector<16x40xf32>
    %swap3A_58 = arith.constant 96 : index
    %swap3A_59 = arith.constant 240 : index
    %swap3A_60 = vector.load %arg6[%swap3A_58, %swap3A_59] : memref<128x320xf32, #tpu.memory_space<vmem>>, vector<16x40xf32>
    tpu.vector_store %arg6[%swap3A_58, %swap3A_59], %get3A_57 {strides = array<i32>} : memref<128x320xf32, #tpu.memory_space<vmem>>, vector<16x40xf32>,
    %get3A_61 = arith.constant 0 : index
    %get3A_62 = arith.constant 0 : index
    %get3A_63 = vector.load %arg3[%get3A_61, %get3A_62] : memref<16x40xf32, #tpu.memory_space<vmem>>, vector<16x40xf32>
    %swap3A_64 = arith.constant 112 : index
    %swap3A_65 = arith.constant 280 : index
    %swap3A_66 = vector.load %arg6[%swap3A_64, %swap3A_65] : memref<128x320xf32, #tpu.memory_space<vmem>>, vector<16x40xf32>
    tpu.vector_store %arg6[%swap3A_64, %swap3A_65], %get3A_63 {strides = array<i32>} : memref<128x320xf32, #tpu.memory_space<vmem>>, vector<16x40xf32>,
    %get3A_67 = arith.constant 0 : index
    %get3A_68 = arith.constant 0 : index
    %get3A_69 = vector.load %arg6[%get3A_67, %get3A_68] : memref<128x320xf32, #tpu.memory_space<vmem>>, vector<128x320xf32>
    %dot_general3A = arith.constant dense<0.000000e+00> : vector<1250x320xf32>
    %dot_general3A_70 = tpu.matmul %mul3A, %get3A_69, %dot_general3A {dimension_numbers = #tpu.dot_dimension_numbers<[1], [0], [0], [1], [0, 0, 1, 1], [], []>, transpose_lhs_hint = false} : vector<1250x128xf32>, vector<128x320xf32>, vector<1250x320xf32> -> vector<1250x320xf32>
    %get3A_71 = arith.constant 0 : index
    %get3A_72 = arith.constant 0 : index
    %get3A_73 = vector.load %arg4[%get3A_71, %get3A_72] : memref<1x320xf32, #tpu.memory_space<vmem>>, vector<1x320xf32>
    %add3A_74 = vector.broadcast %get3A_73 : vector<1x320xf32> to vector<1250x320xf32>
    %add3A_75 = arith.addf %dot_general3A_70, %add3A_74 : vector<1250x320xf32>
    %slice3A = vector.extract_strided_slice %add3A_75 {offsets = [0, 0], sizes = [1250, 40], strides = [1, 1]} : vector<1250x320xf32> to vector<1250x40xf32>
    %reduce_max3A = arith.constant dense<0xFF800000> : vector<1250xf32>
    %reduce_max3A_76 = vector.multi_reduction <maximumf>, %slice3A, %reduce_max3A [1] : vector<1250x40xf32> to vector<1250xf32>
    %broadcast_in_dim3A_77 = vector.shape_cast %reduce_max3A_76 : vector<1250xf32> to vector<1250x1xf32>
    %sub3A = vector.broadcast %broadcast_in_dim3A_77 : vector<1250x1xf32> to vector<1250x40xf32>
    %sub3A_78 = arith.subf %slice3A, %sub3A : vector<1250x40xf32>
    %exp3A = math.exp %sub3A_78 : vector<1250x40xf32>
    %reduce_sum3A = arith.constant dense<0.000000e+00> : vector<1250xf32>
    %reduce_sum3A_79 = vector.multi_reduction <add>, %exp3A, %reduce_sum3A [1] : vector<1250x40xf32> to vector<1250xf32>
    %broadcast_in_dim3A_80 = vector.shape_cast %reduce_sum3A_79 : vector<1250xf32> to vector<1250x1xf32>
    %log3A = math.log %broadcast_in_dim3A_80 : vector<1250x1xf32>
    %sub3A_81 = vector.broadcast %log3A : vector<1250x1xf32> to vector<1250x40xf32>
    %sub3A_82 = arith.subf %sub3A_78, %sub3A_81 : vector<1250x40xf32>
    %swap3A_83 = arith.constant 0 : index
    %swap3A_84 = arith.constant 0 : index
    %swap3A_85 = vector.load %arg5[%swap3A_83, %swap3A_84] : memref<1250x320xf32, #tpu.memory_space<vmem>>, vector<1250x40xf32>
    tpu.vector_store %arg5[%swap3A_83, %swap3A_84], %sub3A_82 {strides = array<i32>} : memref<1250x320xf32, #tpu.memory_space<vmem>>, vector<1250x40xf32>,
    %slice3A_86 = vector.extract_strided_slice %add3A_75 {offsets = [0, 40], sizes = [1250, 40], strides = [1, 1]} : vector<1250x320xf32> to vector<1250x40xf32>
    %reduce_max3A_87 = arith.constant dense<0xFF800000> : vector<1250xf32>
    %reduce_max3A_88 = vector.multi_reduction <maximumf>, %slice3A_86, %reduce_max3A_87 [1] : vector<1250x40xf32> to vector<1250xf32>
    %broadcast_in_dim3A_89 = vector.shape_cast %reduce_max3A_88 : vector<1250xf32> to vector<1250x1xf32>
    %sub3A_90 = vector.broadcast %broadcast_in_dim3A_89 : vector<1250x1xf32> to vector<1250x40xf32>
    %sub3A_91 = arith.subf %slice3A_86, %sub3A_90 : vector<1250x40xf32>
    %exp3A_92 = math.exp %sub3A_91 : vector<1250x40xf32>
    %reduce_sum3A_93 = arith.constant dense<0.000000e+00> : vector<1250xf32>
    %reduce_sum3A_94 = vector.multi_reduction <add>, %exp3A_92, %reduce_sum3A_93 [1] : vector<1250x40xf32> to vector<1250xf32>
    %broadcast_in_dim3A_95 = vector.shape_cast %reduce_sum3A_94 : vector<1250xf32> to vector<1250x1xf32>
    %log3A_96 = math.log %broadcast_in_dim3A_95 : vector<1250x1xf32>
    %sub3A_97 = vector.broadcast %log3A_96 : vector<1250x1xf32> to vector<1250x40xf32>
    %sub3A_98 = arith.subf %sub3A_91, %sub3A_97 : vector<1250x40xf32>
    %swap3A_99 = arith.constant 0 : index
    %swap3A_100 = arith.constant 40 : index
    %swap3A_101 = vector.load %arg5[%swap3A_99, %swap3A_100] : memref<1250x320xf32, #tpu.memory_space<vmem>>, vector<1250x40xf32>
    tpu.vector_store %arg5[%swap3A_99, %swap3A_100], %sub3A_98 {strides = array<i32>} : memref<1250x320xf32, #tpu.memory_space<vmem>>, vector<1250x40xf32>,
    %slice3A_102 = vector.extract_strided_slice %add3A_75 {offsets = [0, 80], sizes = [1250, 40], strides = [1, 1]} : vector<1250x320xf32> to vector<1250x40xf32>
    %reduce_max3A_103 = arith.constant dense<0xFF800000> : vector<1250xf32>
    %reduce_max3A_104 = vector.multi_reduction <maximumf>, %slice3A_102, %reduce_max3A_103 [1] : vector<1250x40xf32> to vector<1250xf32>
    %broadcast_in_dim3A_105 = vector.shape_cast %reduce_max3A_104 : vector<1250xf32> to vector<1250x1xf32>
    %sub3A_106 = vector.broadcast %broadcast_in_dim3A_105 : vector<1250x1xf32> to vector<1250x40xf32>
    %sub3A_107 = arith.subf %slice3A_102, %sub3A_106 : vector<1250x40xf32>
    %exp3A_108 = math.exp %sub3A_107 : vector<1250x40xf32>
    %reduce_sum3A_109 = arith.constant dense<0.000000e+00> : vector<1250xf32>
    %reduce_sum3A_110 = vector.multi_reduction <add>, %exp3A_108, %reduce_sum3A_109 [1] : vector<1250x40xf32> to vector<1250xf32>
    %broadcast_in_dim3A_111 = vector.shape_cast %reduce_sum3A_110 : vector<1250xf32> to vector<1250x1xf32>
    %log3A_112 = math.log %broadcast_in_dim3A_111 : vector<1250x1xf32>
    %sub3A_113 = vector.broadcast %log3A_112 : vector<1250x1xf32> to vector<1250x40xf32>
    %sub3A_114 = arith.subf %sub3A_107, %sub3A_113 : vector<1250x40xf32>
    %swap3A_115 = arith.constant 0 : index
    %swap3A_116 = arith.constant 80 : index
    %swap3A_117 = vector.load %arg5[%swap3A_115, %swap3A_116] : memref<1250x320xf32, #tpu.memory_space<vmem>>, vector<1250x40xf32>
    tpu.vector_store %arg5[%swap3A_115, %swap3A_116], %sub3A_114 {strides = array<i32>} : memref<1250x320xf32, #tpu.memory_space<vmem>>, vector<1250x40xf32>,
    %slice3A_118 = vector.extract_strided_slice %add3A_75 {offsets = [0, 120], sizes = [1250, 40], strides = [1, 1]} : vector<1250x320xf32> to vector<1250x40xf32>
    %reduce_max3A_119 = arith.constant dense<0xFF800000> : vector<1250xf32>
    %reduce_max3A_120 = vector.multi_reduction <maximumf>, %slice3A_118, %reduce_max3A_119 [1] : vector<1250x40xf32> to vector<1250xf32>
    %broadcast_in_dim3A_121 = vector.shape_cast %reduce_max3A_120 : vector<1250xf32> to vector<1250x1xf32>
    %sub3A_122 = vector.broadcast %broadcast_in_dim3A_121 : vector<1250x1xf32> to vector<1250x40xf32>
    %sub3A_123 = arith.subf %slice3A_118, %sub3A_122 : vector<1250x40xf32>
    %exp3A_124 = math.exp %sub3A_123 : vector<1250x40xf32>
    %reduce_sum3A_125 = arith.constant dense<0.000000e+00> : vector<1250xf32>
    %reduce_sum3A_126 = vector.multi_reduction <add>, %exp3A_124, %reduce_sum3A_125 [1] : vector<1250x40xf32> to vector<1250xf32>
    %broadcast_in_dim3A_127 = vector.shape_cast %reduce_sum3A_126 : vector<1250xf32> to vector<1250x1xf32>
    %log3A_128 = math.log %broadcast_in_dim3A_127 : vector<1250x1xf32>
    %sub3A_129 = vector.broadcast %log3A_128 : vector<1250x1xf32> to vector<1250x40xf32>
    %sub3A_130 = arith.subf %sub3A_123, %sub3A_129 : vector<1250x40xf32>
    %swap3A_131 = arith.constant 0 : index
    %swap3A_132 = arith.constant 120 : index
    %swap3A_133 = vector.load %arg5[%swap3A_131, %swap3A_132] : memref<1250x320xf32, #tpu.memory_space<vmem>>, vector<1250x40xf32>
    tpu.vector_store %arg5[%swap3A_131, %swap3A_132], %sub3A_130 {strides = array<i32>} : memref<1250x320xf32, #tpu.memory_space<vmem>>, vector<1250x40xf32>,
    %slice3A_134 = vector.extract_strided_slice %add3A_75 {offsets = [0, 160], sizes = [1250, 40], strides = [1, 1]} : vector<1250x320xf32> to vector<1250x40xf32>
    %reduce_max3A_135 = arith.constant dense<0xFF800000> : vector<1250xf32>
    %reduce_max3A_136 = vector.multi_reduction <maximumf>, %slice3A_134, %reduce_max3A_135 [1] : vector<1250x40xf32> to vector<1250xf32>
    %broadcast_in_dim3A_137 = vector.shape_cast %reduce_max3A_136 : vector<1250xf32> to vector<1250x1xf32>
    %sub3A_138 = vector.broadcast %broadcast_in_dim3A_137 : vector<1250x1xf32> to vector<1250x40xf32>
    %sub3A_139 = arith.subf %slice3A_134, %sub3A_138 : vector<1250x40xf32>
    %exp3A_140 = math.exp %sub3A_139 : vector<1250x40xf32>
    %reduce_sum3A_141 = arith.constant dense<0.000000e+00> : vector<1250xf32>
    %reduce_sum3A_142 = vector.multi_reduction <add>, %exp3A_140, %reduce_sum3A_141 [1] : vector<1250x40xf32> to vector<1250xf32>
    %broadcast_in_dim3A_143 = vector.shape_cast %reduce_sum3A_142 : vector<1250xf32> to vector<1250x1xf32>
    %log3A_144 = math.log %broadcast_in_dim3A_143 : vector<1250x1xf32>
    %sub3A_145 = vector.broadcast %log3A_144 : vector<1250x1xf32> to vector<1250x40xf32>
    %sub3A_146 = arith.subf %sub3A_139, %sub3A_145 : vector<1250x40xf32>
    %swap3A_147 = arith.constant 0 : index
    %swap3A_148 = arith.constant 160 : index
    %swap3A_149 = vector.load %arg5[%swap3A_147, %swap3A_148] : memref<1250x320xf32, #tpu.memory_space<vmem>>, vector<1250x40xf32>
    tpu.vector_store %arg5[%swap3A_147, %swap3A_148], %sub3A_146 {strides = array<i32>} : memref<1250x320xf32, #tpu.memory_space<vmem>>, vector<1250x40xf32>,
    %slice3A_150 = vector.extract_strided_slice %add3A_75 {offsets = [0, 200], sizes = [1250, 40], strides = [1, 1]} : vector<1250x320xf32> to vector<1250x40xf32>
    %reduce_max3A_151 = arith.constant dense<0xFF800000> : vector<1250xf32>
    %reduce_max3A_152 = vector.multi_reduction <maximumf>, %slice3A_150, %reduce_max3A_151 [1] : vector<1250x40xf32> to vector<1250xf32>
    %broadcast_in_dim3A_153 = vector.shape_cast %reduce_max3A_152 : vector<1250xf32> to vector<1250x1xf32>
    %sub3A_154 = vector.broadcast %broadcast_in_dim3A_153 : vector<1250x1xf32> to vector<1250x40xf32>
    %sub3A_155 = arith.subf %slice3A_150, %sub3A_154 : vector<1250x40xf32>
    %exp3A_156 = math.exp %sub3A_155 : vector<1250x40xf32>
    %reduce_sum3A_157 = arith.constant dense<0.000000e+00> : vector<1250xf32>
    %reduce_sum3A_158 = vector.multi_reduction <add>, %exp3A_156, %reduce_sum3A_157 [1] : vector<1250x40xf32> to vector<1250xf32>
    %broadcast_in_dim3A_159 = vector.shape_cast %reduce_sum3A_158 : vector<1250xf32> to vector<1250x1xf32>
    %log3A_160 = math.log %broadcast_in_dim3A_159 : vector<1250x1xf32>
    %sub3A_161 = vector.broadcast %log3A_160 : vector<1250x1xf32> to vector<1250x40xf32>
    %sub3A_162 = arith.subf %sub3A_155, %sub3A_161 : vector<1250x40xf32>
    %swap3A_163 = arith.constant 0 : index
    %swap3A_164 = arith.constant 200 : index
    %swap3A_165 = vector.load %arg5[%swap3A_163, %swap3A_164] : memref<1250x320xf32, #tpu.memory_space<vmem>>, vector<1250x40xf32>
    tpu.vector_store %arg5[%swap3A_163, %swap3A_164], %sub3A_162 {strides = array<i32>} : memref<1250x320xf32, #tpu.memory_space<vmem>>, vector<1250x40xf32>,
    %slice3A_166 = vector.extract_strided_slice %add3A_75 {offsets = [0, 240], sizes = [1250, 40], strides = [1, 1]} : vector<1250x320xf32> to vector<1250x40xf32>
    %reduce_max3A_167 = arith.constant dense<0xFF800000> : vector<1250xf32>
    %reduce_max3A_168 = vector.multi_reduction <maximumf>, %slice3A_166, %reduce_max3A_167 [1] : vector<1250x40xf32> to vector<1250xf32>
    %broadcast_in_dim3A_169 = vector.shape_cast %reduce_max3A_168 : vector<1250xf32> to vector<1250x1xf32>
    %sub3A_170 = vector.broadcast %broadcast_in_dim3A_169 : vector<1250x1xf32> to vector<1250x40xf32>
    %sub3A_171 = arith.subf %slice3A_166, %sub3A_170 : vector<1250x40xf32>
    %exp3A_172 = math.exp %sub3A_171 : vector<1250x40xf32>
    %reduce_sum3A_173 = arith.constant dense<0.000000e+00> : vector<1250xf32>
    %reduce_sum3A_174 = vector.multi_reduction <add>, %exp3A_172, %reduce_sum3A_173 [1] : vector<1250x40xf32> to vector<1250xf32>
    %broadcast_in_dim3A_175 = vector.shape_cast %reduce_sum3A_174 : vector<1250xf32> to vector<1250x1xf32>
    %log3A_176 = math.log %broadcast_in_dim3A_175 : vector<1250x1xf32>
    %sub3A_177 = vector.broadcast %log3A_176 : vector<1250x1xf32> to vector<1250x40xf32>
    %sub3A_178 = arith.subf %sub3A_171, %sub3A_177 : vector<1250x40xf32>
    %swap3A_179 = arith.constant 0 : index
    %swap3A_180 = arith.constant 240 : index
    %swap3A_181 = vector.load %arg5[%swap3A_179, %swap3A_180] : memref<1250x320xf32, #tpu.memory_space<vmem>>, vector<1250x40xf32>
    tpu.vector_store %arg5[%swap3A_179, %swap3A_180], %sub3A_178 {strides = array<i32>} : memref<1250x320xf32, #tpu.memory_space<vmem>>, vector<1250x40xf32>,
    %slice3A_182 = vector.extract_strided_slice %add3A_75 {offsets = [0, 280], sizes = [1250, 40], strides = [1, 1]} : vector<1250x320xf32> to vector<1250x40xf32>
    %reduce_max3A_183 = arith.constant dense<0xFF800000> : vector<1250xf32>
    %reduce_max3A_184 = vector.multi_reduction <maximumf>, %slice3A_182, %reduce_max3A_183 [1] : vector<1250x40xf32> to vector<1250xf32>
    %broadcast_in_dim3A_185 = vector.shape_cast %reduce_max3A_184 : vector<1250xf32> to vector<1250x1xf32>
    %sub3A_186 = vector.broadcast %broadcast_in_dim3A_185 : vector<1250x1xf32> to vector<1250x40xf32>
    %sub3A_187 = arith.subf %slice3A_182, %sub3A_186 : vector<1250x40xf32>
    %exp3A_188 = math.exp %sub3A_187 : vector<1250x40xf32>
    %reduce_sum3A_189 = arith.constant dense<0.000000e+00> : vector<1250xf32>
    %reduce_sum3A_190 = vector.multi_reduction <add>, %exp3A_188, %reduce_sum3A_189 [1] : vector<1250x40xf32> to vector<1250xf32>
    %broadcast_in_dim3A_191 = vector.shape_cast %reduce_sum3A_190 : vector<1250xf32> to vector<1250x1xf32>
    %log3A_192 = math.log %broadcast_in_dim3A_191 : vector<1250x1xf32>
    %sub3A_193 = vector.broadcast %log3A_192 : vector<1250x1xf32> to vector<1250x40xf32>
    %sub3A_194 = arith.subf %sub3A_187, %sub3A_193 : vector<1250x40xf32>
    %swap3A_195 = arith.constant 0 : index
    %swap3A_196 = arith.constant 280 : index
    %swap3A_197 = vector.load %arg5[%swap3A_195, %swap3A_196] : memref<1250x320xf32, #tpu.memory_space<vmem>>, vector<1250x40xf32>
    tpu.vector_store %arg5[%swap3A_195, %swap3A_196], %sub3A_194 {strides = array<i32>} : memref<1250x320xf32, #tpu.memory_space<vmem>>, vector<1250x40xf32>,
    return
  }
}

</mosaic_0001>

<sc_bundles>
// kernel: kernel.11.cloned.1.call-start
scs
__scs_entry_jumppad:
0x0: {  	(pc) =	sbr.rel $0x88, $3  }
0x1: {  	(tag) =	ssettag $0x0;
	lr =	simm.s32 $0x1  }
0x2: {  	[smem:$0x3F9B] =	sst lr;
	_ =	strace $0xD0000000  }
0x3: {  	_ = 	snop  }
0x4: {  	_ = 	snop  }
0x5: {  	_ = 	snop  }
0x6: {  	_ = 	snop  }
0x7: {  	_ = 	snop  }
__scs_overlays_trampoline_lowered:
0x8: {  	[smem:$0x3FAA] =	sst s0  }
0x9: {  	[smem:$0x3FAB] =	sst s1  }
0xa: {  	[smem:$0x3FAC] =	sst s2  }
0xb: {  	[smem:$0x3FAD] =	sst s3  }
0xc: {  	[smem:$0x3FAE] =	sst s4  }
0xd: {  	[smem:$0x3FAF] =	sst s5  }
0xe: {  	[smem:$0x3FB0] =	sst s6  }
0xf: {  	[smem:$0x3FB1] =	sst s7  }
0x10: {  	[smem:$0x3FB2] =	sst s8  }
0x11: {  	[smem:$0x3FB3] =	sst s9;
	s0 =	simm.s32 @!p0 $0x0  }
0x12: {  	s1 =	sld [smem:$0x3F99];
	s0 =	simm.s32 @p0 $0x1  }
0x13: {  	[smem:$0x3FB4] =	sst s0;
	s0 =	simm.s32 @!p1 $0x0  }
0x14: {  	s2 =	sld [smem:$0x3F98];
	s0 =	simm.s32 @p1 $0x1  }
0x15: {  	[smem:$0x3FB5] =	sst s0;
	s0 =	simm.s32 @!p2 $0x0  }
0x16: {  	s3 =	sld [smem:$0x3FDB];
	s0 =	simm.s32 @p2 $0x1  }
0x17: {  	s4 =	simm.s32 $0x1BF5;
	[smem:$0x3FB7] =	sst s0  }
0x18: {  	s0 =	sld [smem:$0x3F9A];
	_ =	swait.ge [sflag:s4], $0x0  }
0x19: {  	s7 =	sld [smem:$0x3F9B]  }
0x1a: {  	s8 =	sadd.s32 $0xFFFFE003, lr  }
0x1b: {  	s9 =	sadd.s32 $0xFFFFFEF7, lr;
	s5 =	simm.s32 $0xFFFFFFFF;
	p2 =	slt.u32 s8, $0xFFFFF086  }
0x1c: {  	p1 =	slt.u32 s9, $0xF7A;
	s5 =	simm.s32 @!p2 $0x0  }
0x1d: {  	s5 =	simm.s32 @p1 $0x1;
	p0 =	seq.s32 s7, s2  }
0x1e: {  	s7 =	smul.u32 @!p0 $0xF7A, s2;
	p2 =	seq.s32 @!p0 s5, $0x0  }
0x1f: {  	s9 =	smul.u32 $0xF7A, s1;
	s8 =	simm.s32 @!p0 $0x1BF5;
	p2 =	por !p2, p0  }
0x20: {  	[sflag:s8] =	ssyncset.s32 @!p0 $0xFFFFF086;
	s6 =	sadd.s32 @!p0 s3, s7;
	s7 =	simm.s32 @!p0 $0x108  }
0x21: {  	s3 =	sadd.s32 s3, s9;
	s6 =	sadd.s32 @!p0 $0x88, s6;
	s7 =	simm.s32 @p2 $0x1082  }
0x22: {  	[simem:s7], [sflag:s8] =	dma.local @!p0 [hbm:s6], $0xF7A  }
0x23: {  	s9 =	sor.u32 $0xD0000000, s2;
	s6 =	simm.s32 $0x108;
	_ =	swait.ge @!p0 [sflag:s8], $0x0  }
0x24: {  	s3 =	sadd.s32 $0x88, s3;
	s6 =	simm.s32 @!p1 $0x1082;
	[sflag:s4] =	ssyncset.s32 $0xFFFFF086  }
0x25: {  	[simem:s6], [sflag:s4] =	dma.local [hbm:s3], $0xF7A  }
0x26: {  	[smem:$0x3F9B] =	sst s1;
	(tag) =	ssettag s2;
	_ =	strace s9  }
0x27: {  	s1 =	sld [smem:$0x3FAB]  }
0x28: {  	s2 =	sld [smem:$0x3FAC]  }
0x29: {  	s4 =	sld [smem:$0x3FAE]  }
0x2a: {  	p0 =	seq.s32 s5, $0x0;
	s5 =	sld [smem:$0x3FAF]  }
0x2b: {  	s6 =	sld [smem:$0x3FB0]  }
0x2c: {  	s7 =	sld [smem:$0x3FB1]  }
0x2d: {  	s3 =	simm.s32 $0x108;
	s8 =	sld [smem:$0x3FB2]  }
0x2e: {  	s3 =	simm.s32 @!p0 $0x1082;
	s9 =	sld [smem:$0x3FB3]  }
0x2f: {  	lr =	sadd.s32 s0, s3;
	s0 =	sld [smem:$0x3FAA]  }
0x30: {  	s3 =	sld [smem:$0x3FAD]  }
0x31: {  	[smem:$0x3FB6] =	sst s10  }
0x32: {  	s10 =	sld [smem:$0x3FB4];
	_ =	sdelay $0x3  }
0x33: {  	p0 =	seq.s32 s10, $0x1;
	s10 =	sld [smem:$0x3FB6];
	_ =	sdelay $0x3  }
0x34: {  	[smem:$0x3FB6] =	sst s10  }
0x35: {  	s10 =	sld [smem:$0x3FB5];
	_ =	sdelay $0x3  }
0x36: {  	p1 =	seq.s32 s10, $0x1;
	s10 =	sld [smem:$0x3FB6];
	_ =	sdelay $0x3  }
0x37: {  	[smem:$0x3FB6] =	sst s10  }
0x38: {  	s10 =	sld [smem:$0x3FB7]  }
0x39: {  	_ = 	snop;
	(pc) =	sbr.ind lr, $3  }
0x3a: {  	_ = 	snop  }
0x3b: {  	_ = 	snop  }
0x3c: {  	p2 =	seq.s32 s10, $0x1;
	s10 =	sld [smem:$0x3FB6]  }
0x3d: {  	_ =	shalt  }
0x3e: {  	_ =	shalt  }
0x3f: {  	_ =	shalt  }
0x40: {  	_ =	shalt  }
0x41: {  	_ =	shalt  }
0x42: {  	_ =	shalt  }
0x43: {  	_ =	shalt  }
0x44: {  	_ =	shalt  }
0x45: {  	_ =	shalt  }
0x46: {  	_ =	shalt  }
0x47: {  	_ =	shalt  }
0x48: {  	_ =	shalt  }
0x49: {  	_ =	shalt  }
0x4a: {  	_ =	shalt  }
0x4b: {  	_ =	shalt  }
0x4c: {  	_ =	shalt  }
0x4d: {  	_ =	shalt  }
0x4e: {  	_ =	shalt  }
0x4f: {  	_ =	shalt  }
0x50: {  	_ =	shalt  }
0x51: {  	_ =	shalt  }
0x52: {  	_ =	shalt  }
0x53: {  	_ =	shalt  }
0x54: {  	_ =	shalt  }
0x55: {  	_ =	shalt  }
0x56: {  	_ =	shalt  }
0x57: {  	_ =	shalt  }
0x58: {  	_ =	shalt  }
0x59: {  	_ =	shalt  }
0x5a: {  	_ =	shalt  }
0x5b: {  	_ =	shalt  }
0x5c: {  	_ =	shalt  }
0x5d: {  	_ =	shalt  }
0x5e: {  	_ =	shalt  }
0x5f: {  	_ =	shalt  }
0x60: {  	_ =	shalt  }
0x61: {  	_ =	shalt  }
0x62: {  	_ =	shalt  }
0x63: {  	_ =	shalt  }
0x64: {  	_ =	shalt  }
0x65: {  	_ =	shalt  }
0x66: {  	_ =	shalt  }
0x67: {  	_ =	shalt  }
0x68: {  	_ =	shalt  }
0x69: {  	_ =	shalt  }
0x6a: {  	_ =	shalt  }
0x6b: {  	_ =	shalt  }
0x6c: {  	_ =	shalt  }
0x6d: {  	_ =	shalt  }
0x6e: {  	_ =	shalt  }
0x6f: {  	_ =	shalt  }
0x70: {  	_ =	shalt  }
0x71: {  	_ =	shalt  }
0x72: {  	_ =	shalt  }
0x73: {  	_ =	shalt  }
0x74: {  	_ =	shalt  }
0x75: {  	_ =	shalt  }
0x76: {  	_ =	shalt  }
0x77: {  	_ =	shalt  }
0x78: {  	_ =	shalt  }
0x79: {  	_ =	shalt  }
0x7a: {  	_ =	shalt  }
0x7b: {  	_ =	shalt  }
0x7c: {  	_ =	shalt  }
0x7d: {  	_ =	shalt  }
0x7e: {  	_ =	shalt  }
0x7f: {  	_ =	shalt  }
0x80: {  	_ =	shalt  }
0x81: {  	_ =	shalt  }
0x82: {  	_ =	shalt  }
0x83: {  	_ =	shalt  }
0x84: {  	_ =	shalt  }
0x85: {  	_ =	shalt  }
0x86: {  	_ =	shalt  }
0x87: {  	_ =	shalt  }
.Lfunc_end0:
.L_simem_size_0:
called_computation.1_lowered:
.L_overlay_start_0:
0x88: {  	s2 =	sld [smem:$0x3FD9]  }
0x89: {  	s3 =	sld [smem:$0x3FFE];
	_ =	sdelay $0x1  }
0x8a: {  	s1 =	srdreg.scid  }
0x8b: {  	s0 =	sand.u32 $0x1, s1  }
0x8c: {  	s17 =	sshll.u32 s0, $0xA;
	s2 =	sadd.s32 s3, s2  }
0x8d: {  	s2 =	sadd.s32 s2, s17  }
0x8e: {  	[smem:$0x3FC2] =	sst s2  }
0x8f: {  	_ = 	snop  }
0x90: {  	s2 =	sld [smem:$0x3FD0];
	(tm) =	ssettm $0x1  }
0x91: {  	s18 =	sld [smem:$0x3FFB];
	_ =	sdelay $0x3  }
0x92: {  	_ =	strace s18  }
0x93: {  	s3 =	sld [smem:$0x3FFC];
	_ =	sdelay $0x3  }
0x94: {  	_ =	strace s3  }
0x95: {  	s3 =	sld [smem:$0x3FFD];
	_ =	sdelay $0x3  }
0x96: {  	_ =	strace s3  }
0x97: {  	_ =	strace $0x8FFFFFFF  }
0x98: {  	s19 =	sld [smem:$0x3FDB];
	_ =	sdelay $0x1  }
0x99: {  	s4 =	simm.s32 $_scs_section_size  }
0x9a: {  	s5 =	simm.s32 $_size__tile_overlayer_lowered;
	s6 =	simm.s32 $_tile_overlayer_lowered  }
0x9b: {  	s22 =	simm.s32 $0x1BFF;
	s21 =	sshll.u32 s6, $0x1;
	s3 =	sadd.s32 s4, s19  }
0x9c: {  	s7 =	simm.s32 $0x0;
	s20 =	sshll.u32 s5, $0x1;
	s5 =	sadd.s32 s21, s3  }
0x9d: {  	[timem:s7], [sflag:s22] =	dma.local [hbm:s5], s20  }
0x9e: {  	_ =	swait.ge [sflag:s22], s20  }
0x9f: {  	s4 =	ssub.s32 $0x0, s20;
	[sflag:s22] =	ssyncset.done $0x0  }
0xa0: {  	[sflag:s22] =	ssyncadd.s32 s4;
	_ =	sdelay $0x1  }
0xa1: {  	s23 =	simm.s32 $0x1B8B  }
0xa2: {  	_ =	swait.ge [sflag:s23], $0x1  }
0xa3: {  	[sflag:s23] =	ssyncset.done $0x0  }
0xa4: {  	s25 =	simm.s32 $0x1B8E;
	s24 =	sld [smem:$0x3FFE];
	[sflag:s23] =	ssyncadd.s32 $0xFFFFFFFF  }
0xa5: {  	s26 =	simm.s32 $execute0_lowered;
	[smem:$0x3FD2] =	sst s25  }
0xa6: {  	s5 =	sshll.u32 s26, $0x1;
	_ =	strace $0x80000049;
	[dreg:$0x1] =	wrdreg $0xFFFFFFFF  }
0xa7: {  	s28 =	simm.s32 $_size_execute0_lowered;
	s3 =	sadd.s32 s3, s5;
	[dreg:$0x0] =	wrdreg $0x0  }
0xa8: {  	s5 =	sshll.u32 s28, $0x1;
	[dreg:$0x2] =	wrdreg s3  }
0xa9: {  	[dreg:$0x3] =	wrdreg s5  }
0xaa: {  	[dreg:$0x4] =	wrdreg $0xC0  }
0xab: {  	_ =	task [dreg:s7], $0x5FFFF  }
0xac: {  	[dreg:$0x1] =	wrdreg $0xFFFFFFFF  }
0xad: {  	[dreg:$0x0] =	wrdreg $0x60  }
0xae: {  	[dreg:$0x2] =	wrdreg s24  }
0xaf: {  	[dreg:$0x3] =	wrdreg s2  }
0xb0: {  	[dreg:$0x4] =	wrdreg $0x4E200  }
0xb1: {  	[dreg:$0x5] =	wrdreg $0x9  }
0xb2: {  	_ =	task.clear_ibuf [dreg:s7], $0x6FFFF;
	_ =	strace $0x90000049  }
0xb3: {  	s29 =	simm.s32 $0x9;
	_ =	strace $0x8000004B  }
0xb4: {  	_ =	swait.ge [sflag:s29], $0x1  }
0xb5: {  	[sflag:s29] =	ssyncadd.s32 $0xFFFFFFFF  }
0xb6: {  	_ =	strace $0x9000004B  }
0xb7: {  	_ =	sfence  }
0xb8: {  	s30 =	sld [smem:$0x0];
	_ =	sdelay $0x2  }
0xb9: {  	s31 =	sshll.u32 s1, $0xD;
	s1 =	sshrl.u32 s1, $0x2  }
0xba: {  	s3 =	sand.u32 $0x4000, s31;
	s1 =	sadd.s32 s1, s30  }
0xbb: {  	s0 =	sor.u32 s3, s0;
	s1 =	sshll.u32 s1, $0x11  }
0xbc: {  	s0 =	sor.u32 s1, s0  }
0xbd: {  	s0 =	sadd.s32 $0x8F2B, s0  }
0xbe: {  	[sflag:s0] =	ssyncadd.remote.s32 $0x1  }
0xbf: {  	_ =	sfence.sel $0xFFFF  }
0xc0: {  	[dreg:$0x0] =	wrdreg $0xFFFFFFFF;
	(pc) =	sbr.abs _section_cstart, $3  }
0xc1: {  	[dreg:$0x1] =	wrdreg $0xFFFFFFFF  }
0xc2: {  	_ =	task.clear_ibuf [dreg:s7], $0x2FFFF;
	_ =	strace $0x9FFFFFFF  }
0xc3: {  	(tm) =	ssettm $0x7FFFFFFF  }
tec
execute0_lowered:
.L_overlay_start_1:
0x0: {  	(tag) =	ssettag $0x1  }
0x1: {  	s0 =	rddreg [dreg:$0x0]  }
0x2: {  	s3 =	rddreg [dreg:$0x1]  }
0x3: {  	s1 =	rddreg [dreg:$0x2];
	s2 =	simm.s32 $0x0  }
0x4: {  	s5 =	srdreg.scid;
	s13 =	stileid.u32;
	s14 =	simm.s32 $0xD  }
0x5: {  	s15 =	simm.s32 $0x50;
	s18 =	simm.s32 $0x10;
	s20 =	simm.s32 $0x11  }
0x6: {  	s22 =	simm.s32 $0x6;
	s30 =	simm.s32 $0xA230;
	s31 =	simm.s32 $0xA730  }
0x7: {  	s29 =	simm.s32 $0x8930;
	[smem:$0x7FF] =	sst s2;
	s4 =	sadd.s32 $0x15800, s0  }
0x8: {  	s6 =	sadd.s32 $0x1E00, s0;
	s5 =	sand.u32 $0x1, s5;
	s7 =	smul.u32 $0x2710, s13  }
0x9: {  	s0 =	sadd.s32 $0x1A800, s0;
	s10 =	sshll.u32 s13, $0x1;
	s11 =	smul.u32 $0x4E20, s13  }
0xa: {  	s25 =	sshll.u32 s13, $0x6;
	s13 =	simm.s32 $0xAC30;
	_ =	strace $0x8000004A  }
0xb: {  	[dreg:$0x4] =	wrdreg s0;
	s23 =	ssub.s32 $0x2, s5;
	s8 =	smul.u32 $0x27100, s5  }
0xc: {  	s24 =	sor.u32 s5, s10;
	s5 =	smul.u32 $0x2710, s5;
	s16 =	sor.u32 $0x1C01, s25  }
0xd: {  	s25 =	simm.s32 $0x9;
	s9 =	sshrl.u32 s23, $0x1;
	s12 =	sadd.s32 s7, s1  }
0xe: {  	[dreg:$0x5] =	wrdreg s16;
	s0 =	ssub.s32 s23, s9;
	s9 =	smul.u32 $0x2710, s24  }
0xf: {  	s7 =	sadd.s32 s7, s8;
	s5 =	sadd.s32 s5, s11;
	s17 =	sshrl.u32 s12, $0x3  }
0x10: {  	s12 =	simm.s32 $0x1;
	s23 =	simm.s32 $0x7A30;
	s11 =	simm.s32 $0x8  }
0x11: {  	s24 =	simm.s32 $0xA;
	s7 =	sshrl.u32 s7, $0x3;
	s5 =	sadd.s32 $0x4E200, s5  }
0x12: {  	s0 =	smax.u32 s0, $0x1;
	[dreg:$0x9] =	wrdreg s17;
	s26 =	sshrl.u32 s9, $0x3  }
.Ltmp0:
0x13: {  	s3 =	sadd.s32 s3, s7;
	s28 =	sshrl.u32 s5, $0x3;
	(pc) =	sbr.rel .LBB2_1-.Ltmp0, $4  }
0x14: {  	[dreg:$0x8] =	wrdreg s0;
	s0 =	simm.s32 $0xE;
	s5 =	simm.s32 $0xB  }
0x15: {  	s9 =	simm.s32 $0x0;
	s8 =	sadd.s32 s6, s26;
	[dreg:$0x7] =	wrdreg s3  }
0x16: {  	s10 =	sadd.s32 s28, s6;
	s3 =	simm.s32 $0xF;
	s6 =	simm.s32 $0x7  }
0x17: {  	s26 =	simm.s32 $0xC;
	[dreg:$0x6] =	wrdreg s8;
	s8 =	simm.s32 $0x7F30  }
.LBB2_18:
0x18: {  	s7 =	simm.s32 $0x4  }
0x19: {  	_ =	swait.ge [sflag:s7], $0x500  }
0x1a: {  	s17 =	sadd.s32 $0x2800, s19;
	[sflag:s7] =	ssyncset.done $0x0  }
0x1b: {  	s9 =	simm.s32 $0x8430;
	s21 =	simm.s32 $0x5;
	[sflag:s7] =	ssyncadd.s32 $0xFFFFFB00  }
0x1c: {  	[spmem:s1] =	stream.indirect.scatter.add.f32 [tilespmem:s9], [sflag:$0x10], $0x10, s17, s15, $0xb8;
	[tilespmem:$0xB130] =	vst v63  }
0x1d: {  	_ =	swait.ge [sflag:s21], $0x500  }
0x1e: {  	[sflag:s21] =	ssyncset.done $0x0  }
0x1f: {  	s23 =	sadd.s32 $0x2850, s19;
	s28 =	simm.s32 $0x8930;
	[sflag:s21] =	ssyncadd.s32 $0xFFFFFB00  }
0x20: {  	[spmem:s1] =	stream.indirect.scatter.add.f32 [tilespmem:s28], [sflag:$0x11], $0x10, s23, s15, $0xb8;
	[tilespmem:$0xB130] =	vst v63  }
0x21: {  	s8 =	simm.s32 $0x7F30;
	s23 =	simm.s32 $0x7A30  }
.LBB2_16:
0x22: {  	_ =	swait.ge [sflag:s14], $0x500  }
0x23: {  	[sflag:s14] =	ssyncset.done $0x0  }
0x24: {  	[sflag:s14] =	ssyncadd.s32 $0xFFFFFB00  }
0x25: {  	_ =	swait.ge [sflag:s0], $0x500  }
0x26: {  	[sflag:s0] =	ssyncset.done $0x0  }
0x27: {  	[sflag:s0] =	ssyncadd.s32 $0xFFFFFB00  }
0x28: {  	_ =	swait.ge [sflag:s3], $0x500  }
0x29: {  	[sflag:s3] =	ssyncset.done $0x0  }
0x2a: {  	[sflag:s3] =	ssyncadd.s32 $0xFFFFFB00  }
0x2b: {  	_ =	swait.ge [sflag:s18], $0x500  }
0x2c: {  	[sflag:s18] =	ssyncset.done $0x0  }
0x2d: {  	[sflag:s18] =	ssyncadd.s32 $0xFFFFFB00  }
0x2e: {  	_ =	swait.ge [sflag:s20], $0x500  }
0x2f: {  	[sflag:s20] =	ssyncset.done $0x0  }
0x30: {  	s7 =	simm.s32 $0x12;
	[sflag:s20] =	ssyncadd.s32 $0xFFFFFB00  }
0x31: {  	_ =	swait.ge [sflag:s7], $0x500  }
0x32: {  	[sflag:s7] =	ssyncset.done $0x0  }
0x33: {  	s21 =	simm.s32 $0x13;
	[sflag:s7] =	ssyncadd.s32 $0xFFFFFB00  }
0x34: {  	_ =	swait.ge [sflag:s21], $0x500  }
0x35: {  	[sflag:s21] =	ssyncset.done $0x0  }
0x36: {  	s28 =	simm.s32 $0x14;
	[sflag:s21] =	ssyncadd.s32 $0xFFFFFB00  }
0x37: {  	_ =	swait.ge [sflag:s28], $0x500  }
0x38: {  	[sflag:s28] =	ssyncset.done $0x0  }
0x39: {  	s9 =	simm.s32 $0x15;
	[sflag:s28] =	ssyncadd.s32 $0xFFFFFB00  }
0x3a: {  	_ =	swait.ge [sflag:s9], $0x500  }
0x3b: {  	[sflag:s9] =	ssyncset.done $0x0  }
0x3c: {  	s16 =	simm.s32 $0x16;
	[sflag:s9] =	ssyncadd.s32 $0xFFFFFB00  }
0x3d: {  	_ =	swait.ge [sflag:s16], $0x500  }
0x3e: {  	[sflag:s16] =	ssyncset.done $0x0  }
0x3f: {  	s17 =	simm.s32 $0x17;
	[sflag:s16] =	ssyncadd.s32 $0xFFFFFB00  }
0x40: {  	_ =	swait.ge [sflag:s17], $0x500  }
0x41: {  	[sflag:s17] =	ssyncset.done $0x0  }
0x42: {  	s19 =	simm.s32 $0x18;
	[sflag:s17] =	ssyncadd.s32 $0xFFFFFB00  }
0x43: {  	_ =	swait.ge [sflag:s19], $0x500  }
0x44: {  	[sflag:s19] =	ssyncset.done $0x0  }
0x45: {  	[sflag:s19] =	ssyncadd.s32 $0xFFFFFB00  }
0x46: {  	[bflag:$0x0] =	sbarrier.arrive $0xFFFF  }
0x47: {  	s16 =	rddreg [dreg:$0x5]  }
0x48: {  	s21 =	rddreg [dreg:$0x7]  }
0x49: {  	s17 =	rddreg [dreg:$0x9]  }
0x4a: {  	[hbm:s21], [sflag:s16] =	dma.local [spmem:s17], $0x4E2  }
0x4b: {  	_ =	swait.ge [sflag:s12], $0x4E2  }
0x4c: {  	s9 =	rddreg [dreg:$0xa]  }
0x4d: {  	s28 =	rddreg [dreg:$0x8];
	s9 =	sadd.s32 $0x1, s9  }
0x4e: {  	p0 =	sne.s32 s9, s28  }
.Ltmp1:
0x4f: {  	_ = 	snop;
	(pc) =	sbr.rel @!p0 .LBB2_17-.Ltmp1, $3  }
0x50: {  	_ =	sdelay $0x1  }
0x51: {  	[sflag:s12] =	ssyncset.done $0x0  }
0x52: {  	[sflag:s12] =	ssyncadd.s32 $0xFFFFFB1E  }
.LBB2_1:
0x53: {  	[dreg:$0xa] =	wrdreg s9  }
0x54: {  	s7 =	rddreg [dreg:$0x4];
	s28 =	sadd.s32 $0x0, s10;
	s19 =	simm.s32 $0x2760  }
0x55: {  	[spmem:s17], [sflag:s16] =	dma.local [hbm:s7], $0x4E2  }
0x56: {  	s16 =	simm.s32 $0x2710;
	s17 =	simm.s32 $0xA;
	s7 =	rddreg [dreg:$0x6]  }
0x57: {  	[tilespmem:s2], [sflag:$0x2] =	stream.linear.gather [hbm4b:s7+s2], $0x2710, $0x38;
	[tilespmem:$0xB130] =	vst v63  }
.LBB2_2:
0x58: {  	[tilespmem:s16], [sflag:$0xD] =	stream.linear.gather [hbm4b:s28+s2], $0x50, $0x38;
	[tilespmem:$0xB130] =	vst v63  }
0x59: {  	s28 =	smov.u32 s17;
	s16 =	smov.u32 s19;
	p0 =	sne.s32 s17, $0x4D8  }
.Ltmp2:
0x5a: {  	s17 =	sadd.s32 $0xA, s17;
	(pc) =	sbr.rel @p0 .LBB2_2-.Ltmp2, $2  }
0x5b: {  	_ =	sdelay $0x2  }
0x5c: {  	s19 =	sadd.s32 $0x50, s19;
	s28 =	sadd.s32 s28, s10  }
0x5d: {  	[tilespmem:s16], [sflag:$0xD] =	stream.linear.gather [hbm4b:s28+s2], $0x50, $0x38;
	[tilespmem:$0xB130] =	vst v63  }
0x5e: {  	_ =	swait.ge [sflag:s12], $0x4E2  }
0x5f: {  	[sflag:s12] =	ssyncset.done $0x0  }
0x60: {  	s7 =	simm.s32 $0x2;
	[sflag:s12] =	ssyncadd.s32 $0xFFFFFB1E  }
0x61: {  	_ =	swait.ge [sflag:s7], $0x2710  }
0x62: {  	[sflag:s7] =	ssyncset.done $0x0  }
0x63: {  	[sflag:s7] =	ssyncadd.s32 $0xFFFFD8F0  }
0x64: {  	_ =	swait.ge [sflag:s14], $0x50  }
0x65: {  	s16 =	simm.s32 $0x7C;
	[sflag:s14] =	ssyncset.done $0x0  }
.LBB2_4:
0x66: {  	p0 =	sne.s32 s16, $0x1;
	s16 =	sadd.s32 $0xFFFFFFFF, s16;
	[sflag:s14] =	ssyncadd.s32 $0xFFFFFFB0  }
.Ltmp3:
0x67: {  	(pc) =	sbr.rel @p0 .LBB2_4-.Ltmp3, $3  }
0x68: {  	_ =	sdelay $0x1  }
0x69: {  	_ =	swait.ge [sflag:s14], $0x50  }
0x6a: {  	[sflag:s14] =	ssyncset.done $0x0  }
0x6b: {  	[sflag:s14] =	ssyncadd.s32 $0xFFFFFFB0  }
0x6c: {  	s28 =	simm.s32 $0x0;
	s7 =	simm.s32 $0x7530;
	[bflag:$0x0] =	sbarrier.arrive $0xFFFF  }
0x6d: {  	[tilespmem:s7], [sflag:$0x1] =	stream.indirect.gather [hbm4b:s4+s15], $0x10, s28, s15, $0xb8;
	[tilespmem:$0xB130] =	vst v63  }
0x6e: {  	_ = 	snop  }
0x6f: {  	[tilespmem:s23], [sflag:$0x2] =	stream.indirect.gather [hbm4b:s4+s15], $0x10, s15, s15, $0xb8;
	[tilespmem:$0xB130] =	vst v63  }
0x70: {  	s21 =	simm.s32 $0xA0  }
0x71: {  	[tilespmem:s8], [sflag:$0x3] =	stream.indirect.gather [hbm4b:s4+s15], $0x10, s21, s15, $0xb8;
	[tilespmem:$0xB130] =	vst v63  }
0x72: {  	s9 =	simm.s32 $0x8430;
	s8 =	simm.s32 $0xF0  }
0x73: {  	[tilespmem:s9], [sflag:$0x4] =	stream.indirect.gather [hbm4b:s4+s15], $0x10, s8, s15, $0xb8;
	[tilespmem:$0xB130] =	vst v63  }
0x74: {  	s16 =	simm.s32 $0x140;
	s17 =	simm.s32 $0x8930;
	s19 =	simm.s32 $0x190  }
0x75: {  	[tilespmem:s17], [sflag:$0x5] =	stream.indirect.gather [hbm4b:s4+s15], $0x10, s16, s15, $0xb8;
	[tilespmem:$0xB130] =	vst v63  }
0x76: {  	s21 =	simm.s32 $0x8E30;
	s16 =	simm.s32 $0x3;
	s17 =	simm.s32 $0x0  }
0x77: {  	[tilespmem:s21], [sflag:$0x6] =	stream.indirect.gather [hbm4b:s4+s15], $0x10, s19, s15, $0xb8;
	[tilespmem:$0xB130] =	vst v63  }
.LBB2_6:
0x78: {  	p0 =	seq.s32 s28, $0x0  }
.Ltmp4:
0x79: {  	_ = 	snop;
	(pc) =	sbr.rel @p0 .LBB2_9-.Ltmp4, $1  }
0x7a: {  	_ =	sdelay $0x3  }
0x7b: {  	p1 =	seq.s32 s28, $0x9600  }
.Ltmp5:
0x7c: {  	_ = 	snop;
	(pc) =	sbr.rel @p1 .LBB2_10-.Ltmp5, $1  }
0x7d: {  	_ =	sdelay $0x3  }
0x7e: {  	s7 =	simm.s32 $0x13  }
0x7f: {  	_ =	swait.ge [sflag:s7], $0x500  }
0x80: {  	[sflag:s7] =	ssyncset.done $0x0  }
0x81: {  	[sflag:s7] =	ssyncadd.s32 $0xFFFFFB00  }
.LBB2_9:
0x82: {  	s19 =	sshra.s32 s28, $0x2  }
0x83: {  	s7 =	simm.s32 $0x9330;
	s19 =	sadd.s32 $0x1E0, s19  }
0x84: {  	[tilespmem:s7], [sflag:$0x7] =	stream.indirect.gather [hbm4b:s4+s15], $0x10, s19, s15, $0xb8;
	[tilespmem:$0xB130] =	vst v63  }
.LBB2_10:
.Ltmp6:
0x85: {  	(pc) =	sbr.rel @p0 .LBB2_13-.Ltmp6, $4  }
0x86: {  	_ =	swait.ge [sflag:s12], $0x500  }
0x87: {  	s19 =	sshra.s32 s28, $0x2;
	[sflag:s12] =	ssyncset.done $0x0  }
0x88: {  	s7 =	simm.s32 $0x7530;
	s21 =	sadd.s32 $0x2710, s19;
	[sflag:s12] =	ssyncadd.s32 $0xFFFFFB00  }
0x89: {  	[spmem:s1] =	stream.indirect.scatter.add.f32 [tilespmem:s7], [sflag:$0xD], $0x10, s21, s15, $0xb8;
	[tilespmem:$0xB130] =	vst v63  }
0x8a: {  	p1 =	seq.s32 s28, $0x9600  }
.Ltmp7:
0x8b: {  	_ = 	snop;
	(pc) =	sbr.rel @p1 .LBB2_14-.Ltmp7, $1  }
0x8c: {  	_ =	sdelay $0x3  }
0x8d: {  	s7 =	simm.s32 $0x14  }
0x8e: {  	_ =	swait.ge [sflag:s7], $0x500  }
0x8f: {  	[sflag:s7] =	ssyncset.done $0x0  }
0x90: {  	[sflag:s7] =	ssyncadd.s32 $0xFFFFFB00  }
.LBB2_13:
0x91: {  	s21 =	sadd.s32 $0x230, s19;
	s7 =	simm.s32 $0x9830  }
0x92: {  	[tilespmem:s7], [sflag:$0x8] =	stream.indirect.gather [hbm4b:s4+s15], $0x10, s21, s15, $0xb8;
	[tilespmem:$0xB130] =	vst v63  }
.LBB2_14:
0x93: {  	s7 =	simm.s32 $0x2  }
0x94: {  	_ =	swait.ge [sflag:s7], $0x500  }
0x95: {  	[sflag:s7] =	ssyncset.done $0x0  }
0x96: {  	s21 =	sadd.s32 $0x2760, s19;
	[sflag:s7] =	ssyncadd.s32 $0xFFFFFB00  }
0x97: {  	[spmem:s1] =	stream.indirect.scatter.add.f32 [tilespmem:s23], [sflag:$0xE], $0x10, s21, s15, $0xb8;
	[tilespmem:$0xB130] =	vst v63  }
0x98: {  	p1 =	seq.s32 s28, $0x9600;
	s21 =	sadd.s32 $0xFFFFFFFF, s16  }
0x99: {  	p2 =	slt.u32 @!p1 s21, $0x6  }
0x9a: {  	p2 =	por p2, p1  }
0x9b: {  	s21 =	simm.s32 @!p2 $0x15  }
0x9c: {  	_ =	swait.ge @!p2 [sflag:s21], $0x500  }
0x9d: {  	[sflag:s21] =	ssyncset.done @!p2 $0x0  }
0x9e: {  	[sflag:s21] =	ssyncadd.s32 @!p2 $0xFFFFFB00;
	s21 =	sshra.s32 @!p1 s28, $0x2  }
0x9f: {  	s7 =	simm.s32 @!p1 $0x9D30;
	s23 =	simm.s32 @!p1 $0x50;
	s21 =	sadd.s32 @!p1 $0x280, s21  }
0xa0: {  	[tilespmem:s7], [sflag:$0x9] =	stream.indirect.gather @!p1 [hbm4b:s4+s23], $0x10, s21, s23, $0xb8;
	[tilespmem:$0xB130] =	vst v63  }
.Ltmp8:
0xa1: {  	s9 =	simm.s32 $0x3;
	(pc) =	sbr.rel @p1 .LBB2_18-.Ltmp8, $4  }
0xa2: {  	_ =	swait.ge [sflag:s9], $0x500  }
0xa3: {  	s8 =	simm.s32 $0x7A30;
	[sflag:s9] =	ssyncset.done $0x0  }
0xa4: {  	s21 =	sadd.s32 $0x27B0, s19;
	s23 =	simm.s32 $0x7F30;
	[sflag:s9] =	ssyncadd.s32 $0xFFFFFB00  }
0xa5: {  	[spmem:s1] =	stream.indirect.scatter.add.f32 [tilespmem:s23], [sflag:$0xF], $0x10, s21, s15, $0xb8;
	[tilespmem:$0xB130] =	vst v63  }
0xa6: {  	p1 =	slt.u32 s16, $0x6  }
0xa7: {  	s7 =	simm.s32 @!p1 $0x16  }
0xa8: {  	_ =	swait.ge @!p1 [sflag:s7], $0x500  }
0xa9: {  	[sflag:s7] =	ssyncset.done @!p1 $0x0  }
0xaa: {  	s21 =	sadd.s32 $0x2D0, s19;
	s9 =	simm.s32 $0x4;
	[sflag:s7] =	ssyncadd.s32 @!p1 $0xFFFFFB00  }
0xab: {  	[tilespmem:s30], [sflag:$0xA] =	stream.indirect.gather [hbm4b:s4+s15], $0x10, s21, s15, $0xb8;
	[tilespmem:$0xB130] =	vst v63  }
0xac: {  	_ =	swait.ge [sflag:s9], $0x500  }
0xad: {  	s7 =	simm.s32 @!p0 $0x17;
	[sflag:s9] =	ssyncset.done $0x0  }
0xae: {  	s21 =	sadd.s32 $0x2800, s19;
	[sflag:s9] =	ssyncadd.s32 $0xFFFFFB00;
	s9 =	simm.s32 $0x8430  }
0xaf: {  	[spmem:s1] =	stream.indirect.scatter.add.f32 [tilespmem:s9], [sflag:$0x10], $0x10, s21, s15, $0xb8;
	[tilespmem:$0xB130] =	vst v63  }
0xb0: {  	_ =	swait.ge @!p0 [sflag:s7], $0x500  }
0xb1: {  	[sflag:s7] =	ssyncset.done @!p0 $0x0  }
0xb2: {  	s21 =	sadd.s32 $0x320, s19;
	[sflag:s7] =	ssyncadd.s32 @!p0 $0xFFFFFB00  }
0xb3: {  	[tilespmem:s31], [sflag:$0xB] =	stream.indirect.gather [hbm4b:s4+s15], $0x10, s21, s15, $0xb8;
	[tilespmem:$0xB130] =	vst v63  }
0xb4: {  	s21 =	simm.s32 $0x5  }
0xb5: {  	_ =	swait.ge [sflag:s21], $0x500  }
0xb6: {  	[sflag:s21] =	ssyncset.done $0x0  }
0xb7: {  	s7 =	simm.s32 @!p0 $0x18;
	[sflag:s21] =	ssyncadd.s32 $0xFFFFFB00;
	s21 =	sadd.s32 $0x2850, s19  }
0xb8: {  	[spmem:s1] =	stream.indirect.scatter.add.f32 [tilespmem:s29], [sflag:$0x11], $0x10, s21, s15, $0xb8;
	[tilespmem:$0xB130] =	vst v63  }
0xb9: {  	_ =	swait.ge @!p0 [sflag:s7], $0x500  }
0xba: {  	[sflag:s7] =	ssyncset.done @!p0 $0x0  }
0xbb: {  	s21 =	sadd.s32 $0x370, s19;
	[sflag:s7] =	ssyncadd.s32 @!p0 $0xFFFFFB00  }
0xbc: {  	[tilespmem:s13], [sflag:$0xC] =	stream.indirect.gather [hbm4b:s4+s15], $0x10, s21, s15, $0xb8;
	[tilespmem:$0xB130] =	vst v63  }
0xbd: {  	_ =	swait.ge [sflag:s22], $0x500  }
0xbe: {  	[sflag:s22] =	ssyncset.done $0x0  }
0xbf: {  	s7 =	sadd.s32 $0x28A0, s19;
	s21 =	simm.s32 $0x8E30;
	[sflag:s22] =	ssyncadd.s32 $0xFFFFFB00  }
0xc0: {  	[spmem:s1] =	stream.indirect.scatter.add.f32 [tilespmem:s21], [sflag:$0x12], $0x10, s7, s15, $0xb8;
	[tilespmem:$0xB130] =	vst v63  }
0xc1: {  	_ =	swait.ge [sflag:s14], $0x500  }
0xc2: {  	[sflag:s14] =	ssyncset.done $0x0  }
0xc3: {  	s7 =	sadd.s32 $0x3C0, s19;
	s21 =	simm.s32 $0x7530;
	[sflag:s14] =	ssyncadd.s32 $0xFFFFFB00  }
0xc4: {  	[tilespmem:s21], [sflag:$0x1] =	stream.indirect.gather [hbm4b:s4+s15], $0x10, s7, s15, $0xb8;
	[tilespmem:$0xB130] =	vst v63  }
0xc5: {  	_ =	swait.ge [sflag:s6], $0x500  }
0xc6: {  	[sflag:s6] =	ssyncset.done $0x0  }
0xc7: {  	s7 =	sadd.s32 $0x28F0, s19;
	s21 =	simm.s32 $0x9330;
	[sflag:s6] =	ssyncadd.s32 $0xFFFFFB00  }
0xc8: {  	[spmem:s1] =	stream.indirect.scatter.add.f32 [tilespmem:s21], [sflag:$0x13], $0x10, s7, s15, $0xb8;
	[tilespmem:$0xB130] =	vst v63  }
0xc9: {  	_ =	swait.ge [sflag:s0], $0x500  }
0xca: {  	[sflag:s0] =	ssyncset.done $0x0  }
0xcb: {  	s21 =	sadd.s32 $0x410, s19;
	[sflag:s0] =	ssyncadd.s32 $0xFFFFFB00  }
0xcc: {  	[tilespmem:s8], [sflag:$0x2] =	stream.indirect.gather [hbm4b:s4+s15], $0x10, s21, s15, $0xb8;
	[tilespmem:$0xB130] =	vst v63  }
0xcd: {  	_ =	swait.ge [sflag:s11], $0x500  }
0xce: {  	[sflag:s11] =	ssyncset.done $0x0  }
0xcf: {  	s8 =	sadd.s32 $0x2940, s19;
	s21 =	simm.s32 $0x9830;
	[sflag:s11] =	ssyncadd.s32 $0xFFFFFB00  }
0xd0: {  	[spmem:s1] =	stream.indirect.scatter.add.f32 [tilespmem:s21], [sflag:$0x14], $0x10, s8, s15, $0xb8;
	[tilespmem:$0xB130] =	vst v63  }
0xd1: {  	_ =	swait.ge [sflag:s3], $0x500  }
0xd2: {  	[sflag:s3] =	ssyncset.done $0x0  }
0xd3: {  	s21 =	sadd.s32 $0x460, s19;
	[sflag:s3] =	ssyncadd.s32 $0xFFFFFB00  }
0xd4: {  	[tilespmem:s23], [sflag:$0x3] =	stream.indirect.gather [hbm4b:s4+s15], $0x10, s21, s15, $0xb8;
	[tilespmem:$0xB130] =	vst v63  }
0xd5: {  	_ =	swait.ge [sflag:s25], $0x500  }
0xd6: {  	[sflag:s25] =	ssyncset.done $0x0  }
0xd7: {  	s21 =	sadd.s32 $0x2990, s19;
	s23 =	simm.s32 $0x9D30;
	[sflag:s25] =	ssyncadd.s32 $0xFFFFFB00  }
0xd8: {  	[spmem:s1] =	stream.indirect.scatter.add.f32 [tilespmem:s23], [sflag:$0x15], $0x10, s21, s15, $0xb8;
	[tilespmem:$0xB130] =	vst v63  }
0xd9: {  	_ =	swait.ge [sflag:s18], $0x500  }
0xda: {  	[sflag:s18] =	ssyncset.done $0x0  }
0xdb: {  	s21 =	sadd.s32 $0x4B0, s19;
	[sflag:s18] =	ssyncadd.s32 $0xFFFFFB00  }
0xdc: {  	[tilespmem:s9], [sflag:$0x4] =	stream.indirect.gather [hbm4b:s4+s15], $0x10, s21, s15, $0xb8;
	[tilespmem:$0xB130] =	vst v63  }
0xdd: {  	_ =	swait.ge [sflag:s24], $0x500  }
0xde: {  	[sflag:s24] =	ssyncset.done $0x0  }
0xdf: {  	s23 =	sadd.s32 $0x29E0, s19;
	[sflag:s24] =	ssyncadd.s32 $0xFFFFFB00  }
0xe0: {  	[spmem:s1] =	stream.indirect.scatter.add.f32 [tilespmem:s30], [sflag:$0x16], $0x10, s23, s15, $0xb8;
	[tilespmem:$0xB130] =	vst v63  }
0xe1: {  	_ =	swait.ge [sflag:s20], $0x500  }
0xe2: {  	[sflag:s20] =	ssyncset.done $0x0  }
0xe3: {  	s9 =	sadd.s32 $0x500, s19;
	[sflag:s20] =	ssyncadd.s32 $0xFFFFFB00  }
0xe4: {  	[tilespmem:s29], [sflag:$0x5] =	stream.indirect.gather [hbm4b:s4+s15], $0x10, s9, s15, $0xb8;
	[tilespmem:$0xB130] =	vst v63  }
0xe5: {  	_ =	swait.ge [sflag:s5], $0x500  }
0xe6: {  	p0 =	sgt.u32 s17, $0x8;
	[sflag:s5] =	ssyncset.done $0x0  }
0xe7: {  	s7 =	simm.s32 @!p0 $0x12;
	s21 =	sadd.s32 $0x2A30, s19;
	[sflag:s5] =	ssyncadd.s32 $0xFFFFFB00  }
0xe8: {  	[spmem:s1] =	stream.indirect.scatter.add.f32 [tilespmem:s31], [sflag:$0x17], $0x10, s21, s15, $0xb8;
	[tilespmem:$0xB130] =	vst v63  }
0xe9: {  	_ =	swait.ge @!p0 [sflag:s7], $0x500  }
0xea: {  	[sflag:s7] =	ssyncset.done @!p0 $0x0  }
0xeb: {  	s23 =	simm.s32 @!p0 $0x8E30;
	[sflag:s7] =	ssyncadd.s32 @!p0 $0xFFFFFB00;
	s7 =	sshra.s32 @!p0 s28, $0x2  }
0xec: {  	s21 =	simm.s32 @!p0 $0x50;
	s28 =	sadd.s32 $0xF00, s28;
	s7 =	sadd.s32 @!p0 $0x550, s7  }
0xed: {  	[tilespmem:s23], [sflag:$0x6] =	stream.indirect.gather @!p0 [hbm4b:s4+s21], $0x10, s7, s21, $0xb8;
	[tilespmem:$0xB130] =	vst v63  }
0xee: {  	p0 =	sne.s32 s28, $0xA500  }
.Ltmp9:
0xef: {  	_ =	swait.ge [sflag:s26], $0x500;
	(pc) =	sbr.rel @p0 .LBB2_6-.Ltmp9, $4  }
.Ltmp10:
0xf0: {  	[sflag:s26] =	ssyncset.done $0x0;
	(pc) =	sbr.rel @!p0 .LBB2_16-.Ltmp10, $4  }
0xf1: {  	s16 =	sadd.s32 $0xC, s16;
	s23 =	sadd.s32 $0x2A80, s19;
	[sflag:s26] =	ssyncadd.s32 $0xFFFFFB00  }
0xf2: {  	[spmem:s1] =	stream.indirect.scatter.add.f32 [tilespmem:s13], [sflag:$0x18], $0x10, s23, s15, $0xb8;
	[tilespmem:$0xB130] =	vst v63  }
0xf3: {  	s17 =	sadd.s32 $0x1, s17;
	s8 =	simm.s32 $0x7F30;
	s23 =	simm.s32 $0x7A30  }
0xf4: {  	_ = 	snop  }
.LBB2_17:
0xf5: {  	_ =	sfence.sel $0x180000  }
0xf6: {  	[bflag:$0x0] =	sbarrier.arrive $0xFFFF  }
0xf7: {  	_ =	strace $0x9000004A  }
0xf8: {  	s0 =	stileid.u32;
	[bflag:$0x2] =	sbarrier.arrive $0xFFFF  }
0xf9: {  	p0 =	sne.s32 s0, $0x0;
	s0 =	rddreg [dreg:$0x3]  }
0xfa: {  	s0 =	sadd.s32 @!p0 $0x100000, s0  }
0xfb: {  	[sflag:s0] =	ssyncadd.tile.s32 @!p0 $0x1;
	_ =	shalt  }
.Lfunc_end2:
_tile_overlayer_lowered:
.L_overlay_start_2:
0xfc: {  	(tag) =	ssettag $0x2  }
0xfd: {  	s0 =	rddreg [dreg:$0x0];
	s2 =	stileid.u32  }
0xfe: {  	s1 =	rddreg [dreg:$0x1];
	p0 =	sne.s32 s2, $0x0  }
0xff: {  	s3 =	rddreg [dreg:$0x2];
	[bflag:$0x3] =	sbarrier.arrive $0xFFFF;
	s2 =	simm.s32 @!p0 $0x1C19  }
0x100: {  	[timem:s3], [sflag:s2] =	dma.local @!p0 [hbm:s0], s1  }
0x101: {  	s0 =	simm.s32 @!p0 $0x19  }
0x102: {  	_ =	swait.ge @!p0 [sflag:s0], s1  }
0x103: {  	s1 =	ssub.s32 @!p0 $0x0, s1;
	[sflag:s0] =	ssyncset.done @!p0 $0x0  }
0x104: {  	[sflag:s0] =	ssyncadd.s32 @!p0 s1  }
0x105: {  	[bflag:$0x3] =	sbarrier.arrive $0xFFFF  }
0x106: {  	_ =	shalt  }

// kernel: kernel.14.cloned.1.call-start
scs
__scs_entry_jumppad:
0x0: {  	(pc) =	sbr.rel $0x88, $3  }
0x1: {  	(tag) =	ssettag $0x0;
	lr =	simm.s32 $0x1  }
0x2: {  	[smem:$0x3F9B] =	sst lr;
	_ =	strace $0xD0000000  }
0x3: {  	_ = 	snop  }
0x4: {  	_ = 	snop  }
0x5: {  	_ = 	snop  }
0x6: {  	_ = 	snop  }
0x7: {  	_ = 	snop  }
__scs_overlays_trampoline_lowered:
0x8: {  	[smem:$0x3FAA] =	sst s0  }
0x9: {  	[smem:$0x3FAB] =	sst s1  }
0xa: {  	[smem:$0x3FAC] =	sst s2  }
0xb: {  	[smem:$0x3FAD] =	sst s3  }
0xc: {  	[smem:$0x3FAE] =	sst s4  }
0xd: {  	[smem:$0x3FAF] =	sst s5  }
0xe: {  	[smem:$0x3FB0] =	sst s6  }
0xf: {  	[smem:$0x3FB1] =	sst s7  }
0x10: {  	[smem:$0x3FB2] =	sst s8  }
0x11: {  	[smem:$0x3FB3] =	sst s9;
	s0 =	simm.s32 @!p0 $0x0  }
0x12: {  	s1 =	sld [smem:$0x3F99];
	s0 =	simm.s32 @p0 $0x1  }
0x13: {  	[smem:$0x3FB4] =	sst s0;
	s0 =	simm.s32 @!p1 $0x0  }
0x14: {  	s2 =	sld [smem:$0x3F98];
	s0 =	simm.s32 @p1 $0x1  }
0x15: {  	[smem:$0x3FB5] =	sst s0;
	s0 =	simm.s32 @!p2 $0x0  }
0x16: {  	s3 =	sld [smem:$0x3FDB];
	s0 =	simm.s32 @p2 $0x1  }
0x17: {  	s4 =	simm.s32 $0x1BF5;
	[smem:$0x3FB7] =	sst s0  }
0x18: {  	s0 =	sld [smem:$0x3F9A];
	_ =	swait.ge [sflag:s4], $0x0  }
0x19: {  	s7 =	sld [smem:$0x3F9B]  }
0x1a: {  	s8 =	sadd.s32 $0xFFFFE003, lr  }
0x1b: {  	s9 =	sadd.s32 $0xFFFFFEF7, lr;
	s5 =	simm.s32 $0xFFFFFFFF;
	p2 =	slt.u32 s8, $0xFFFFF086  }
0x1c: {  	p1 =	slt.u32 s9, $0xF7A;
	s5 =	simm.s32 @!p2 $0x0  }
0x1d: {  	s5 =	simm.s32 @p1 $0x1;
	p0 =	seq.s32 s7, s2  }
0x1e: {  	s7 =	smul.u32 @!p0 $0xF7A, s2;
	p2 =	seq.s32 @!p0 s5, $0x0  }
0x1f: {  	s9 =	smul.u32 $0xF7A, s1;
	s8 =	simm.s32 @!p0 $0x1BF5;
	p2 =	por !p2, p0  }
0x20: {  	[sflag:s8] =	ssyncset.s32 @!p0 $0xFFFFF086;
	s6 =	sadd.s32 @!p0 s3, s7;
	s7 =	simm.s32 @!p0 $0x108  }
0x21: {  	s3 =	sadd.s32 s3, s9;
	s6 =	sadd.s32 @!p0 $0x88, s6;
	s7 =	simm.s32 @p2 $0x1082  }
0x22: {  	[simem:s7], [sflag:s8] =	dma.local @!p0 [hbm:s6], $0xF7A  }
0x23: {  	s9 =	sor.u32 $0xD0000000, s2;
	s6 =	simm.s32 $0x108;
	_ =	swait.ge @!p0 [sflag:s8], $0x0  }
0x24: {  	s3 =	sadd.s32 $0x88, s3;
	s6 =	simm.s32 @!p1 $0x1082;
	[sflag:s4] =	ssyncset.s32 $0xFFFFF086  }
0x25: {  	[simem:s6], [sflag:s4] =	dma.local [hbm:s3], $0xF7A  }
0x26: {  	[smem:$0x3F9B] =	sst s1;
	(tag) =	ssettag s2;
	_ =	strace s9  }
0x27: {  	s1 =	sld [smem:$0x3FAB]  }
0x28: {  	s2 =	sld [smem:$0x3FAC]  }
0x29: {  	s4 =	sld [smem:$0x3FAE]  }
0x2a: {  	p0 =	seq.s32 s5, $0x0;
	s5 =	sld [smem:$0x3FAF]  }
0x2b: {  	s6 =	sld [smem:$0x3FB0]  }
0x2c: {  	s7 =	sld [smem:$0x3FB1]  }
0x2d: {  	s3 =	simm.s32 $0x108;
	s8 =	sld [smem:$0x3FB2]  }
0x2e: {  	s3 =	simm.s32 @!p0 $0x1082;
	s9 =	sld [smem:$0x3FB3]  }
0x2f: {  	lr =	sadd.s32 s0, s3;
	s0 =	sld [smem:$0x3FAA]  }
0x30: {  	s3 =	sld [smem:$0x3FAD]  }
0x31: {  	[smem:$0x3FB6] =	sst s10  }
0x32: {  	s10 =	sld [smem:$0x3FB4];
	_ =	sdelay $0x3  }
0x33: {  	p0 =	seq.s32 s10, $0x1;
	s10 =	sld [smem:$0x3FB6];
	_ =	sdelay $0x3  }
0x34: {  	[smem:$0x3FB6] =	sst s10  }
0x35: {  	s10 =	sld [smem:$0x3FB5];
	_ =	sdelay $0x3  }
0x36: {  	p1 =	seq.s32 s10, $0x1;
	s10 =	sld [smem:$0x3FB6];
	_ =	sdelay $0x3  }
0x37: {  	[smem:$0x3FB6] =	sst s10  }
0x38: {  	s10 =	sld [smem:$0x3FB7]  }
0x39: {  	_ = 	snop;
	(pc) =	sbr.ind lr, $3  }
0x3a: {  	_ = 	snop  }
0x3b: {  	_ = 	snop  }
0x3c: {  	p2 =	seq.s32 s10, $0x1;
	s10 =	sld [smem:$0x3FB6]  }
0x3d: {  	_ =	shalt  }
0x3e: {  	_ =	shalt  }
0x3f: {  	_ =	shalt  }
0x40: {  	_ =	shalt  }
0x41: {  	_ =	shalt  }
0x42: {  	_ =	shalt  }
0x43: {  	_ =	shalt  }
0x44: {  	_ =	shalt  }
0x45: {  	_ =	shalt  }
0x46: {  	_ =	shalt  }
0x47: {  	_ =	shalt  }
0x48: {  	_ =	shalt  }
0x49: {  	_ =	shalt  }
0x4a: {  	_ =	shalt  }
0x4b: {  	_ =	shalt  }
0x4c: {  	_ =	shalt  }
0x4d: {  	_ =	shalt  }
0x4e: {  	_ =	shalt  }
0x4f: {  	_ =	shalt  }
0x50: {  	_ =	shalt  }
0x51: {  	_ =	shalt  }
0x52: {  	_ =	shalt  }
0x53: {  	_ =	shalt  }
0x54: {  	_ =	shalt  }
0x55: {  	_ =	shalt  }
0x56: {  	_ =	shalt  }
0x57: {  	_ =	shalt  }
0x58: {  	_ =	shalt  }
0x59: {  	_ =	shalt  }
0x5a: {  	_ =	shalt  }
0x5b: {  	_ =	shalt  }
0x5c: {  	_ =	shalt  }
0x5d: {  	_ =	shalt  }
0x5e: {  	_ =	shalt  }
0x5f: {  	_ =	shalt  }
0x60: {  	_ =	shalt  }
0x61: {  	_ =	shalt  }
0x62: {  	_ =	shalt  }
0x63: {  	_ =	shalt  }
0x64: {  	_ =	shalt  }
0x65: {  	_ =	shalt  }
0x66: {  	_ =	shalt  }
0x67: {  	_ =	shalt  }
0x68: {  	_ =	shalt  }
0x69: {  	_ =	shalt  }
0x6a: {  	_ =	shalt  }
0x6b: {  	_ =	shalt  }
0x6c: {  	_ =	shalt  }
0x6d: {  	_ =	shalt  }
0x6e: {  	_ =	shalt  }
0x6f: {  	_ =	shalt  }
0x70: {  	_ =	shalt  }
0x71: {  	_ =	shalt  }
0x72: {  	_ =	shalt  }
0x73: {  	_ =	shalt  }
0x74: {  	_ =	shalt  }
0x75: {  	_ =	shalt  }
0x76: {  	_ =	shalt  }
0x77: {  	_ =	shalt  }
0x78: {  	_ =	shalt  }
0x79: {  	_ =	shalt  }
0x7a: {  	_ =	shalt  }
0x7b: {  	_ =	shalt  }
0x7c: {  	_ =	shalt  }
0x7d: {  	_ =	shalt  }
0x7e: {  	_ =	shalt  }
0x7f: {  	_ =	shalt  }
0x80: {  	_ =	shalt  }
0x81: {  	_ =	shalt  }
0x82: {  	_ =	shalt  }
0x83: {  	_ =	shalt  }
0x84: {  	_ =	shalt  }
0x85: {  	_ =	shalt  }
0x86: {  	_ =	shalt  }
0x87: {  	_ =	shalt  }
.Lfunc_end0:
.L_simem_size_0:
called_computation.2_lowered:
.L_overlay_start_0:
0x88: {  	s2 =	sld [smem:$0x3FD9]  }
0x89: {  	s3 =	sld [smem:$0x3FFE];
	_ =	sdelay $0x1  }
0x8a: {  	s1 =	srdreg.scid  }
0x8b: {  	s0 =	sand.u32 $0x1, s1  }
0x8c: {  	s17 =	sshll.u32 s0, $0xA;
	s2 =	sadd.s32 s3, s2  }
0x8d: {  	s2 =	sadd.s32 s2, s17  }
0x8e: {  	[smem:$0x3FC2] =	sst s2  }
0x8f: {  	_ = 	snop  }
0x90: {  	s2 =	sld [smem:$0x3FD0];
	(tm) =	ssettm $0x1  }
0x91: {  	s18 =	sld [smem:$0x3FFB];
	_ =	sdelay $0x3  }
0x92: {  	_ =	strace s18  }
0x93: {  	s3 =	sld [smem:$0x3FFC];
	_ =	sdelay $0x3  }
0x94: {  	_ =	strace s3  }
0x95: {  	s3 =	sld [smem:$0x3FFD];
	_ =	sdelay $0x3  }
0x96: {  	_ =	strace s3  }
0x97: {  	_ =	strace $0x8FFFFFFF  }
0x98: {  	s19 =	sld [smem:$0x3FDB];
	_ =	sdelay $0x1  }
0x99: {  	s4 =	simm.s32 $_scs_section_size  }
0x9a: {  	s5 =	simm.s32 $_size__tile_overlayer_lowered;
	s6 =	simm.s32 $_tile_overlayer_lowered  }
0x9b: {  	s22 =	simm.s32 $0x1BFF;
	s21 =	sshll.u32 s6, $0x1;
	s3 =	sadd.s32 s4, s19  }
0x9c: {  	s7 =	simm.s32 $0x0;
	s20 =	sshll.u32 s5, $0x1;
	s5 =	sadd.s32 s21, s3  }
0x9d: {  	[timem:s7], [sflag:s22] =	dma.local [hbm:s5], s20  }
0x9e: {  	_ =	swait.ge [sflag:s22], s20  }
0x9f: {  	s4 =	ssub.s32 $0x0, s20;
	[sflag:s22] =	ssyncset.done $0x0  }
0xa0: {  	[sflag:s22] =	ssyncadd.s32 s4;
	_ =	sdelay $0x1  }
0xa1: {  	s23 =	simm.s32 $0x1B8B  }
0xa2: {  	_ =	swait.ge [sflag:s23], $0x1  }
0xa3: {  	[sflag:s23] =	ssyncset.done $0x0  }
0xa4: {  	s25 =	simm.s32 $0x1B8E;
	s24 =	sld [smem:$0x3FFE];
	[sflag:s23] =	ssyncadd.s32 $0xFFFFFFFF  }
0xa5: {  	s26 =	simm.s32 $execute0_lowered;
	[smem:$0x3FD2] =	sst s25  }
0xa6: {  	s5 =	sshll.u32 s26, $0x1;
	_ =	strace $0x8000004C;
	[dreg:$0x1] =	wrdreg $0xFFFFFFFF  }
0xa7: {  	s28 =	simm.s32 $_size_execute0_lowered;
	s3 =	sadd.s32 s3, s5;
	[dreg:$0x0] =	wrdreg $0x0  }
0xa8: {  	s5 =	sshll.u32 s28, $0x1;
	[dreg:$0x2] =	wrdreg s3  }
0xa9: {  	[dreg:$0x3] =	wrdreg s5  }
0xaa: {  	[dreg:$0x4] =	wrdreg $0xC0  }
0xab: {  	_ =	task [dreg:s7], $0x5FFFF  }
0xac: {  	[dreg:$0x1] =	wrdreg $0xFFFFFFFF  }
0xad: {  	[dreg:$0x0] =	wrdreg $0x60  }
0xae: {  	[dreg:$0x2] =	wrdreg s24  }
0xaf: {  	[dreg:$0x3] =	wrdreg s2  }
0xb0: {  	[dreg:$0x4] =	wrdreg $0x4E200  }
0xb1: {  	[dreg:$0x5] =	wrdreg $0x9  }
0xb2: {  	_ =	task.clear_ibuf [dreg:s7], $0x6FFFF;
	_ =	strace $0x9000004C  }
0xb3: {  	s29 =	simm.s32 $0x9;
	_ =	strace $0x8000004E  }
0xb4: {  	_ =	swait.ge [sflag:s29], $0x1  }
0xb5: {  	[sflag:s29] =	ssyncadd.s32 $0xFFFFFFFF  }
0xb6: {  	_ =	strace $0x9000004E  }
0xb7: {  	_ =	sfence  }
0xb8: {  	s30 =	sld [smem:$0x0];
	_ =	sdelay $0x2  }
0xb9: {  	s31 =	sshll.u32 s1, $0xD;
	s1 =	sshrl.u32 s1, $0x2  }
0xba: {  	s3 =	sand.u32 $0x4000, s31;
	s1 =	sadd.s32 s1, s30  }
0xbb: {  	s0 =	sor.u32 s3, s0;
	s1 =	sshll.u32 s1, $0x11  }
0xbc: {  	s0 =	sor.u32 s1, s0  }
0xbd: {  	s0 =	sadd.s32 $0x8F2B, s0  }
0xbe: {  	[sflag:s0] =	ssyncadd.remote.s32 $0x1  }
0xbf: {  	_ =	sfence.sel $0xFFFF  }
0xc0: {  	[dreg:$0x0] =	wrdreg $0xFFFFFFFF;
	(pc) =	sbr.abs _section_cstart, $3  }
0xc1: {  	[dreg:$0x1] =	wrdreg $0xFFFFFFFF  }
0xc2: {  	_ =	task.clear_ibuf [dreg:s7], $0x2FFFF;
	_ =	strace $0x9FFFFFFF  }
0xc3: {  	(tm) =	ssettm $0x7FFFFFFF  }
tec
execute0_lowered:
.L_overlay_start_1:
0x0: {  	(tag) =	ssettag $0x1  }
0x1: {  	s0 =	rddreg [dreg:$0x0]  }
0x2: {  	s3 =	rddreg [dreg:$0x1]  }
0x3: {  	s1 =	rddreg [dreg:$0x2];
	s2 =	simm.s32 $0x0  }
0x4: {  	s5 =	srdreg.scid;
	s13 =	stileid.u32;
	s14 =	simm.s32 $0xD  }
0x5: {  	s15 =	simm.s32 $0x50;
	s18 =	simm.s32 $0x10;
	s20 =	simm.s32 $0x11  }
0x6: {  	s22 =	simm.s32 $0x6;
	s30 =	simm.s32 $0xA230;
	s31 =	simm.s32 $0xA730  }
0x7: {  	s29 =	simm.s32 $0x8930;
	[smem:$0x7FF] =	sst s2;
	s4 =	sadd.s32 $0x15800, s0  }
0x8: {  	s6 =	sadd.s32 $0x1E00, s0;
	s5 =	sand.u32 $0x1, s5;
	s7 =	smul.u32 $0x2710, s13  }
0x9: {  	s0 =	sadd.s32 $0x1A800, s0;
	s10 =	sshll.u32 s13, $0x1;
	s11 =	smul.u32 $0x4E20, s13  }
0xa: {  	s25 =	sshll.u32 s13, $0x6;
	s13 =	simm.s32 $0xAC30;
	_ =	strace $0x8000004D  }
0xb: {  	[dreg:$0x4] =	wrdreg s0;
	s23 =	ssub.s32 $0x2, s5;
	s8 =	smul.u32 $0x27100, s5  }
0xc: {  	s24 =	sor.u32 s5, s10;
	s5 =	smul.u32 $0x2710, s5;
	s16 =	sor.u32 $0x1C01, s25  }
0xd: {  	s25 =	simm.s32 $0x9;
	s9 =	sshrl.u32 s23, $0x1;
	s12 =	sadd.s32 s7, s1  }
0xe: {  	[dreg:$0x5] =	wrdreg s16;
	s0 =	ssub.s32 s23, s9;
	s9 =	smul.u32 $0x2710, s24  }
0xf: {  	s7 =	sadd.s32 s7, s8;
	s5 =	sadd.s32 s5, s11;
	s17 =	sshrl.u32 s12, $0x3  }
0x10: {  	s12 =	simm.s32 $0x1;
	s23 =	simm.s32 $0x7A30;
	s11 =	simm.s32 $0x8  }
0x11: {  	s24 =	simm.s32 $0xA;
	s7 =	sshrl.u32 s7, $0x3;
	s5 =	sadd.s32 $0x4E200, s5  }
0x12: {  	s0 =	smax.u32 s0, $0x1;
	[dreg:$0x9] =	wrdreg s17;
	s26 =	sshrl.u32 s9, $0x3  }
.Ltmp0:
0x13: {  	s3 =	sadd.s32 s3, s7;
	s28 =	sshrl.u32 s5, $0x3;
	(pc) =	sbr.rel .LBB2_1-.Ltmp0, $4  }
0x14: {  	[dreg:$0x8] =	wrdreg s0;
	s0 =	simm.s32 $0xE;
	s5 =	simm.s32 $0xB  }
0x15: {  	s9 =	simm.s32 $0x0;
	s8 =	sadd.s32 s6, s26;
	[dreg:$0x7] =	wrdreg s3  }
0x16: {  	s10 =	sadd.s32 s28, s6;
	s3 =	simm.s32 $0xF;
	s6 =	simm.s32 $0x7  }
0x17: {  	s26 =	simm.s32 $0xC;
	[dreg:$0x6] =	wrdreg s8;
	s8 =	simm.s32 $0x7F30  }
.LBB2_18:
0x18: {  	s7 =	simm.s32 $0x4  }
0x19: {  	_ =	swait.ge [sflag:s7], $0x500  }
0x1a: {  	s17 =	sadd.s32 $0x2800, s19;
	[sflag:s7] =	ssyncset.done $0x0  }
0x1b: {  	s9 =	simm.s32 $0x8430;
	s21 =	simm.s32 $0x5;
	[sflag:s7] =	ssyncadd.s32 $0xFFFFFB00  }
0x1c: {  	[spmem:s1] =	stream.indirect.scatter.add.f32 [tilespmem:s9], [sflag:$0x10], $0x10, s17, s15, $0xb8;
	[tilespmem:$0xB130] =	vst v63  }
0x1d: {  	_ =	swait.ge [sflag:s21], $0x500  }
0x1e: {  	[sflag:s21] =	ssyncset.done $0x0  }
0x1f: {  	s23 =	sadd.s32 $0x2850, s19;
	s28 =	simm.s32 $0x8930;
	[sflag:s21] =	ssyncadd.s32 $0xFFFFFB00  }
0x20: {  	[spmem:s1] =	stream.indirect.scatter.add.f32 [tilespmem:s28], [sflag:$0x11], $0x10, s23, s15, $0xb8;
	[tilespmem:$0xB130] =	vst v63  }
0x21: {  	s8 =	simm.s32 $0x7F30;
	s23 =	simm.s32 $0x7A30  }
.LBB2_16:
0x22: {  	_ =	swait.ge [sflag:s14], $0x500  }
0x23: {  	[sflag:s14] =	ssyncset.done $0x0  }
0x24: {  	[sflag:s14] =	ssyncadd.s32 $0xFFFFFB00  }
0x25: {  	_ =	swait.ge [sflag:s0], $0x500  }
0x26: {  	[sflag:s0] =	ssyncset.done $0x0  }
0x27: {  	[sflag:s0] =	ssyncadd.s32 $0xFFFFFB00  }
0x28: {  	_ =	swait.ge [sflag:s3], $0x500  }
0x29: {  	[sflag:s3] =	ssyncset.done $0x0  }
0x2a: {  	[sflag:s3] =	ssyncadd.s32 $0xFFFFFB00  }
0x2b: {  	_ =	swait.ge [sflag:s18], $0x500  }
0x2c: {  	[sflag:s18] =	ssyncset.done $0x0  }
0x2d: {  	[sflag:s18] =	ssyncadd.s32 $0xFFFFFB00  }
0x2e: {  	_ =	swait.ge [sflag:s20], $0x500  }
0x2f: {  	[sflag:s20] =	ssyncset.done $0x0  }
0x30: {  	s7 =	simm.s32 $0x12;
	[sflag:s20] =	ssyncadd.s32 $0xFFFFFB00  }
0x31: {  	_ =	swait.ge [sflag:s7], $0x500  }
0x32: {  	[sflag:s7] =	ssyncset.done $0x0  }
0x33: {  	s21 =	simm.s32 $0x13;
	[sflag:s7] =	ssyncadd.s32 $0xFFFFFB00  }
0x34: {  	_ =	swait.ge [sflag:s21], $0x500  }
0x35: {  	[sflag:s21] =	ssyncset.done $0x0  }
0x36: {  	s28 =	simm.s32 $0x14;
	[sflag:s21] =	ssyncadd.s32 $0xFFFFFB00  }
0x37: {  	_ =	swait.ge [sflag:s28], $0x500  }
0x38: {  	[sflag:s28] =	ssyncset.done $0x0  }
0x39: {  	s9 =	simm.s32 $0x15;
	[sflag:s28] =	ssyncadd.s32 $0xFFFFFB00  }
0x3a: {  	_ =	swait.ge [sflag:s9], $0x500  }
0x3b: {  	[sflag:s9] =	ssyncset.done $0x0  }
0x3c: {  	s16 =	simm.s32 $0x16;
	[sflag:s9] =	ssyncadd.s32 $0xFFFFFB00  }
0x3d: {  	_ =	swait.ge [sflag:s16], $0x500  }
0x3e: {  	[sflag:s16] =	ssyncset.done $0x0  }
0x3f: {  	s17 =	simm.s32 $0x17;
	[sflag:s16] =	ssyncadd.s32 $0xFFFFFB00  }
0x40: {  	_ =	swait.ge [sflag:s17], $0x500  }
0x41: {  	[sflag:s17] =	ssyncset.done $0x0  }
0x42: {  	s19 =	simm.s32 $0x18;
	[sflag:s17] =	ssyncadd.s32 $0xFFFFFB00  }
0x43: {  	_ =	swait.ge [sflag:s19], $0x500  }
0x44: {  	[sflag:s19] =	ssyncset.done $0x0  }
0x45: {  	[sflag:s19] =	ssyncadd.s32 $0xFFFFFB00  }
0x46: {  	[bflag:$0x0] =	sbarrier.arrive $0xFFFF  }
0x47: {  	s16 =	rddreg [dreg:$0x5]  }
0x48: {  	s21 =	rddreg [dreg:$0x7]  }
0x49: {  	s17 =	rddreg [dreg:$0x9]  }
0x4a: {  	[hbm:s21], [sflag:s16] =	dma.local [spmem:s17], $0x4E2  }
0x4b: {  	_ =	swait.ge [sflag:s12], $0x4E2  }
0x4c: {  	s9 =	rddreg [dreg:$0xa]  }
0x4d: {  	s28 =	rddreg [dreg:$0x8];
	s9 =	sadd.s32 $0x1, s9  }
0x4e: {  	p0 =	sne.s32 s9, s28  }
.Ltmp1:
0x4f: {  	_ = 	snop;
	(pc) =	sbr.rel @!p0 .LBB2_17-.Ltmp1, $3  }
0x50: {  	_ =	sdelay $0x1  }
0x51: {  	[sflag:s12] =	ssyncset.done $0x0  }
0x52: {  	[sflag:s12] =	ssyncadd.s32 $0xFFFFFB1E  }
.LBB2_1:
0x53: {  	[dreg:$0xa] =	wrdreg s9  }
0x54: {  	s7 =	rddreg [dreg:$0x4];
	s28 =	sadd.s32 $0x0, s10;
	s19 =	simm.s32 $0x2760  }
0x55: {  	[spmem:s17], [sflag:s16] =	dma.local [hbm:s7], $0x4E2  }
0x56: {  	s16 =	simm.s32 $0x2710;
	s17 =	simm.s32 $0xA;
	s7 =	rddreg [dreg:$0x6]  }
0x57: {  	[tilespmem:s2], [sflag:$0x2] =	stream.linear.gather [hbm4b:s7+s2], $0x2710, $0x38;
	[tilespmem:$0xB130] =	vst v63  }
.LBB2_2:
0x58: {  	[tilespmem:s16], [sflag:$0xD] =	stream.linear.gather [hbm4b:s28+s2], $0x50, $0x38;
	[tilespmem:$0xB130] =	vst v63  }
0x59: {  	s28 =	smov.u32 s17;
	s16 =	smov.u32 s19;
	p0 =	sne.s32 s17, $0x4D8  }
.Ltmp2:
0x5a: {  	s17 =	sadd.s32 $0xA, s17;
	(pc) =	sbr.rel @p0 .LBB2_2-.Ltmp2, $2  }
0x5b: {  	_ =	sdelay $0x2  }
0x5c: {  	s19 =	sadd.s32 $0x50, s19;
	s28 =	sadd.s32 s28, s10  }
0x5d: {  	[tilespmem:s16], [sflag:$0xD] =	stream.linear.gather [hbm4b:s28+s2], $0x50, $0x38;
	[tilespmem:$0xB130] =	vst v63  }
0x5e: {  	_ =	swait.ge [sflag:s12], $0x4E2  }
0x5f: {  	[sflag:s12] =	ssyncset.done $0x0  }
0x60: {  	s7 =	simm.s32 $0x2;
	[sflag:s12] =	ssyncadd.s32 $0xFFFFFB1E  }
0x61: {  	_ =	swait.ge [sflag:s7], $0x2710  }
0x62: {  	[sflag:s7] =	ssyncset.done $0x0  }
0x63: {  	[sflag:s7] =	ssyncadd.s32 $0xFFFFD8F0  }
0x64: {  	_ =	swait.ge [sflag:s14], $0x50  }
0x65: {  	s16 =	simm.s32 $0x7C;
	[sflag:s14] =	ssyncset.done $0x0  }
.LBB2_4:
0x66: {  	p0 =	sne.s32 s16, $0x1;
	s16 =	sadd.s32 $0xFFFFFFFF, s16;
	[sflag:s14] =	ssyncadd.s32 $0xFFFFFFB0  }
.Ltmp3:
0x67: {  	(pc) =	sbr.rel @p0 .LBB2_4-.Ltmp3, $3  }
0x68: {  	_ =	sdelay $0x1  }
0x69: {  	_ =	swait.ge [sflag:s14], $0x50  }
0x6a: {  	[sflag:s14] =	ssyncset.done $0x0  }
0x6b: {  	[sflag:s14] =	ssyncadd.s32 $0xFFFFFFB0  }
0x6c: {  	s28 =	simm.s32 $0x0;
	s7 =	simm.s32 $0x7530;
	[bflag:$0x0] =	sbarrier.arrive $0xFFFF  }
0x6d: {  	[tilespmem:s7], [sflag:$0x1] =	stream.indirect.gather [hbm4b:s4+s15], $0x10, s28, s15, $0xb8;
	[tilespmem:$0xB130] =	vst v63  }
0x6e: {  	_ = 	snop  }
0x6f: {  	[tilespmem:s23], [sflag:$0x2] =	stream.indirect.gather [hbm4b:s4+s15], $0x10, s15, s15, $0xb8;
	[tilespmem:$0xB130] =	vst v63  }
0x70: {  	s21 =	simm.s32 $0xA0  }
0x71: {  	[tilespmem:s8], [sflag:$0x3] =	stream.indirect.gather [hbm4b:s4+s15], $0x10, s21, s15, $0xb8;
	[tilespmem:$0xB130] =	vst v63  }
0x72: {  	s9 =	simm.s32 $0x8430;
	s8 =	simm.s32 $0xF0  }
0x73: {  	[tilespmem:s9], [sflag:$0x4] =	stream.indirect.gather [hbm4b:s4+s15], $0x10, s8, s15, $0xb8;
	[tilespmem:$0xB130] =	vst v63  }
0x74: {  	s16 =	simm.s32 $0x140;
	s17 =	simm.s32 $0x8930;
	s19 =	simm.s32 $0x190  }
0x75: {  	[tilespmem:s17], [sflag:$0x5] =	stream.indirect.gather [hbm4b:s4+s15], $0x10, s16, s15, $0xb8;
	[tilespmem:$0xB130] =	vst v63  }
0x76: {  	s21 =	simm.s32 $0x8E30;
	s16 =	simm.s32 $0x3;
	s17 =	simm.s32 $0x0  }
0x77: {  	[tilespmem:s21], [sflag:$0x6] =	stream.indirect.gather [hbm4b:s4+s15], $0x10, s19, s15, $0xb8;
	[tilespmem:$0xB130] =	vst v63  }
.LBB2_6:
0x78: {  	p0 =	seq.s32 s28, $0x0  }
.Ltmp4:
0x79: {  	_ = 	snop;
	(pc) =	sbr.rel @p0 .LBB2_9-.Ltmp4, $1  }
0x7a: {  	_ =	sdelay $0x3  }
0x7b: {  	p1 =	seq.s32 s28, $0x9600  }
.Ltmp5:
0x7c: {  	_ = 	snop;
	(pc) =	sbr.rel @p1 .LBB2_10-.Ltmp5, $1  }
0x7d: {  	_ =	sdelay $0x3  }
0x7e: {  	s7 =	simm.s32 $0x13  }
0x7f: {  	_ =	swait.ge [sflag:s7], $0x500  }
0x80: {  	[sflag:s7] =	ssyncset.done $0x0  }
0x81: {  	[sflag:s7] =	ssyncadd.s32 $0xFFFFFB00  }
.LBB2_9:
0x82: {  	s19 =	sshra.s32 s28, $0x2  }
0x83: {  	s7 =	simm.s32 $0x9330;
	s19 =	sadd.s32 $0x1E0, s19  }
0x84: {  	[tilespmem:s7], [sflag:$0x7] =	stream.indirect.gather [hbm4b:s4+s15], $0x10, s19, s15, $0xb8;
	[tilespmem:$0xB130] =	vst v63  }
.LBB2_10:
.Ltmp6:
0x85: {  	(pc) =	sbr.rel @p0 .LBB2_13-.Ltmp6, $4  }
0x86: {  	_ =	swait.ge [sflag:s12], $0x500  }
0x87: {  	s19 =	sshra.s32 s28, $0x2;
	[sflag:s12] =	ssyncset.done $0x0  }
0x88: {  	s7 =	simm.s32 $0x7530;
	s21 =	sadd.s32 $0x2710, s19;
	[sflag:s12] =	ssyncadd.s32 $0xFFFFFB00  }
0x89: {  	[spmem:s1] =	stream.indirect.scatter.add.f32 [tilespmem:s7], [sflag:$0xD], $0x10, s21, s15, $0xb8;
	[tilespmem:$0xB130] =	vst v63  }
0x8a: {  	p1 =	seq.s32 s28, $0x9600  }
.Ltmp7:
0x8b: {  	_ = 	snop;
	(pc) =	sbr.rel @p1 .LBB2_14-.Ltmp7, $1  }
0x8c: {  	_ =	sdelay $0x3  }
0x8d: {  	s7 =	simm.s32 $0x14  }
0x8e: {  	_ =	swait.ge [sflag:s7], $0x500  }
0x8f: {  	[sflag:s7] =	ssyncset.done $0x0  }
0x90: {  	[sflag:s7] =	ssyncadd.s32 $0xFFFFFB00  }
.LBB2_13:
0x91: {  	s21 =	sadd.s32 $0x230, s19;
	s7 =	simm.s32 $0x9830  }
0x92: {  	[tilespmem:s7], [sflag:$0x8] =	stream.indirect.gather [hbm4b:s4+s15], $0x10, s21, s15, $0xb8;
	[tilespmem:$0xB130] =	vst v63  }
.LBB2_14:
0x93: {  	s7 =	simm.s32 $0x2  }
0x94: {  	_ =	swait.ge [sflag:s7], $0x500  }
0x95: {  	[sflag:s7] =	ssyncset.done $0x0  }
0x96: {  	s21 =	sadd.s32 $0x2760, s19;
	[sflag:s7] =	ssyncadd.s32 $0xFFFFFB00  }
0x97: {  	[spmem:s1] =	stream.indirect.scatter.add.f32 [tilespmem:s23], [sflag:$0xE], $0x10, s21, s15, $0xb8;
	[tilespmem:$0xB130] =	vst v63  }
0x98: {  	p1 =	seq.s32 s28, $0x9600;
	s21 =	sadd.s32 $0xFFFFFFFF, s16  }
0x99: {  	p2 =	slt.u32 @!p1 s21, $0x6  }
0x9a: {  	p2 =	por p2, p1  }
0x9b: {  	s21 =	simm.s32 @!p2 $0x15  }
0x9c: {  	_ =	swait.ge @!p2 [sflag:s21], $0x500  }
0x9d: {  	[sflag:s21] =	ssyncset.done @!p2 $0x0  }
0x9e: {  	[sflag:s21] =	ssyncadd.s32 @!p2 $0xFFFFFB00;
	s21 =	sshra.s32 @!p1 s28, $0x2  }
0x9f: {  	s7 =	simm.s32 @!p1 $0x9D30;
	s23 =	simm.s32 @!p1 $0x50;
	s21 =	sadd.s32 @!p1 $0x280, s21  }
0xa0: {  	[tilespmem:s7], [sflag:$0x9] =	stream.indirect.gather @!p1 [hbm4b:s4+s23], $0x10, s21, s23, $0xb8;
	[tilespmem:$0xB130] =	vst v63  }
.Ltmp8:
0xa1: {  	s9 =	simm.s32 $0x3;
	(pc) =	sbr.rel @p1 .LBB2_18-.Ltmp8, $4  }
0xa2: {  	_ =	swait.ge [sflag:s9], $0x500  }
0xa3: {  	s8 =	simm.s32 $0x7A30;
	[sflag:s9] =	ssyncset.done $0x0  }
0xa4: {  	s21 =	sadd.s32 $0x27B0, s19;
	s23 =	simm.s32 $0x7F30;
	[sflag:s9] =	ssyncadd.s32 $0xFFFFFB00  }
0xa5: {  	[spmem:s1] =	stream.indirect.scatter.add.f32 [tilespmem:s23], [sflag:$0xF], $0x10, s21, s15, $0xb8;
	[tilespmem:$0xB130] =	vst v63  }
0xa6: {  	p1 =	slt.u32 s16, $0x6  }
0xa7: {  	s7 =	simm.s32 @!p1 $0x16  }
0xa8: {  	_ =	swait.ge @!p1 [sflag:s7], $0x500  }
0xa9: {  	[sflag:s7] =	ssyncset.done @!p1 $0x0  }
0xaa: {  	s21 =	sadd.s32 $0x2D0, s19;
	s9 =	simm.s32 $0x4;
	[sflag:s7] =	ssyncadd.s32 @!p1 $0xFFFFFB00  }
0xab: {  	[tilespmem:s30], [sflag:$0xA] =	stream.indirect.gather [hbm4b:s4+s15], $0x10, s21, s15, $0xb8;
	[tilespmem:$0xB130] =	vst v63  }
0xac: {  	_ =	swait.ge [sflag:s9], $0x500  }
0xad: {  	s7 =	simm.s32 @!p0 $0x17;
	[sflag:s9] =	ssyncset.done $0x0  }
0xae: {  	s21 =	sadd.s32 $0x2800, s19;
	[sflag:s9] =	ssyncadd.s32 $0xFFFFFB00;
	s9 =	simm.s32 $0x8430  }
0xaf: {  	[spmem:s1] =	stream.indirect.scatter.add.f32 [tilespmem:s9], [sflag:$0x10], $0x10, s21, s15, $0xb8;
	[tilespmem:$0xB130] =	vst v63  }
0xb0: {  	_ =	swait.ge @!p0 [sflag:s7], $0x500  }
0xb1: {  	[sflag:s7] =	ssyncset.done @!p0 $0x0  }
0xb2: {  	s21 =	sadd.s32 $0x320, s19;
	[sflag:s7] =	ssyncadd.s32 @!p0 $0xFFFFFB00  }
0xb3: {  	[tilespmem:s31], [sflag:$0xB] =	stream.indirect.gather [hbm4b:s4+s15], $0x10, s21, s15, $0xb8;
	[tilespmem:$0xB130] =	vst v63  }
0xb4: {  	s21 =	simm.s32 $0x5  }
0xb5: {  	_ =	swait.ge [sflag:s21], $0x500  }
0xb6: {  	[sflag:s21] =	ssyncset.done $0x0  }
0xb7: {  	s7 =	simm.s32 @!p0 $0x18;
	[sflag:s21] =	ssyncadd.s32 $0xFFFFFB00;
	s21 =	sadd.s32 $0x2850, s19  }
0xb8: {  	[spmem:s1] =	stream.indirect.scatter.add.f32 [tilespmem:s29], [sflag:$0x11], $0x10, s21, s15, $0xb8;
	[tilespmem:$0xB130] =	vst v63  }
0xb9: {  	_ =	swait.ge @!p0 [sflag:s7], $0x500  }
0xba: {  	[sflag:s7] =	ssyncset.done @!p0 $0x0  }
0xbb: {  	s21 =	sadd.s32 $0x370, s19;
	[sflag:s7] =	ssyncadd.s32 @!p0 $0xFFFFFB00  }
0xbc: {  	[tilespmem:s13], [sflag:$0xC] =	stream.indirect.gather [hbm4b:s4+s15], $0x10, s21, s15, $0xb8;
	[tilespmem:$0xB130] =	vst v63  }
0xbd: {  	_ =	swait.ge [sflag:s22], $0x500  }
0xbe: {  	[sflag:s22] =	ssyncset.done $0x0  }
0xbf: {  	s7 =	sadd.s32 $0x28A0, s19;
	s21 =	simm.s32 $0x8E30;
	[sflag:s22] =	ssyncadd.s32 $0xFFFFFB00  }
0xc0: {  	[spmem:s1] =	stream.indirect.scatter.add.f32 [tilespmem:s21], [sflag:$0x12], $0x10, s7, s15, $0xb8;
	[tilespmem:$0xB130] =	vst v63  }
0xc1: {  	_ =	swait.ge [sflag:s14], $0x500  }
0xc2: {  	[sflag:s14] =	ssyncset.done $0x0  }
0xc3: {  	s7 =	sadd.s32 $0x3C0, s19;
	s21 =	simm.s32 $0x7530;
	[sflag:s14] =	ssyncadd.s32 $0xFFFFFB00  }
0xc4: {  	[tilespmem:s21], [sflag:$0x1] =	stream.indirect.gather [hbm4b:s4+s15], $0x10, s7, s15, $0xb8;
	[tilespmem:$0xB130] =	vst v63  }
0xc5: {  	_ =	swait.ge [sflag:s6], $0x500  }
0xc6: {  	[sflag:s6] =	ssyncset.done $0x0  }
0xc7: {  	s7 =	sadd.s32 $0x28F0, s19;
	s21 =	simm.s32 $0x9330;
	[sflag:s6] =	ssyncadd.s32 $0xFFFFFB00  }
0xc8: {  	[spmem:s1] =	stream.indirect.scatter.add.f32 [tilespmem:s21], [sflag:$0x13], $0x10, s7, s15, $0xb8;
	[tilespmem:$0xB130] =	vst v63  }
0xc9: {  	_ =	swait.ge [sflag:s0], $0x500  }
0xca: {  	[sflag:s0] =	ssyncset.done $0x0  }
0xcb: {  	s21 =	sadd.s32 $0x410, s19;
	[sflag:s0] =	ssyncadd.s32 $0xFFFFFB00  }
0xcc: {  	[tilespmem:s8], [sflag:$0x2] =	stream.indirect.gather [hbm4b:s4+s15], $0x10, s21, s15, $0xb8;
	[tilespmem:$0xB130] =	vst v63  }
0xcd: {  	_ =	swait.ge [sflag:s11], $0x500  }
0xce: {  	[sflag:s11] =	ssyncset.done $0x0  }
0xcf: {  	s8 =	sadd.s32 $0x2940, s19;
	s21 =	simm.s32 $0x9830;
	[sflag:s11] =	ssyncadd.s32 $0xFFFFFB00  }
0xd0: {  	[spmem:s1] =	stream.indirect.scatter.add.f32 [tilespmem:s21], [sflag:$0x14], $0x10, s8, s15, $0xb8;
	[tilespmem:$0xB130] =	vst v63  }
0xd1: {  	_ =	swait.ge [sflag:s3], $0x500  }
0xd2: {  	[sflag:s3] =	ssyncset.done $0x0  }
0xd3: {  	s21 =	sadd.s32 $0x460, s19;
	[sflag:s3] =	ssyncadd.s32 $0xFFFFFB00  }
0xd4: {  	[tilespmem:s23], [sflag:$0x3] =	stream.indirect.gather [hbm4b:s4+s15], $0x10, s21, s15, $0xb8;
	[tilespmem:$0xB130] =	vst v63  }
0xd5: {  	_ =	swait.ge [sflag:s25], $0x500  }
0xd6: {  	[sflag:s25] =	ssyncset.done $0x0  }
0xd7: {  	s21 =	sadd.s32 $0x2990, s19;
	s23 =	simm.s32 $0x9D30;
	[sflag:s25] =	ssyncadd.s32 $0xFFFFFB00  }
0xd8: {  	[spmem:s1] =	stream.indirect.scatter.add.f32 [tilespmem:s23], [sflag:$0x15], $0x10, s21, s15, $0xb8;
	[tilespmem:$0xB130] =	vst v63  }
0xd9: {  	_ =	swait.ge [sflag:s18], $0x500  }
0xda: {  	[sflag:s18] =	ssyncset.done $0x0  }
0xdb: {  	s21 =	sadd.s32 $0x4B0, s19;
	[sflag:s18] =	ssyncadd.s32 $0xFFFFFB00  }
0xdc: {  	[tilespmem:s9], [sflag:$0x4] =	stream.indirect.gather [hbm4b:s4+s15], $0x10, s21, s15, $0xb8;
	[tilespmem:$0xB130] =	vst v63  }
0xdd: {  	_ =	swait.ge [sflag:s24], $0x500  }
0xde: {  	[sflag:s24] =	ssyncset.done $0x0  }
0xdf: {  	s23 =	sadd.s32 $0x29E0, s19;
	[sflag:s24] =	ssyncadd.s32 $0xFFFFFB00  }
0xe0: {  	[spmem:s1] =	stream.indirect.scatter.add.f32 [tilespmem:s30], [sflag:$0x16], $0x10, s23, s15, $0xb8;
	[tilespmem:$0xB130] =	vst v63  }
0xe1: {  	_ =	swait.ge [sflag:s20], $0x500  }
0xe2: {  	[sflag:s20] =	ssyncset.done $0x0  }
0xe3: {  	s9 =	sadd.s32 $0x500, s19;
	[sflag:s20] =	ssyncadd.s32 $0xFFFFFB00  }
0xe4: {  	[tilespmem:s29], [sflag:$0x5] =	stream.indirect.gather [hbm4b:s4+s15], $0x10, s9, s15, $0xb8;
	[tilespmem:$0xB130] =	vst v63  }
0xe5: {  	_ =	swait.ge [sflag:s5], $0x500  }
0xe6: {  	p0 =	sgt.u32 s17, $0x8;
	[sflag:s5] =	ssyncset.done $0x0  }
0xe7: {  	s7 =	simm.s32 @!p0 $0x12;
	s21 =	sadd.s32 $0x2A30, s19;
	[sflag:s5] =	ssyncadd.s32 $0xFFFFFB00  }
0xe8: {  	[spmem:s1] =	stream.indirect.scatter.add.f32 [tilespmem:s31], [sflag:$0x17], $0x10, s21, s15, $0xb8;
	[tilespmem:$0xB130] =	vst v63  }
0xe9: {  	_ =	swait.ge @!p0 [sflag:s7], $0x500  }
0xea: {  	[sflag:s7] =	ssyncset.done @!p0 $0x0  }
0xeb: {  	s23 =	simm.s32 @!p0 $0x8E30;
	[sflag:s7] =	ssyncadd.s32 @!p0 $0xFFFFFB00;
	s7 =	sshra.s32 @!p0 s28, $0x2  }
0xec: {  	s21 =	simm.s32 @!p0 $0x50;
	s28 =	sadd.s32 $0xF00, s28;
	s7 =	sadd.s32 @!p0 $0x550, s7  }
0xed: {  	[tilespmem:s23], [sflag:$0x6] =	stream.indirect.gather @!p0 [hbm4b:s4+s21], $0x10, s7, s21, $0xb8;
	[tilespmem:$0xB130] =	vst v63  }
0xee: {  	p0 =	sne.s32 s28, $0xA500  }
.Ltmp9:
0xef: {  	_ =	swait.ge [sflag:s26], $0x500;
	(pc) =	sbr.rel @p0 .LBB2_6-.Ltmp9, $4  }
.Ltmp10:
0xf0: {  	[sflag:s26] =	ssyncset.done $0x0;
	(pc) =	sbr.rel @!p0 .LBB2_16-.Ltmp10, $4  }
0xf1: {  	s16 =	sadd.s32 $0xC, s16;
	s23 =	sadd.s32 $0x2A80, s19;
	[sflag:s26] =	ssyncadd.s32 $0xFFFFFB00  }
0xf2: {  	[spmem:s1] =	stream.indirect.scatter.add.f32 [tilespmem:s13], [sflag:$0x18], $0x10, s23, s15, $0xb8;
	[tilespmem:$0xB130] =	vst v63  }
0xf3: {  	s17 =	sadd.s32 $0x1, s17;
	s8 =	simm.s32 $0x7F30;
	s23 =	simm.s32 $0x7A30  }
0xf4: {  	_ = 	snop  }
.LBB2_17:
0xf5: {  	_ =	sfence.sel $0x180000  }
0xf6: {  	[bflag:$0x0] =	sbarrier.arrive $0xFFFF  }
0xf7: {  	_ =	strace $0x9000004D  }
0xf8: {  	s0 =	stileid.u32;
	[bflag:$0x2] =	sbarrier.arrive $0xFFFF  }
0xf9: {  	p0 =	sne.s32 s0, $0x0;
	s0 =	rddreg [dreg:$0x3]  }
0xfa: {  	s0 =	sadd.s32 @!p0 $0x100000, s0  }
0xfb: {  	[sflag:s0] =	ssyncadd.tile.s32 @!p0 $0x1;
	_ =	shalt  }
.Lfunc_end2:
_tile_overlayer_lowered:
.L_overlay_start_2:
0xfc: {  	(tag) =	ssettag $0x2  }
0xfd: {  	s0 =	rddreg [dreg:$0x0];
	s2 =	stileid.u32  }
0xfe: {  	s1 =	rddreg [dreg:$0x1];
	p0 =	sne.s32 s2, $0x0  }
0xff: {  	s3 =	rddreg [dreg:$0x2];
	[bflag:$0x3] =	sbarrier.arrive $0xFFFF;
	s2 =	simm.s32 @!p0 $0x1C19  }
0x100: {  	[timem:s3], [sflag:s2] =	dma.local @!p0 [hbm:s0], s1  }
0x101: {  	s0 =	simm.s32 @!p0 $0x19  }
0x102: {  	_ =	swait.ge @!p0 [sflag:s0], s1  }
0x103: {  	s1 =	ssub.s32 @!p0 $0x0, s1;
	[sflag:s0] =	ssyncset.done @!p0 $0x0  }
0x104: {  	[sflag:s0] =	ssyncadd.s32 @!p0 s1  }
0x105: {  	[bflag:$0x3] =	sbarrier.arrive $0xFFFF  }
0x106: {  	_ =	shalt  }

// kernel: kernel.8.cloned.1.call-start
scs
__scs_entry_jumppad:
0x0: {  	(pc) =	sbr.rel $0x88, $3  }
0x1: {  	(tag) =	ssettag $0x0;
	lr =	simm.s32 $0x1  }
0x2: {  	[smem:$0x3F9B] =	sst lr;
	_ =	strace $0xD0000000  }
0x3: {  	_ = 	snop  }
0x4: {  	_ = 	snop  }
0x5: {  	_ = 	snop  }
0x6: {  	_ = 	snop  }
0x7: {  	_ = 	snop  }
__scs_overlays_trampoline_lowered:
0x8: {  	[smem:$0x3FAA] =	sst s0  }
0x9: {  	[smem:$0x3FAB] =	sst s1  }
0xa: {  	[smem:$0x3FAC] =	sst s2  }
0xb: {  	[smem:$0x3FAD] =	sst s3  }
0xc: {  	[smem:$0x3FAE] =	sst s4  }
0xd: {  	[smem:$0x3FAF] =	sst s5  }
0xe: {  	[smem:$0x3FB0] =	sst s6  }
0xf: {  	[smem:$0x3FB1] =	sst s7  }
0x10: {  	[smem:$0x3FB2] =	sst s8  }
0x11: {  	[smem:$0x3FB3] =	sst s9;
	s0 =	simm.s32 @!p0 $0x0  }
0x12: {  	s1 =	sld [smem:$0x3F99];
	s0 =	simm.s32 @p0 $0x1  }
0x13: {  	[smem:$0x3FB4] =	sst s0;
	s0 =	simm.s32 @!p1 $0x0  }
0x14: {  	s2 =	sld [smem:$0x3F98];
	s0 =	simm.s32 @p1 $0x1  }
0x15: {  	[smem:$0x3FB5] =	sst s0;
	s0 =	simm.s32 @!p2 $0x0  }
0x16: {  	s3 =	sld [smem:$0x3FDB];
	s0 =	simm.s32 @p2 $0x1  }
0x17: {  	s4 =	simm.s32 $0x1BF5;
	[smem:$0x3FB7] =	sst s0  }
0x18: {  	s0 =	sld [smem:$0x3F9A];
	_ =	swait.ge [sflag:s4], $0x0  }
0x19: {  	s7 =	sld [smem:$0x3F9B]  }
0x1a: {  	s8 =	sadd.s32 $0xFFFFE003, lr  }
0x1b: {  	s9 =	sadd.s32 $0xFFFFFEF7, lr;
	s5 =	simm.s32 $0xFFFFFFFF;
	p2 =	slt.u32 s8, $0xFFFFF086  }
0x1c: {  	p1 =	slt.u32 s9, $0xF7A;
	s5 =	simm.s32 @!p2 $0x0  }
0x1d: {  	s5 =	simm.s32 @p1 $0x1;
	p0 =	seq.s32 s7, s2  }
0x1e: {  	s7 =	smul.u32 @!p0 $0xF7A, s2;
	p2 =	seq.s32 @!p0 s5, $0x0  }
0x1f: {  	s9 =	smul.u32 $0xF7A, s1;
	s8 =	simm.s32 @!p0 $0x1BF5;
	p2 =	por !p2, p0  }
0x20: {  	[sflag:s8] =	ssyncset.s32 @!p0 $0xFFFFF086;
	s6 =	sadd.s32 @!p0 s3, s7;
	s7 =	simm.s32 @!p0 $0x108  }
0x21: {  	s3 =	sadd.s32 s3, s9;
	s6 =	sadd.s32 @!p0 $0x88, s6;
	s7 =	simm.s32 @p2 $0x1082  }
0x22: {  	[simem:s7], [sflag:s8] =	dma.local @!p0 [hbm:s6], $0xF7A  }
0x23: {  	s9 =	sor.u32 $0xD0000000, s2;
	s6 =	simm.s32 $0x108;
	_ =	swait.ge @!p0 [sflag:s8], $0x0  }
0x24: {  	s3 =	sadd.s32 $0x88, s3;
	s6 =	simm.s32 @!p1 $0x1082;
	[sflag:s4] =	ssyncset.s32 $0xFFFFF086  }
0x25: {  	[simem:s6], [sflag:s4] =	dma.local [hbm:s3], $0xF7A  }
0x26: {  	[smem:$0x3F9B] =	sst s1;
	(tag) =	ssettag s2;
	_ =	strace s9  }
0x27: {  	s1 =	sld [smem:$0x3FAB]  }
0x28: {  	s2 =	sld [smem:$0x3FAC]  }
0x29: {  	s4 =	sld [smem:$0x3FAE]  }
0x2a: {  	p0 =	seq.s32 s5, $0x0;
	s5 =	sld [smem:$0x3FAF]  }
0x2b: {  	s6 =	sld [smem:$0x3FB0]  }
0x2c: {  	s7 =	sld [smem:$0x3FB1]  }
0x2d: {  	s3 =	simm.s32 $0x108;
	s8 =	sld [smem:$0x3FB2]  }
0x2e: {  	s3 =	simm.s32 @!p0 $0x1082;
	s9 =	sld [smem:$0x3FB3]  }
0x2f: {  	lr =	sadd.s32 s0, s3;
	s0 =	sld [smem:$0x3FAA]  }
0x30: {  	s3 =	sld [smem:$0x3FAD]  }
0x31: {  	[smem:$0x3FB6] =	sst s10  }
0x32: {  	s10 =	sld [smem:$0x3FB4];
	_ =	sdelay $0x3  }
0x33: {  	p0 =	seq.s32 s10, $0x1;
	s10 =	sld [smem:$0x3FB6];
	_ =	sdelay $0x3  }
0x34: {  	[smem:$0x3FB6] =	sst s10  }
0x35: {  	s10 =	sld [smem:$0x3FB5];
	_ =	sdelay $0x3  }
0x36: {  	p1 =	seq.s32 s10, $0x1;
	s10 =	sld [smem:$0x3FB6];
	_ =	sdelay $0x3  }
0x37: {  	[smem:$0x3FB6] =	sst s10  }
0x38: {  	s10 =	sld [smem:$0x3FB7]  }
0x39: {  	_ = 	snop;
	(pc) =	sbr.ind lr, $3  }
0x3a: {  	_ = 	snop  }
0x3b: {  	_ = 	snop  }
0x3c: {  	p2 =	seq.s32 s10, $0x1;
	s10 =	sld [smem:$0x3FB6]  }
0x3d: {  	_ =	shalt  }
0x3e: {  	_ =	shalt  }
0x3f: {  	_ =	shalt  }
0x40: {  	_ =	shalt  }
0x41: {  	_ =	shalt  }
0x42: {  	_ =	shalt  }
0x43: {  	_ =	shalt  }
0x44: {  	_ =	shalt  }
0x45: {  	_ =	shalt  }
0x46: {  	_ =	shalt  }
0x47: {  	_ =	shalt  }
0x48: {  	_ =	shalt  }
0x49: {  	_ =	shalt  }
0x4a: {  	_ =	shalt  }
0x4b: {  	_ =	shalt  }
0x4c: {  	_ =	shalt  }
0x4d: {  	_ =	shalt  }
0x4e: {  	_ =	shalt  }
0x4f: {  	_ =	shalt  }
0x50: {  	_ =	shalt  }
0x51: {  	_ =	shalt  }
0x52: {  	_ =	shalt  }
0x53: {  	_ =	shalt  }
0x54: {  	_ =	shalt  }
0x55: {  	_ =	shalt  }
0x56: {  	_ =	shalt  }
0x57: {  	_ =	shalt  }
0x58: {  	_ =	shalt  }
0x59: {  	_ =	shalt  }
0x5a: {  	_ =	shalt  }
0x5b: {  	_ =	shalt  }
0x5c: {  	_ =	shalt  }
0x5d: {  	_ =	shalt  }
0x5e: {  	_ =	shalt  }
0x5f: {  	_ =	shalt  }
0x60: {  	_ =	shalt  }
0x61: {  	_ =	shalt  }
0x62: {  	_ =	shalt  }
0x63: {  	_ =	shalt  }
0x64: {  	_ =	shalt  }
0x65: {  	_ =	shalt  }
0x66: {  	_ =	shalt  }
0x67: {  	_ =	shalt  }
0x68: {  	_ =	shalt  }
0x69: {  	_ =	shalt  }
0x6a: {  	_ =	shalt  }
0x6b: {  	_ =	shalt  }
0x6c: {  	_ =	shalt  }
0x6d: {  	_ =	shalt  }
0x6e: {  	_ =	shalt  }
0x6f: {  	_ =	shalt  }
0x70: {  	_ =	shalt  }
0x71: {  	_ =	shalt  }
0x72: {  	_ =	shalt  }
0x73: {  	_ =	shalt  }
0x74: {  	_ =	shalt  }
0x75: {  	_ =	shalt  }
0x76: {  	_ =	shalt  }
0x77: {  	_ =	shalt  }
0x78: {  	_ =	shalt  }
0x79: {  	_ =	shalt  }
0x7a: {  	_ =	shalt  }
0x7b: {  	_ =	shalt  }
0x7c: {  	_ =	shalt  }
0x7d: {  	_ =	shalt  }
0x7e: {  	_ =	shalt  }
0x7f: {  	_ =	shalt  }
0x80: {  	_ =	shalt  }
0x81: {  	_ =	shalt  }
0x82: {  	_ =	shalt  }
0x83: {  	_ =	shalt  }
0x84: {  	_ =	shalt  }
0x85: {  	_ =	shalt  }
0x86: {  	_ =	shalt  }
0x87: {  	_ =	shalt  }
.Lfunc_end0:
.L_simem_size_0:
called_computation_lowered:
.L_overlay_start_0:
0x88: {  	s2 =	sld [smem:$0x3FD9]  }
0x89: {  	s3 =	sld [smem:$0x3FFE];
	_ =	sdelay $0x1  }
0x8a: {  	s1 =	srdreg.scid  }
0x8b: {  	s0 =	sand.u32 $0x1, s1  }
0x8c: {  	s17 =	sshll.u32 s0, $0xA;
	s2 =	sadd.s32 s3, s2  }
0x8d: {  	s2 =	sadd.s32 s2, s17  }
0x8e: {  	[smem:$0x3FC2] =	sst s2  }
0x8f: {  	_ = 	snop  }
0x90: {  	s2 =	sld [smem:$0x3FD0];
	(tm) =	ssettm $0x1  }
0x91: {  	s18 =	sld [smem:$0x3FFB];
	_ =	sdelay $0x3  }
0x92: {  	_ =	strace s18  }
0x93: {  	s3 =	sld [smem:$0x3FFC];
	_ =	sdelay $0x3  }
0x94: {  	_ =	strace s3  }
0x95: {  	s3 =	sld [smem:$0x3FFD];
	_ =	sdelay $0x3  }
0x96: {  	_ =	strace s3  }
0x97: {  	_ =	strace $0x8FFFFFFF  }
0x98: {  	s19 =	sld [smem:$0x3FDB];
	_ =	sdelay $0x1  }
0x99: {  	s4 =	simm.s32 $_scs_section_size  }
0x9a: {  	s5 =	simm.s32 $_size__tile_overlayer_lowered;
	s6 =	simm.s32 $_tile_overlayer_lowered  }
0x9b: {  	s22 =	simm.s32 $0x1BFF;
	s21 =	sshll.u32 s6, $0x1;
	s3 =	sadd.s32 s4, s19  }
0x9c: {  	s7 =	simm.s32 $0x0;
	s20 =	sshll.u32 s5, $0x1;
	s5 =	sadd.s32 s21, s3  }
0x9d: {  	[timem:s7], [sflag:s22] =	dma.local [hbm:s5], s20  }
0x9e: {  	_ =	swait.ge [sflag:s22], s20  }
0x9f: {  	s4 =	ssub.s32 $0x0, s20;
	[sflag:s22] =	ssyncset.done $0x0  }
0xa0: {  	[sflag:s22] =	ssyncadd.s32 s4;
	_ =	sdelay $0x1  }
0xa1: {  	s23 =	simm.s32 $0x1B8B  }
0xa2: {  	_ =	swait.ge [sflag:s23], $0x1  }
0xa3: {  	[sflag:s23] =	ssyncset.done $0x0  }
0xa4: {  	s25 =	simm.s32 $0x1B8E;
	s24 =	sld [smem:$0x3FFE];
	[sflag:s23] =	ssyncadd.s32 $0xFFFFFFFF  }
0xa5: {  	s26 =	simm.s32 $execute0_lowered;
	[smem:$0x3FD2] =	sst s25  }
0xa6: {  	s5 =	sshll.u32 s26, $0x1;
	_ =	strace $0x80000046;
	[dreg:$0x1] =	wrdreg $0xFFFFFFFF  }
0xa7: {  	s28 =	simm.s32 $_size_execute0_lowered;
	s3 =	sadd.s32 s3, s5;
	[dreg:$0x0] =	wrdreg $0x0  }
0xa8: {  	s5 =	sshll.u32 s28, $0x1;
	[dreg:$0x2] =	wrdreg s3  }
0xa9: {  	[dreg:$0x3] =	wrdreg s5  }
0xaa: {  	[dreg:$0x4] =	wrdreg $0xC0  }
0xab: {  	_ =	task [dreg:s7], $0x5FFFF  }
0xac: {  	[dreg:$0x1] =	wrdreg $0xFFFFFFFF  }
0xad: {  	[dreg:$0x0] =	wrdreg $0x60  }
0xae: {  	[dreg:$0x2] =	wrdreg s24  }
0xaf: {  	[dreg:$0x3] =	wrdreg s2  }
0xb0: {  	[dreg:$0x4] =	wrdreg $0x9  }
0xb1: {  	_ =	task.clear_ibuf [dreg:s7], $0x5FFFF;
	_ =	strace $0x90000046  }
0xb2: {  	s29 =	simm.s32 $0x9;
	_ =	strace $0x80000048  }
0xb3: {  	_ =	swait.ge [sflag:s29], $0x1  }
0xb4: {  	[sflag:s29] =	ssyncadd.s32 $0xFFFFFFFF  }
0xb5: {  	_ =	strace $0x90000048  }
0xb6: {  	_ =	sfence  }
0xb7: {  	s30 =	sld [smem:$0x0];
	_ =	sdelay $0x2  }
0xb8: {  	s31 =	sshll.u32 s1, $0xD;
	s1 =	sshrl.u32 s1, $0x2  }
0xb9: {  	s3 =	sand.u32 $0x4000, s31;
	s1 =	sadd.s32 s1, s30  }
0xba: {  	s0 =	sor.u32 s3, s0;
	s1 =	sshll.u32 s1, $0x11  }
0xbb: {  	s0 =	sor.u32 s1, s0  }
0xbc: {  	s0 =	sadd.s32 $0x8F2B, s0  }
0xbd: {  	[sflag:s0] =	ssyncadd.remote.s32 $0x1  }
0xbe: {  	_ =	sfence.sel $0xFFFF  }
0xbf: {  	[dreg:$0x0] =	wrdreg $0xFFFFFFFF;
	(pc) =	sbr.abs _section_cstart, $3  }
0xc0: {  	[dreg:$0x1] =	wrdreg $0xFFFFFFFF  }
0xc1: {  	_ =	task.clear_ibuf [dreg:s7], $0x2FFFF;
	_ =	strace $0x9FFFFFFF  }
0xc2: {  	(tm) =	ssettm $0x7FFFFFFF  }
0xc3: {  	_ =	shalt  }
tec
execute0_lowered:
.L_overlay_start_1:
0x0: {  	(tag) =	ssettag $0x1  }
0x1: {  	s1 =	srdreg.scid;
	s0 =	stileid.u32  }
0x2: {  	s4 =	rddreg [dreg:$0x0];
	s3 =	sand.u32 $0x1, s1;
	s30 =	sshll.u32 s0, $0x1  }
0x3: {  	s5 =	rddreg [dreg:$0x1];
	s2 =	simm.s32 $0x0;
	s1 =	sor.u32 s3, s30  }
0x4: {  	[smem:$0x7FF] =	sst s2;
	s3 =	ssub.s32 $0x2, s3;
	s6 =	smul.u32 $0x2710, s1  }
0x5: {  	s8 =	simm.s32 $0x0;
	s1 =	rddreg [dreg:$0x2];
	s7 =	sshrl.u32 s3, $0x1  }
0x6: {  	_ =	strace $0x80000047;
	s7 =	ssub.s32 s3, s7;
	s6 =	sshrl.u32 s6, $0x3  }
0x7: {  	s31 =	sadd.s32 s4, s6;
	s4 =	sadd.s32 s5, s6;
	s5 =	smax.u32 s7, $0x1  }
0x8: {  	v0 =	vimm.f32 $0.0e+00;
	v1 =	vimm.f32 $1.000000000e+00;
	s6 =	simm.s32 $0x1;
	s7 =	simm.s32 $0x2710;
	s3 =	sadd.s32 $0xBA40, s31  }
.LBB2_1:
0x9: {  	s9 =	simm.s32 $0x40;
	s10 =	simm.s32 $0x0  }
.LBB2_2:
0xa: {  	p0 =	sne.s32 s9, $0x9C00;
	[tilespmem:s10+$0x2710] =	vst v0;
	s10 =	smov.u32 s9;
	s9 =	sadd.s32 $0x40, s9  }
.Ltmp0:
0xb: {  	(pc) =	sbr.rel @p0 .LBB2_2-.Ltmp0, $2  }
0xc: {  	_ =	sdelay $0x2  }
0xd: {  	s10 =	sshra.s32 s10, $0x2  }
0xe: {  	[tilespmem:s10+$0x2710] =	vst v0;
	s9 =	simm.s32 $0x0  }
0xf: {  	[tilespmem:s9], [sflag:$0x1] =	stream.linear.gather [hbm4b:s3+s9], $0x2710, $0x38;
	[tilespmem:$0x4E20] =	vst v63  }
0x10: {  	_ =	swait.ge [sflag:s6], $0x2710  }
0x11: {  	[sflag:s6] =	ssyncset.done $0x0  }
0x12: {  	s10 =	simm.s32 $0x0;
	s9 =	simm.s32 $0x40;
	[sflag:s6] =	ssyncadd.s32 $0xFFFFD8F0  }
.LBB2_4:
0x13: {  	p0 =	sne.s32 s9, $0x9C00;
	v2 =	vld [tilespmem:s10+$0x0];
	_ =	sdelay $0x3  }
.Ltmp1:
0x14: {  	(pc) =	sbr.rel @p0 .LBB2_4-.Ltmp1, $2  }
0x15: {  	_ =	sdelay $0x2  }
0x16: {  	s10 =	sshra.s32 s9, $0x2;
	s9 =	sadd.s32 $0x40, s9;
	[tilespmem:v2+s7+$0x0] =	vst.idx.add.f32.msk $0xffff, v1  }
0x17: {  	v2 =	vld [tilespmem:s10+$0x0];
	_ =	sdelay $0x5  }
0x18: {  	s8 =	sadd.s32 $0x1, s8  }
0x19: {  	p0 =	sne.s32 s8, s5  }
.Ltmp2:
0x1a: {  	[tilespmem:v2+s7+$0x0] =	vst.idx.add.f32.msk $0xffff, v1;
	(pc) =	sbr.rel @p0 .LBB2_1-.Ltmp2, $4  }
0x1b: {  	[hbm4b:s4+s2] =	stream.linear.scatter [tilespmem:s7], [sflag:$0x1], $0x2710, $0x38;
	[tilespmem:$0x4E20] =	vst v63  }
0x1c: {  	_ =	swait.ge [sflag:s6], $0x2710  }
0x1d: {  	[sflag:s6] =	ssyncset.done $0x0  }
0x1e: {  	[sflag:s6] =	ssyncadd.s32 $0xFFFFD8F0  }
0x1f: {  	_ =	sfence.sel $0x180000  }
0x20: {  	[bflag:$0x0] =	sbarrier.arrive $0xFFFF  }
0x21: {  	p0 =	sne.s32 s0, $0x0;
	_ =	strace $0x90000047  }
0x22: {  	s0 =	sadd.s32 @!p0 $0x100000, s1;
	[bflag:$0x2] =	sbarrier.arrive $0xFFFF  }
0x23: {  	[sflag:s0] =	ssyncadd.tile.s32 @!p0 $0x1;
	_ =	shalt  }
.Lfunc_end2:
_tile_overlayer_lowered:
.L_overlay_start_2:
0x24: {  	(tag) =	ssettag $0x2  }
0x25: {  	s0 =	rddreg [dreg:$0x0];
	s2 =	stileid.u32  }
0x26: {  	s1 =	rddreg [dreg:$0x1];
	p0 =	sne.s32 s2, $0x0  }
0x27: {  	s3 =	rddreg [dreg:$0x2];
	[bflag:$0x3] =	sbarrier.arrive $0xFFFF;
	s2 =	simm.s32 @!p0 $0x1C02  }
0x28: {  	[timem:s3], [sflag:s2] =	dma.local @!p0 [hbm:s0], s1  }
0x29: {  	s0 =	simm.s32 @!p0 $0x2  }
0x2a: {  	_ =	swait.ge @!p0 [sflag:s0], s1  }
0x2b: {  	s1 =	ssub.s32 @!p0 $0x0, s1;
	[sflag:s0] =	ssyncset.done @!p0 $0x0  }
0x2c: {  	[sflag:s0] =	ssyncadd.s32 @!p0 s1  }
0x2d: {  	[bflag:$0x3] =	sbarrier.arrive $0xFFFF  }
0x2e: {  	_ =	shalt  }

</sc_bundles>
